<compile_context>
chip_gen: v7x
topology: tpu7x:2x2x1
jax: 0.10.2.dev20260603
libtpu: 0.0.44.dev20260713+nightly
codegen_flags: <defaults>
</compile_context>

<pallas_src>
import jax
import jax.numpy as jnp
from jax import lax
from jax.experimental import pallas as pl
from jax.experimental.pallas import tpu as pltpu
from jax.experimental.pallas import tpu_sc as plsc

_R, _N = 128, 32768
_SC_ROWS = 64
_TC_ROWS = _R - _SC_ROWS
_L = 16
_NCH = _N // _L
_NW = 32
_NB = 256
_LEVELS = 2
_TC_BR = 8
_TC_ITERS = 12


def _sc_body(in_hbm, out_hbm, bufs, hcnt, hsum, sem_in, sem_out):
    rpw = _SC_ROWS // _NW
    cid = lax.axis_index("c")
    sid = lax.axis_index("s")
    wid = sid * 2 + cid
    lanes = lax.iota(jnp.int32, _L)
    zeros = jnp.zeros((_L,), jnp.float32)
    ones = jnp.ones((_L,), jnp.float32)

    copies_in = []
    for r in range(rpw):
        copies_in.append(
            pltpu.async_copy(in_hbm.at[wid * rpw + r], bufs.at[pl.ds(r * _N, _N)], sem_in))
    copy_out = None
    for r in range(rpw):
        row = wid * rpw + r
        buf = bufs.at[pl.ds(r * _N, _N)]
        copies_in[r].wait()

        @plsc.parallel_loop(0, _NCH, carry=jnp.full((_L,), -jnp.inf, jnp.float32), unroll=8)
        def _mx(i, acc):
            return jnp.maximum(acc, buf[pl.ds(i * _L, _L)])

        m = jnp.max(_mx)
        lo = m - 1.0
        hi = m
        cc_star = jnp.float32(1.0)
        ss_star = jnp.float32(0.0)

        for lev in range(_LEVELS):
            inv_bw = jnp.float32(2.0 ** (8 + 6 * lev))
            bw = jnp.float32(2.0 ** -(8 + 6 * lev))

            @plsc.parallel_loop(0, _NB, unroll=4)
            def _zero(b):
                hcnt[pl.ds(b * _L, _L)] = zeros
                hsum[pl.ds(b * _L, _L)] = zeros

            if lev == 0:
                @plsc.parallel_loop(0, _NCH, unroll=8)
                def _hist0(i):
                    v = buf[pl.ds(i * _L, _L)]
                    b = jnp.minimum((hi - v) * inv_bw, _NB - 1.0).astype(jnp.int32)
                    addr = b * _L + lanes
                    plsc.addupdate_scatter(hcnt, [addr], ones)
                    plsc.addupdate_scatter(hsum, [addr], v)

                c_top = jnp.float32(0.0)
                s_top = jnp.float32(0.0)
            else:
                @plsc.parallel_loop(0, _NCH, carry=(zeros, zeros), unroll=4)
                def _hist(i, carry):
                    ca, sa = carry
                    v = buf[pl.ds(i * _L, _L)]
                    b = jnp.clip((hi - v) * inv_bw, 0.0, _NB - 1.0).astype(jnp.int32)
                    addr = b * _L + lanes
                    mask = (v <= hi) & (v >= lo)
                    plsc.addupdate_scatter(hcnt, [addr], ones, mask=mask)
                    plsc.addupdate_scatter(hsum, [addr], v, mask=mask)
                    above = v > hi
                    return (ca + jnp.where(above, 1.0, 0.0),
                            sa + jnp.where(above, v, 0.0))

                ca, sa = _hist
                c_top = jnp.sum(ca)
                s_top = jnp.sum(sa)

            @plsc.parallel_loop(
                0, _NB, unroll=4,
                carry=(jnp.zeros((), jnp.float32), jnp.zeros((), jnp.float32),
                       jnp.full((), _NB - 1, jnp.int32),
                       jnp.zeros((), jnp.bool_),
                       jnp.ones((), jnp.float32), jnp.zeros((), jnp.float32)))
            def _scan(b, carry):
                cc, ss, bstar, found, ccs, sss = carry
                cc = cc + jnp.sum(hcnt[pl.ds(b * _L, _L)])
                ss = ss + jnp.sum(hsum[pl.ds(b * _L, _L)])
                t_edge = hi - (b + 1).astype(jnp.float32) * bw
                f = (s_top + ss) - (c_top + cc) * t_edge - 1.0
                hit = (f >= 0.0) & jnp.logical_not(found)
                bstar = jnp.where(hit, b, bstar)
                ccs = jnp.where(hit, c_top + cc, ccs)
                sss = jnp.where(hit, s_top + ss, sss)
                return cc, ss, bstar, found | hit, ccs, sss

            cc, ss, bstar, found, cc_star, ss_star = _scan
            cc_star = jnp.where(found, cc_star, c_top + cc)
            ss_star = jnp.where(found, ss_star, s_top + ss)
            bsf = bstar.astype(jnp.float32)
            lo = hi - (bsf + 3.0) * bw
            hi = hi - (bsf - 1.0) * bw

        tau = jnp.full((_L,), ss_star - 1.0) / jnp.full((_L,), cc_star)

        @plsc.parallel_loop(0, _NCH, unroll=8)
        def _out(i):
            v = buf[pl.ds(i * _L, _L)]
            buf[pl.ds(i * _L, _L)] = jnp.maximum(v - tau, 0.0)

        if copy_out is not None:
            copy_out.wait()
        copy_out = pltpu.async_copy(buf, out_hbm.at[row], sem_out)
    copy_out.wait()


def _make_sc_kernel():
    mesh = plsc.VectorSubcoreMesh(
        core_axis_name="c", subcore_axis_name="s",
        num_cores=2, num_subcores=16)
    return pl.kernel(
        _sc_body,
        out_type=jax.ShapeDtypeStruct((_R, _N), jnp.float32),
        mesh=mesh,
        scratch_types=[
            pltpu.VMEM(((_SC_ROWS // _NW) * _N,), jnp.float32),
            pltpu.VMEM((_NB * _L,), jnp.float32),
            pltpu.VMEM((_NB * _L,), jnp.float32),
            pltpu.SemaphoreType.DMA,
            pltpu.SemaphoreType.DMA,
        ],
        compiler_params=pltpu.CompilerParams(needs_layout_passes=False),
    )


def _tc_body(x_ref, o_ref):
    x = x_ref[...]
    m = jnp.max(x, axis=-1, keepdims=True)
    lo = m - 1.0
    hi = m

    def it(_, carry):
        lo, hi = carry
        mid = 0.5 * (lo + hi)
        s = jnp.sum(jnp.maximum(x - mid, 0.0), axis=-1, keepdims=True)
        pred = s > 1.0
        return jnp.where(pred, mid, lo), jnp.where(pred, hi, mid)

    lo, hi = jax.lax.fori_loop(0, _TC_ITERS, it, (lo, hi))
    sup = x > lo
    k = jnp.sum(sup.astype(jnp.float32), axis=-1, keepdims=True)
    s = jnp.sum(jnp.where(sup, x, 0.0), axis=-1, keepdims=True)
    tau = (s - 1.0) / k
    o_ref[...] = jnp.maximum(x - tau, 0.0)


def _tc_kernel(x_full):
    off = _SC_ROWS // _TC_BR
    return pl.pallas_call(
        _tc_body,
        grid=(_TC_ROWS // _TC_BR,),
        in_specs=[pl.BlockSpec((_TC_BR, _N), lambda i: (i + off, 0))],
        out_specs=pl.BlockSpec((_TC_BR, _N), lambda i: (i, 0)),
        out_shape=jax.ShapeDtypeStruct((_TC_ROWS, _N), jnp.float32),
    )(x_full)


@jax.jit
def kernel(input):
    sc_out = _make_sc_kernel()(input)
    tc_out = _tc_kernel(input)
    return lax.dynamic_update_slice(sc_out, tc_out, (_SC_ROWS, 0))

# --- scband reference (transcript-rebuilt; emitter-appended) ---
"""Pipeline reference for scband-sparsemax-39264591020105 (READ-ONLY COPY).

The authoritative reference and input builder live on the scoring server;
editing this copy changes nothing except your own understanding.
"""

import jax, jax.numpy as jnp
import numpy as np


def setup_inputs(seed: int = 0) -> dict:
    key = jax.random.key(seed)
    inp = jax.random.normal(key, (128, 32768), dtype=jnp.float32)
    return {"input": inp}


def reference(input) -> jnp.ndarray:
    # Sparsemax along dim=-1, faithful to the torch implementation.
    x = input - jnp.max(input, axis=-1, keepdims=True)
    # descending sort
    zs = -jnp.sort(-x, axis=-1)
    range_values = jnp.arange(1, zs.shape[-1] + 1, dtype=jnp.float32)
    bound = 1.0 + range_values * zs
    cumsum_zs = jnp.cumsum(zs, axis=-1)
    is_gt = bound > cumsum_zs
    k = jnp.sum(is_gt, axis=-1, keepdims=True).astype(jnp.float32)
    idx = (k - 1.0).astype(jnp.int32)
    taus = (jnp.take_along_axis(cumsum_zs, idx, axis=-1) - 1.0) / k
    taus = jnp.broadcast_to(taus, x.shape)
    return jnp.maximum(jnp.zeros_like(x), x - taus)

if __name__ == "__main__":
    import jax
    _d = setup_inputs()
    print(jax.jit(kernel)(*tuple(_d.values())))

</pallas_src>

<mosaic_0001>
#map = affine_map<(d0, d1) -> (0, 0)>
module attributes {stable_mosaic.version = 14 : i64} {
  func.func @_sc_body(%arg0: i32, %arg1: i32, %arg2: memref<128x32768xf32, #tpu.memory_space<hbm>>, %arg3: memref<128x32768xf32, #tpu.memory_space<hbm>>, %arg4: memref<65536xf32, #tpu.memory_space<vmem>>, %arg5: memref<4096xf32, #tpu.memory_space<vmem>>, %arg6: memref<4096xf32, #tpu.memory_space<vmem>>, %arg7: memref<!tpu.dma_semaphore, #tpu.memory_space<semaphore_mem>>, %arg8: memref<!tpu.dma_semaphore, #tpu.memory_space<semaphore_mem>>) attributes {dimension_semantics = [#tpu.dimension_semantics<core_parallel>, #tpu.dimension_semantics<subcore_parallel>], iteration_bounds = array<i64: 2, 16>, scalar_prefetch = 0 : i64, scratch_operands = 5 : i64, tpu.core_type = #tpu.core_type<sc_vector_subcore>, window_params = [{transform_indices = #map}, {transform_indices = #map}]} {
    %mul3A = arith.constant 2 : i32
    %mul3A_0 = arith.muli %arg1, %mul3A : i32
    %add3A = arith.addi %mul3A_0, %arg0 : i32
    %iota3A = tpu.iota {dimensions = array<i32: 0>} : vector<16xi32>
    %broadcast_in_dim3A = arith.constant 0.000000e+00 : f32
    %broadcast_in_dim3A_1 = vector.broadcast %broadcast_in_dim3A : f32 to vector<16xf32>
    %broadcast_in_dim3A_2 = arith.constant 1.000000e+00 : f32
    %broadcast_in_dim3A_3 = vector.broadcast %broadcast_in_dim3A_2 : f32 to vector<16xf32>
    %mul3A_4 = arith.constant 2 : i32
    %mul3A_5 = arith.muli %add3A, %mul3A_4 : i32
    %add3A_6 = arith.constant 0 : i32
    %add3A_7 = arith.addi %mul3A_5, %add3A_6 : i32
    %dma_start3A = arith.constant 0 : i32
    %dma_start3A_8 = tpu.memref_slice %arg4[%dma_start3A] : memref<65536xf32, #tpu.memory_space<vmem>> -> memref<32768xf32, #tpu.memory_space<vmem>>
    %dma_start3A_9 = arith.constant 0 : i32
    %dma_start3A_10 = tpu.memref_slice %arg2[%add3A_7, %dma_start3A_9] : memref<128x32768xf32, #tpu.memory_space<hbm>> -> memref<1x32768xf32, #tpu.memory_space<hbm>>
    %dma_start3A_11 = tpu.memref_squeeze %dma_start3A_10 : memref<1x32768xf32, #tpu.memory_space<hbm>> -> memref<32768xf32, #tpu.memory_space<hbm>>
    %dma_start3A_12 = arith.constant 0 : i32
    %dma_start3A_13 = tpu.memref_slice %arg4[%dma_start3A_12] : memref<65536xf32, #tpu.memory_space<vmem>> -> memref<32768xf32, #tpu.memory_space<vmem>>
    %dma_start3A_14 = arith.constant 0 : i32
    %dma_start3A_15 = tpu.memref_slice %arg2[%add3A_7, %dma_start3A_14] : memref<128x32768xf32, #tpu.memory_space<hbm>> -> memref<1x32768xf32, #tpu.memory_space<hbm>>
    %dma_start3A_16 = tpu.memref_squeeze %dma_start3A_15 : memref<1x32768xf32, #tpu.memory_space<hbm>> -> memref<32768xf32, #tpu.memory_space<hbm>>
    tpu.enqueue_dma source(%dma_start3A_16 : memref<32768xf32, #tpu.memory_space<hbm>>) target(%dma_start3A_13 : memref<32768xf32, #tpu.memory_space<vmem>>) target_semaphore(%arg7 : memref<!tpu.dma_semaphore, #tpu.memory_space<semaphore_mem>>)
    %mul3A_17 = arith.constant 2 : i32
    %mul3A_18 = arith.muli %add3A, %mul3A_17 : i32
    %add3A_19 = arith.constant 1 : i32
    %add3A_20 = arith.addi %mul3A_18, %add3A_19 : i32
    %dma_start3A_21 = arith.constant 32768 : i32
    %dma_start3A_22 = tpu.memref_slice %arg4[%dma_start3A_21] : memref<65536xf32, #tpu.memory_space<vmem>> -> memref<32768xf32, #tpu.memory_space<vmem>>
    %dma_start3A_23 = arith.constant 0 : i32
    %dma_start3A_24 = tpu.memref_slice %arg2[%add3A_20, %dma_start3A_23] : memref<128x32768xf32, #tpu.memory_space<hbm>> -> memref<1x32768xf32, #tpu.memory_space<hbm>>
    %dma_start3A_25 = tpu.memref_squeeze %dma_start3A_24 : memref<1x32768xf32, #tpu.memory_space<hbm>> -> memref<32768xf32, #tpu.memory_space<hbm>>
    %dma_start3A_26 = arith.constant 32768 : i32
    %dma_start3A_27 = tpu.memref_slice %arg4[%dma_start3A_26] : memref<65536xf32, #tpu.memory_space<vmem>> -> memref<32768xf32, #tpu.memory_space<vmem>>
    %dma_start3A_28 = arith.constant 0 : i32
    %dma_start3A_29 = tpu.memref_slice %arg2[%add3A_20, %dma_start3A_28] : memref<128x32768xf32, #tpu.memory_space<hbm>> -> memref<1x32768xf32, #tpu.memory_space<hbm>>
    %dma_start3A_30 = tpu.memref_squeeze %dma_start3A_29 : memref<1x32768xf32, #tpu.memory_space<hbm>> -> memref<32768xf32, #tpu.memory_space<hbm>>
    tpu.enqueue_dma source(%dma_start3A_30 : memref<32768xf32, #tpu.memory_space<hbm>>) target(%dma_start3A_27 : memref<32768xf32, #tpu.memory_space<vmem>>) target_semaphore(%arg7 : memref<!tpu.dma_semaphore, #tpu.memory_space<semaphore_mem>>)
    %mul3A_31 = arith.constant 2 : i32
    %mul3A_32 = arith.muli %add3A, %mul3A_31 : i32
    %add3A_33 = arith.constant 0 : i32
    %add3A_34 = arith.addi %mul3A_32, %add3A_33 : i32
    %dma_wait3A = arith.constant 0 : i32
    %dma_wait3A_35 = tpu.memref_slice %arg4[%dma_wait3A] : memref<65536xf32, #tpu.memory_space<vmem>> -> memref<32768xf32, #tpu.memory_space<vmem>>
    %dma_wait3A_36 = arith.constant 0 : i32
    %dma_wait3A_37 = tpu.memref_slice %arg2[%add3A_7, %dma_wait3A_36] : memref<128x32768xf32, #tpu.memory_space<hbm>> -> memref<1x32768xf32, #tpu.memory_space<hbm>>
    %dma_wait3A_38 = tpu.memref_squeeze %dma_wait3A_37 : memref<1x32768xf32, #tpu.memory_space<hbm>> -> memref<32768xf32, #tpu.memory_space<hbm>>
    %dma_wait3A_39 = arith.constant 0 : i32
    %dma_wait3A_40 = tpu.memref_slice %arg4[%dma_wait3A_39] : memref<65536xf32, #tpu.memory_space<vmem>> -> memref<32768xf32, #tpu.memory_space<vmem>>
    %dma_wait3A_41 = arith.constant 0 : i32
    %dma_wait3A_42 = tpu.memref_slice %arg2[%add3A_7, %dma_wait3A_41] : memref<128x32768xf32, #tpu.memory_space<hbm>> -> memref<1x32768xf32, #tpu.memory_space<hbm>>
    %dma_wait3A_43 = tpu.memref_squeeze %dma_wait3A_42 : memref<1x32768xf32, #tpu.memory_space<hbm>> -> memref<32768xf32, #tpu.memory_space<hbm>>
    tpu.wait_dma2 semaphore(%arg7 : memref<!tpu.dma_semaphore, #tpu.memory_space<semaphore_mem>>) src(%dma_wait3A_43 : memref<32768xf32, #tpu.memory_space<hbm>>) dst(%dma_wait3A_40 : memref<32768xf32, #tpu.memory_space<vmem>>)
    %broadcast_in_dim3A_44 = arith.constant 0xFF800000 : f32
    %broadcast_in_dim3A_45 = vector.broadcast %broadcast_in_dim3A_44 : f32 to vector<16xf32>
    %parallel_loop3A = arith.constant 0 : i32
    %parallel_loop3A_46 = arith.constant 2048 : i32
    %parallel_loop3A_47 = arith.constant 1 : i32
    %parallel_loop3A_48 = scf.for %parallel_loop3A_289 = %parallel_loop3A to %parallel_loop3A_46 step %parallel_loop3A_47 iter_args(%parallel_loop3A_290 = %broadcast_in_dim3A_45) -> (vector<16xf32>)  : i32 {
      %parallel_loop3A_291 = arith.constant 16 : i32
      %parallel_loop3A_292 = arith.muli %parallel_loop3A_289, %parallel_loop3A_291 : i32
      %parallel_loop3A_293 = arith.constant 0 : i32
      %parallel_loop3A_294 = tpu.memref_slice %arg4[%parallel_loop3A_293] : memref<65536xf32, #tpu.memory_space<vmem>> -> memref<32768xf32, #tpu.memory_space<vmem>>
      %parallel_loop3A_295 = arith.index_cast %parallel_loop3A_292 : i32 to index
      %parallel_loop3A_296 = tpu.vector_load %parallel_loop3A_294[%parallel_loop3A_295] {strides = array<i32>} : memref<32768xf32, #tpu.memory_space<vmem>>, vector<16xf32>,
      %parallel_loop3A_297 = arith.maximumf %parallel_loop3A_290, %parallel_loop3A_296 : vector<16xf32>
      scf.yield %parallel_loop3A_297 : vector<16xf32>
    } {sc.loop_unroll_factor = 8 : i64, sc.parallel_access}
    %reduce_max3A = arith.constant true
    %reduce_max3A_49 = vector.broadcast %reduce_max3A : i1 to vector<16xi1>
    %reduce_max3A_50 = tpu.scan <max>, %parallel_loop3A_48 masked %reduce_max3A_49 : vector<16xf32>, vector<16xi1> -> vector<16xf32>
    %reduce_max3A_51 = vector.extract %reduce_max3A_50[15] : f32 from vector<16xf32>
    %sub3A = arith.constant 1.000000e+00 : f32
    %sub3A_52 = arith.subf %reduce_max3A_51, %sub3A : f32
    %parallel_loop3A_53 = arith.constant 0 : i32
    %parallel_loop3A_54 = arith.constant 256 : i32
    %parallel_loop3A_55 = arith.constant 1 : i32
    scf.for %parallel_loop3A_289 = %parallel_loop3A_53 to %parallel_loop3A_54 step %parallel_loop3A_55  : i32 {
      %parallel_loop3A_290 = arith.constant 16 : i32
      %parallel_loop3A_291 = arith.muli %parallel_loop3A_289, %parallel_loop3A_290 : i32
      %parallel_loop3A_292 = arith.index_cast %parallel_loop3A_291 : i32 to index
      %parallel_loop3A_293 = tpu.vector_load %arg5[%parallel_loop3A_292] {strides = array<i32>} : memref<4096xf32, #tpu.memory_space<vmem>>, vector<16xf32>,
      tpu.vector_store %arg5[%parallel_loop3A_292], %broadcast_in_dim3A_1 {strides = array<i32>} : memref<4096xf32, #tpu.memory_space<vmem>>, vector<16xf32>,
      %parallel_loop3A_294 = arith.constant 16 : i32
      %parallel_loop3A_295 = arith.muli %parallel_loop3A_289, %parallel_loop3A_294 : i32
      %parallel_loop3A_296 = arith.index_cast %parallel_loop3A_295 : i32 to index
      %parallel_loop3A_297 = tpu.vector_load %arg6[%parallel_loop3A_296] {strides = array<i32>} : memref<4096xf32, #tpu.memory_space<vmem>>, vector<16xf32>,
      tpu.vector_store %arg6[%parallel_loop3A_296], %broadcast_in_dim3A_1 {strides = array<i32>} : memref<4096xf32, #tpu.memory_space<vmem>>, vector<16xf32>,
    } {sc.loop_unroll_factor = 4 : i64, sc.parallel_access}
    %parallel_loop3A_56 = arith.constant 0 : i32
    %parallel_loop3A_57 = arith.constant 2048 : i32
    %parallel_loop3A_58 = arith.constant 1 : i32
    %parallel_loop3A_59 = arith.constant 2.560000e+02 : f32
    scf.for %parallel_loop3A_289 = %parallel_loop3A_56 to %parallel_loop3A_57 step %parallel_loop3A_58  : i32 {
      %parallel_loop3A_290 = arith.constant 16 : i32
      %parallel_loop3A_291 = arith.muli %parallel_loop3A_289, %parallel_loop3A_290 : i32
      %parallel_loop3A_292 = arith.constant 0 : i32
      %parallel_loop3A_293 = tpu.memref_slice %arg4[%parallel_loop3A_292] : memref<65536xf32, #tpu.memory_space<vmem>> -> memref<32768xf32, #tpu.memory_space<vmem>>
      %parallel_loop3A_294 = arith.index_cast %parallel_loop3A_291 : i32 to index
      %parallel_loop3A_295 = tpu.vector_load %parallel_loop3A_293[%parallel_loop3A_294] {strides = array<i32>} : memref<32768xf32, #tpu.memory_space<vmem>>, vector<16xf32>,
      %parallel_loop3A_296 = vector.broadcast %reduce_max3A_51 : f32 to vector<16xf32>
      %parallel_loop3A_297 = arith.subf %parallel_loop3A_296, %parallel_loop3A_295 : vector<16xf32>
      %parallel_loop3A_298 = vector.broadcast %parallel_loop3A_59 : f32 to vector<16xf32>
      %parallel_loop3A_299 = arith.mulf %parallel_loop3A_297, %parallel_loop3A_298 : vector<16xf32>
      %parallel_loop3A_300 = arith.constant 2.550000e+02 : f32
      %parallel_loop3A_301 = vector.broadcast %parallel_loop3A_300 : f32 to vector<16xf32>
      %parallel_loop3A_302 = arith.minimumf %parallel_loop3A_299, %parallel_loop3A_301 : vector<16xf32>
      %parallel_loop3A_303 = arith.fptosi %parallel_loop3A_302 : vector<16xf32> to vector<16xi32>
      %parallel_loop3A_304 = arith.constant 16 : i32
      %parallel_loop3A_305 = vector.broadcast %parallel_loop3A_304 : i32 to vector<16xi32>
      %parallel_loop3A_306 = arith.muli %parallel_loop3A_303, %parallel_loop3A_305 : vector<16xi32>
      %parallel_loop3A_307 = arith.addi %parallel_loop3A_306, %iota3A : vector<16xi32>
      tpu.vector_store_idx %arg5[%parallel_loop3A_307], %broadcast_in_dim3A_3 {add = true} : memref<4096xf32, #tpu.memory_space<vmem>>[vector<16xi32>], vector<16xf32>,
      tpu.vector_store_idx %arg6[%parallel_loop3A_307], %parallel_loop3A_295 {add = true} : memref<4096xf32, #tpu.memory_space<vmem>>[vector<16xi32>], vector<16xf32>,
    } {sc.loop_unroll_factor = 8 : i64, sc.parallel_access}
    %parallel_loop3A_60 = arith.constant 0 : i32
    %parallel_loop3A_61 = arith.constant 256 : i32
    %parallel_loop3A_62 = arith.constant 1 : i32
    %parallel_loop3A_63 = arith.constant 3.906250e-03 : f32
    %parallel_loop3A_64 = arith.constant 0.000000e+00 : f32
    %parallel_loop3A_65 = arith.constant 0.000000e+00 : f32
    %parallel_loop3A_66 = arith.constant 0.000000e+00 : f32
    %parallel_loop3A_67 = arith.constant 0.000000e+00 : f32
    %parallel_loop3A_68 = arith.constant 255 : i32
    %parallel_loop3A_69 = arith.constant false
    %parallel_loop3A_70 = arith.constant 1.000000e+00 : f32
    %parallel_loop3A_71 = arith.constant 0.000000e+00 : f32
    %parallel_loop3A_72:6 = scf.for %parallel_loop3A_289 = %parallel_loop3A_60 to %parallel_loop3A_61 step %parallel_loop3A_62 iter_args(%parallel_loop3A_290 = %parallel_loop3A_66, %parallel_loop3A_291 = %parallel_loop3A_67, %parallel_loop3A_292 = %parallel_loop3A_68, %parallel_loop3A_293 = %parallel_loop3A_69, %parallel_loop3A_294 = %parallel_loop3A_70, %parallel_loop3A_295 = %parallel_loop3A_71) -> (f32, f32, i32, i1, f32, f32)  : i32 {
      %parallel_loop3A_296 = arith.constant 16 : i32
      %parallel_loop3A_297 = arith.muli %parallel_loop3A_289, %parallel_loop3A_296 : i32
      %parallel_loop3A_298 = arith.index_cast %parallel_loop3A_297 : i32 to index
      %parallel_loop3A_299 = tpu.vector_load %arg5[%parallel_loop3A_298] {strides = array<i32>} : memref<4096xf32, #tpu.memory_space<vmem>>, vector<16xf32>,
      %parallel_loop3A_300 = arith.constant true
      %parallel_loop3A_301 = vector.broadcast %parallel_loop3A_300 : i1 to vector<16xi1>
      %parallel_loop3A_302 = tpu.scan <sum>, %parallel_loop3A_299 masked %parallel_loop3A_301 : vector<16xf32>, vector<16xi1> -> vector<16xf32>
      %parallel_loop3A_303 = vector.extract %parallel_loop3A_302[15] : f32 from vector<16xf32>
      %parallel_loop3A_304 = arith.addf %parallel_loop3A_290, %parallel_loop3A_303 : f32
      %parallel_loop3A_305 = arith.constant 16 : i32
      %parallel_loop3A_306 = arith.muli %parallel_loop3A_289, %parallel_loop3A_305 : i32
      %parallel_loop3A_307 = arith.index_cast %parallel_loop3A_306 : i32 to index
      %parallel_loop3A_308 = tpu.vector_load %arg6[%parallel_loop3A_307] {strides = array<i32>} : memref<4096xf32, #tpu.memory_space<vmem>>, vector<16xf32>,
      %parallel_loop3A_309 = arith.constant true
      %parallel_loop3A_310 = vector.broadcast %parallel_loop3A_309 : i1 to vector<16xi1>
      %parallel_loop3A_311 = tpu.scan <sum>, %parallel_loop3A_308 masked %parallel_loop3A_310 : vector<16xf32>, vector<16xi1> -> vector<16xf32>
      %parallel_loop3A_312 = vector.extract %parallel_loop3A_311[15] : f32 from vector<16xf32>
      %parallel_loop3A_313 = arith.addf %parallel_loop3A_291, %parallel_loop3A_312 : f32
      %parallel_loop3A_314 = arith.constant 1 : i32
      %parallel_loop3A_315 = arith.addi %parallel_loop3A_289, %parallel_loop3A_314 : i32
      %parallel_loop3A_316 = arith.sitofp %parallel_loop3A_315 : i32 to f32
      %parallel_loop3A_317 = arith.mulf %parallel_loop3A_316, %parallel_loop3A_63 : f32
      %parallel_loop3A_318 = arith.subf %reduce_max3A_51, %parallel_loop3A_317 : f32
      %parallel_loop3A_319 = arith.addf %parallel_loop3A_64, %parallel_loop3A_313 : f32
      %parallel_loop3A_320 = arith.addf %parallel_loop3A_65, %parallel_loop3A_304 : f32
      %parallel_loop3A_321 = arith.mulf %parallel_loop3A_320, %parallel_loop3A_318 : f32
      %parallel_loop3A_322 = arith.subf %parallel_loop3A_319, %parallel_loop3A_321 : f32
      %parallel_loop3A_323 = arith.constant 1.000000e+00 : f32
      %parallel_loop3A_324 = arith.subf %parallel_loop3A_322, %parallel_loop3A_323 : f32
      %parallel_loop3A_325 = arith.constant 0.000000e+00 : f32
      %parallel_loop3A_326 = arith.cmpf oge, %parallel_loop3A_324, %parallel_loop3A_325 : f32
      %parallel_loop3A_327 = arith.constant true
      %parallel_loop3A_328 = arith.xori %parallel_loop3A_293, %parallel_loop3A_327 : i1
      %parallel_loop3A_329 = arith.andi %parallel_loop3A_326, %parallel_loop3A_328 : i1
      %parallel_loop3A_330 = arith.select %parallel_loop3A_329, %parallel_loop3A_289, %parallel_loop3A_292 : i32
      %parallel_loop3A_331 = arith.addf %parallel_loop3A_65, %parallel_loop3A_304 : f32
      %parallel_loop3A_332 = arith.select %parallel_loop3A_329, %parallel_loop3A_331, %parallel_loop3A_294 : f32
      %parallel_loop3A_333 = arith.addf %parallel_loop3A_64, %parallel_loop3A_313 : f32
      %parallel_loop3A_334 = arith.select %parallel_loop3A_329, %parallel_loop3A_333, %parallel_loop3A_295 : f32
      %parallel_loop3A_335 = arith.ori %parallel_loop3A_293, %parallel_loop3A_329 : i1
      scf.yield %parallel_loop3A_304, %parallel_loop3A_313, %parallel_loop3A_330, %parallel_loop3A_335, %parallel_loop3A_332, %parallel_loop3A_334 : f32, f32, i32, i1, f32, f32
    } {sc.loop_unroll_factor = 4 : i64, sc.parallel_access}
    %add3A_73 = arith.constant 0.000000e+00 : f32
    %add3A_74 = arith.addf %add3A_73, %parallel_loop3A_72#0 : f32
    %select_n3A = arith.select %parallel_loop3A_72#3, %parallel_loop3A_72#4, %add3A_74 : f32
    %add3A_75 = arith.constant 0.000000e+00 : f32
    %add3A_76 = arith.addf %add3A_75, %parallel_loop3A_72#1 : f32
    %select_n3A_77 = arith.select %parallel_loop3A_72#3, %parallel_loop3A_72#5, %add3A_76 : f32
    %convert_element_type3A = arith.sitofp %parallel_loop3A_72#2 : i32 to f32
    %add3A_78 = arith.constant 3.000000e+00 : f32
    %add3A_79 = arith.addf %convert_element_type3A, %add3A_78 : f32
    %mul3A_80 = arith.constant 3.906250e-03 : f32
    %mul3A_81 = arith.mulf %add3A_79, %mul3A_80 : f32
    %sub3A_82 = arith.subf %reduce_max3A_51, %mul3A_81 : f32
    %sub3A_83 = arith.constant 1.000000e+00 : f32
    %sub3A_84 = arith.subf %convert_element_type3A, %sub3A_83 : f32
    %mul3A_85 = arith.constant 3.906250e-03 : f32
    %mul3A_86 = arith.mulf %sub3A_84, %mul3A_85 : f32
    %sub3A_87 = arith.subf %reduce_max3A_51, %mul3A_86 : f32
    %parallel_loop3A_88 = arith.constant 0 : i32
    %parallel_loop3A_89 = arith.constant 256 : i32
    %parallel_loop3A_90 = arith.constant 1 : i32
    scf.for %parallel_loop3A_289 = %parallel_loop3A_88 to %parallel_loop3A_89 step %parallel_loop3A_90  : i32 {
      %parallel_loop3A_290 = arith.constant 16 : i32
      %parallel_loop3A_291 = arith.muli %parallel_loop3A_289, %parallel_loop3A_290 : i32
      %parallel_loop3A_292 = arith.index_cast %parallel_loop3A_291 : i32 to index
      %parallel_loop3A_293 = tpu.vector_load %arg5[%parallel_loop3A_292] {strides = array<i32>} : memref<4096xf32, #tpu.memory_space<vmem>>, vector<16xf32>,
      tpu.vector_store %arg5[%parallel_loop3A_292], %broadcast_in_dim3A_1 {strides = array<i32>} : memref<4096xf32, #tpu.memory_space<vmem>>, vector<16xf32>,
      %parallel_loop3A_294 = arith.constant 16 : i32
      %parallel_loop3A_295 = arith.muli %parallel_loop3A_289, %parallel_loop3A_294 : i32
      %parallel_loop3A_296 = arith.index_cast %parallel_loop3A_295 : i32 to index
      %parallel_loop3A_297 = tpu.vector_load %arg6[%parallel_loop3A_296] {strides = array<i32>} : memref<4096xf32, #tpu.memory_space<vmem>>, vector<16xf32>,
      tpu.vector_store %arg6[%parallel_loop3A_296], %broadcast_in_dim3A_1 {strides = array<i32>} : memref<4096xf32, #tpu.memory_space<vmem>>, vector<16xf32>,
    } {sc.loop_unroll_factor = 4 : i64, sc.parallel_access}
    %parallel_loop3A_91 = arith.constant 0 : i32
    %parallel_loop3A_92 = arith.constant 2048 : i32
    %parallel_loop3A_93 = arith.constant 1 : i32
    %parallel_loop3A_94 = arith.constant 1.638400e+04 : f32
    %parallel_loop3A_95:2 = scf.for %parallel_loop3A_289 = %parallel_loop3A_91 to %parallel_loop3A_92 step %parallel_loop3A_93 iter_args(%parallel_loop3A_290 = %broadcast_in_dim3A_1, %parallel_loop3A_291 = %broadcast_in_dim3A_1) -> (vector<16xf32>, vector<16xf32>)  : i32 {
      %parallel_loop3A_292 = arith.constant 16 : i32
      %parallel_loop3A_293 = arith.muli %parallel_loop3A_289, %parallel_loop3A_292 : i32
      %parallel_loop3A_294 = arith.constant 0 : i32
      %parallel_loop3A_295 = tpu.memref_slice %arg4[%parallel_loop3A_294] : memref<65536xf32, #tpu.memory_space<vmem>> -> memref<32768xf32, #tpu.memory_space<vmem>>
      %parallel_loop3A_296 = arith.index_cast %parallel_loop3A_293 : i32 to index
      %parallel_loop3A_297 = tpu.vector_load %parallel_loop3A_295[%parallel_loop3A_296] {strides = array<i32>} : memref<32768xf32, #tpu.memory_space<vmem>>, vector<16xf32>,
      %parallel_loop3A_298 = vector.broadcast %sub3A_87 : f32 to vector<16xf32>
      %parallel_loop3A_299 = arith.subf %parallel_loop3A_298, %parallel_loop3A_297 : vector<16xf32>
      %parallel_loop3A_300 = vector.broadcast %parallel_loop3A_94 : f32 to vector<16xf32>
      %parallel_loop3A_301 = arith.mulf %parallel_loop3A_299, %parallel_loop3A_300 : vector<16xf32>
      %parallel_loop3A_302 = arith.constant 0.000000e+00 : f32
      %parallel_loop3A_303 = arith.constant 2.550000e+02 : f32
      %parallel_loop3A_304 = vector.broadcast %parallel_loop3A_302 : f32 to vector<16xf32>
      %parallel_loop3A_305 = arith.maximumf %parallel_loop3A_304, %parallel_loop3A_301 : vector<16xf32>
      %parallel_loop3A_306 = vector.broadcast %parallel_loop3A_303 : f32 to vector<16xf32>
      %parallel_loop3A_307 = arith.minimumf %parallel_loop3A_306, %parallel_loop3A_305 : vector<16xf32>
      %parallel_loop3A_308 = arith.fptosi %parallel_loop3A_307 : vector<16xf32> to vector<16xi32>
      %parallel_loop3A_309 = arith.constant 16 : i32
      %parallel_loop3A_310 = vector.broadcast %parallel_loop3A_309 : i32 to vector<16xi32>
      %parallel_loop3A_311 = arith.muli %parallel_loop3A_308, %parallel_loop3A_310 : vector<16xi32>
      %parallel_loop3A_312 = arith.addi %parallel_loop3A_311, %iota3A : vector<16xi32>
      %parallel_loop3A_313 = vector.broadcast %sub3A_87 : f32 to vector<16xf32>
      %parallel_loop3A_314 = arith.cmpf ole, %parallel_loop3A_297, %parallel_loop3A_313 : vector<16xf32>
      %parallel_loop3A_315 = vector.broadcast %sub3A_82 : f32 to vector<16xf32>
      %parallel_loop3A_316 = arith.cmpf oge, %parallel_loop3A_297, %parallel_loop3A_315 : vector<16xf32>
      %parallel_loop3A_317 = arith.andi %parallel_loop3A_314, %parallel_loop3A_316 : vector<16xi1>
      tpu.vector_store_idx %arg5[%parallel_loop3A_312], %broadcast_in_dim3A_3 masked %parallel_loop3A_317 {add = true} : memref<4096xf32, #tpu.memory_space<vmem>>[vector<16xi32>], vector<16xf32>, vector<16xi1>
      tpu.vector_store_idx %arg6[%parallel_loop3A_312], %parallel_loop3A_297 masked %parallel_loop3A_317 {add = true} : memref<4096xf32, #tpu.memory_space<vmem>>[vector<16xi32>], vector<16xf32>, vector<16xi1>
      %parallel_loop3A_318 = vector.broadcast %sub3A_87 : f32 to vector<16xf32>
      %parallel_loop3A_319 = arith.cmpf ogt, %parallel_loop3A_297, %parallel_loop3A_318 : vector<16xf32>
      %parallel_loop3A_320 = arith.constant 1.000000e+00 : f32
      %parallel_loop3A_321 = arith.constant 0.000000e+00 : f32
      %parallel_loop3A_322 = vector.broadcast %parallel_loop3A_320 : f32 to vector<16xf32>
      %parallel_loop3A_323 = vector.broadcast %parallel_loop3A_321 : f32 to vector<16xf32>
      %parallel_loop3A_324 = arith.select %parallel_loop3A_319, %parallel_loop3A_322, %parallel_loop3A_323 : vector<16xi1>, vector<16xf32>
      %parallel_loop3A_325 = arith.addf %parallel_loop3A_290, %parallel_loop3A_324 : vector<16xf32>
      %parallel_loop3A_326 = arith.constant 0.000000e+00 : f32
      %parallel_loop3A_327 = vector.broadcast %parallel_loop3A_326 : f32 to vector<16xf32>
      %parallel_loop3A_328 = arith.select %parallel_loop3A_319, %parallel_loop3A_297, %parallel_loop3A_327 : vector<16xi1>, vector<16xf32>
      %parallel_loop3A_329 = arith.addf %parallel_loop3A_291, %parallel_loop3A_328 : vector<16xf32>
      scf.yield %parallel_loop3A_325, %parallel_loop3A_329 : vector<16xf32>, vector<16xf32>
    } {sc.loop_unroll_factor = 4 : i64, sc.parallel_access}
    %reduce_sum3A = arith.constant true
    %reduce_sum3A_96 = vector.broadcast %reduce_sum3A : i1 to vector<16xi1>
    %reduce_sum3A_97 = tpu.scan <sum>, %parallel_loop3A_95#0 masked %reduce_sum3A_96 : vector<16xf32>, vector<16xi1> -> vector<16xf32>
    %reduce_sum3A_98 = vector.extract %reduce_sum3A_97[15] : f32 from vector<16xf32>
    %reduce_sum3A_99 = arith.constant true
    %reduce_sum3A_100 = vector.broadcast %reduce_sum3A_99 : i1 to vector<16xi1>
    %reduce_sum3A_101 = tpu.scan <sum>, %parallel_loop3A_95#1 masked %reduce_sum3A_100 : vector<16xf32>, vector<16xi1> -> vector<16xf32>
    %reduce_sum3A_102 = vector.extract %reduce_sum3A_101[15] : f32 from vector<16xf32>
    %parallel_loop3A_103 = arith.constant 0 : i32
    %parallel_loop3A_104 = arith.constant 256 : i32
    %parallel_loop3A_105 = arith.constant 1 : i32
    %parallel_loop3A_106 = arith.constant 6.10351563E-5 : f32
    %parallel_loop3A_107 = arith.constant 0.000000e+00 : f32
    %parallel_loop3A_108 = arith.constant 0.000000e+00 : f32
    %parallel_loop3A_109 = arith.constant 255 : i32
    %parallel_loop3A_110 = arith.constant false
    %parallel_loop3A_111 = arith.constant 1.000000e+00 : f32
    %parallel_loop3A_112 = arith.constant 0.000000e+00 : f32
    %parallel_loop3A_113:6 = scf.for %parallel_loop3A_289 = %parallel_loop3A_103 to %parallel_loop3A_104 step %parallel_loop3A_105 iter_args(%parallel_loop3A_290 = %parallel_loop3A_107, %parallel_loop3A_291 = %parallel_loop3A_108, %parallel_loop3A_292 = %parallel_loop3A_109, %parallel_loop3A_293 = %parallel_loop3A_110, %parallel_loop3A_294 = %parallel_loop3A_111, %parallel_loop3A_295 = %parallel_loop3A_112) -> (f32, f32, i32, i1, f32, f32)  : i32 {
      %parallel_loop3A_296 = arith.constant 16 : i32
      %parallel_loop3A_297 = arith.muli %parallel_loop3A_289, %parallel_loop3A_296 : i32
      %parallel_loop3A_298 = arith.index_cast %parallel_loop3A_297 : i32 to index
      %parallel_loop3A_299 = tpu.vector_load %arg5[%parallel_loop3A_298] {strides = array<i32>} : memref<4096xf32, #tpu.memory_space<vmem>>, vector<16xf32>,
      %parallel_loop3A_300 = arith.constant true
      %parallel_loop3A_301 = vector.broadcast %parallel_loop3A_300 : i1 to vector<16xi1>
      %parallel_loop3A_302 = tpu.scan <sum>, %parallel_loop3A_299 masked %parallel_loop3A_301 : vector<16xf32>, vector<16xi1> -> vector<16xf32>
      %parallel_loop3A_303 = vector.extract %parallel_loop3A_302[15] : f32 from vector<16xf32>
      %parallel_loop3A_304 = arith.addf %parallel_loop3A_290, %parallel_loop3A_303 : f32
      %parallel_loop3A_305 = arith.constant 16 : i32
      %parallel_loop3A_306 = arith.muli %parallel_loop3A_289, %parallel_loop3A_305 : i32
      %parallel_loop3A_307 = arith.index_cast %parallel_loop3A_306 : i32 to index
      %parallel_loop3A_308 = tpu.vector_load %arg6[%parallel_loop3A_307] {strides = array<i32>} : memref<4096xf32, #tpu.memory_space<vmem>>, vector<16xf32>,
      %parallel_loop3A_309 = arith.constant true
      %parallel_loop3A_310 = vector.broadcast %parallel_loop3A_309 : i1 to vector<16xi1>
      %parallel_loop3A_311 = tpu.scan <sum>, %parallel_loop3A_308 masked %parallel_loop3A_310 : vector<16xf32>, vector<16xi1> -> vector<16xf32>
      %parallel_loop3A_312 = vector.extract %parallel_loop3A_311[15] : f32 from vector<16xf32>
      %parallel_loop3A_313 = arith.addf %parallel_loop3A_291, %parallel_loop3A_312 : f32
      %parallel_loop3A_314 = arith.constant 1 : i32
      %parallel_loop3A_315 = arith.addi %parallel_loop3A_289, %parallel_loop3A_314 : i32
      %parallel_loop3A_316 = arith.sitofp %parallel_loop3A_315 : i32 to f32
      %parallel_loop3A_317 = arith.mulf %parallel_loop3A_316, %parallel_loop3A_106 : f32
      %parallel_loop3A_318 = arith.subf %sub3A_87, %parallel_loop3A_317 : f32
      %parallel_loop3A_319 = arith.addf %reduce_sum3A_102, %parallel_loop3A_313 : f32
      %parallel_loop3A_320 = arith.addf %reduce_sum3A_98, %parallel_loop3A_304 : f32
      %parallel_loop3A_321 = arith.mulf %parallel_loop3A_320, %parallel_loop3A_318 : f32
      %parallel_loop3A_322 = arith.subf %parallel_loop3A_319, %parallel_loop3A_321 : f32
      %parallel_loop3A_323 = arith.constant 1.000000e+00 : f32
      %parallel_loop3A_324 = arith.subf %parallel_loop3A_322, %parallel_loop3A_323 : f32
      %parallel_loop3A_325 = arith.constant 0.000000e+00 : f32
      %parallel_loop3A_326 = arith.cmpf oge, %parallel_loop3A_324, %parallel_loop3A_325 : f32
      %parallel_loop3A_327 = arith.constant true
      %parallel_loop3A_328 = arith.xori %parallel_loop3A_293, %parallel_loop3A_327 : i1
      %parallel_loop3A_329 = arith.andi %parallel_loop3A_326, %parallel_loop3A_328 : i1
      %parallel_loop3A_330 = arith.select %parallel_loop3A_329, %parallel_loop3A_289, %parallel_loop3A_292 : i32
      %parallel_loop3A_331 = arith.addf %reduce_sum3A_98, %parallel_loop3A_304 : f32
      %parallel_loop3A_332 = arith.select %parallel_loop3A_329, %parallel_loop3A_331, %parallel_loop3A_294 : f32
      %parallel_loop3A_333 = arith.addf %reduce_sum3A_102, %parallel_loop3A_313 : f32
      %parallel_loop3A_334 = arith.select %parallel_loop3A_329, %parallel_loop3A_333, %parallel_loop3A_295 : f32
      %parallel_loop3A_335 = arith.ori %parallel_loop3A_293, %parallel_loop3A_329 : i1
      scf.yield %parallel_loop3A_304, %parallel_loop3A_313, %parallel_loop3A_330, %parallel_loop3A_335, %parallel_loop3A_332, %parallel_loop3A_334 : f32, f32, i32, i1, f32, f32
    } {sc.loop_unroll_factor = 4 : i64, sc.parallel_access}
    %add3A_114 = arith.addf %reduce_sum3A_98, %parallel_loop3A_113#0 : f32
    %select_n3A_115 = arith.select %parallel_loop3A_113#3, %parallel_loop3A_113#4, %add3A_114 : f32
    %add3A_116 = arith.addf %reduce_sum3A_102, %parallel_loop3A_113#1 : f32
    %select_n3A_117 = arith.select %parallel_loop3A_113#3, %parallel_loop3A_113#5, %add3A_116 : f32
    %convert_element_type3A_118 = arith.sitofp %parallel_loop3A_113#2 : i32 to f32
    %add3A_119 = arith.constant 3.000000e+00 : f32
    %add3A_120 = arith.addf %convert_element_type3A_118, %add3A_119 : f32
    %mul3A_121 = arith.constant 6.10351563E-5 : f32
    %mul3A_122 = arith.mulf %add3A_120, %mul3A_121 : f32
    %sub3A_123 = arith.subf %sub3A_87, %mul3A_122 : f32
    %sub3A_124 = arith.constant 1.000000e+00 : f32
    %sub3A_125 = arith.subf %convert_element_type3A_118, %sub3A_124 : f32
    %mul3A_126 = arith.constant 6.10351563E-5 : f32
    %mul3A_127 = arith.mulf %sub3A_125, %mul3A_126 : f32
    %sub3A_128 = arith.subf %sub3A_87, %mul3A_127 : f32
    %sub3A_129 = arith.constant 1.000000e+00 : f32
    %sub3A_130 = arith.subf %select_n3A_117, %sub3A_129 : f32
    %broadcast_in_dim3A_131 = vector.broadcast %sub3A_130 : f32 to vector<16xf32>
    %broadcast_in_dim3A_132 = vector.broadcast %select_n3A_115 : f32 to vector<16xf32>
    %div3A = arith.divf %broadcast_in_dim3A_131, %broadcast_in_dim3A_132 : vector<16xf32>
    %parallel_loop3A_133 = arith.constant 0 : i32
    %parallel_loop3A_134 = arith.constant 2048 : i32
    %parallel_loop3A_135 = arith.constant 1 : i32
    scf.for %parallel_loop3A_289 = %parallel_loop3A_133 to %parallel_loop3A_134 step %parallel_loop3A_135  : i32 {
      %parallel_loop3A_290 = arith.constant 16 : i32
      %parallel_loop3A_291 = arith.muli %parallel_loop3A_289, %parallel_loop3A_290 : i32
      %parallel_loop3A_292 = arith.constant 0 : i32
      %parallel_loop3A_293 = tpu.memref_slice %arg4[%parallel_loop3A_292] : memref<65536xf32, #tpu.memory_space<vmem>> -> memref<32768xf32, #tpu.memory_space<vmem>>
      %parallel_loop3A_294 = arith.index_cast %parallel_loop3A_291 : i32 to index
      %parallel_loop3A_295 = tpu.vector_load %parallel_loop3A_293[%parallel_loop3A_294] {strides = array<i32>} : memref<32768xf32, #tpu.memory_space<vmem>>, vector<16xf32>,
      %parallel_loop3A_296 = arith.subf %parallel_loop3A_295, %div3A : vector<16xf32>
      %parallel_loop3A_297 = arith.constant 0.000000e+00 : f32
      %parallel_loop3A_298 = vector.broadcast %parallel_loop3A_297 : f32 to vector<16xf32>
      %parallel_loop3A_299 = arith.maximumf %parallel_loop3A_296, %parallel_loop3A_298 : vector<16xf32>
      %parallel_loop3A_300 = arith.constant 16 : i32
      %parallel_loop3A_301 = arith.muli %parallel_loop3A_289, %parallel_loop3A_300 : i32
      %parallel_loop3A_302 = arith.constant 0 : i32
      %parallel_loop3A_303 = tpu.memref_slice %arg4[%parallel_loop3A_302] : memref<65536xf32, #tpu.memory_space<vmem>> -> memref<32768xf32, #tpu.memory_space<vmem>>
      %parallel_loop3A_304 = arith.index_cast %parallel_loop3A_301 : i32 to index
      %parallel_loop3A_305 = tpu.vector_load %parallel_loop3A_303[%parallel_loop3A_304] {strides = array<i32>} : memref<32768xf32, #tpu.memory_space<vmem>>, vector<16xf32>,
      tpu.vector_store %parallel_loop3A_303[%parallel_loop3A_304], %parallel_loop3A_299 {strides = array<i32>} : memref<32768xf32, #tpu.memory_space<vmem>>, vector<16xf32>,
    } {sc.loop_unroll_factor = 8 : i64, sc.parallel_access}
    %dma_start3A_136 = arith.constant 0 : i32
    %dma_start3A_137 = tpu.memref_slice %arg4[%dma_start3A_136] : memref<65536xf32, #tpu.memory_space<vmem>> -> memref<32768xf32, #tpu.memory_space<vmem>>
    %dma_start3A_138 = arith.constant 0 : i32
    %dma_start3A_139 = tpu.memref_slice %arg3[%add3A_34, %dma_start3A_138] : memref<128x32768xf32, #tpu.memory_space<hbm>> -> memref<1x32768xf32, #tpu.memory_space<hbm>>
    %dma_start3A_140 = tpu.memref_squeeze %dma_start3A_139 : memref<1x32768xf32, #tpu.memory_space<hbm>> -> memref<32768xf32, #tpu.memory_space<hbm>>
    %dma_start3A_141 = arith.constant 0 : i32
    %dma_start3A_142 = tpu.memref_slice %arg3[%add3A_34, %dma_start3A_141] : memref<128x32768xf32, #tpu.memory_space<hbm>> -> memref<1x32768xf32, #tpu.memory_space<hbm>>
    %dma_start3A_143 = tpu.memref_squeeze %dma_start3A_142 : memref<1x32768xf32, #tpu.memory_space<hbm>> -> memref<32768xf32, #tpu.memory_space<hbm>>
    %dma_start3A_144 = arith.constant 0 : i32
    %dma_start3A_145 = tpu.memref_slice %arg4[%dma_start3A_144] : memref<65536xf32, #tpu.memory_space<vmem>> -> memref<32768xf32, #tpu.memory_space<vmem>>
    tpu.enqueue_dma source(%dma_start3A_145 : memref<32768xf32, #tpu.memory_space<vmem>>) target(%dma_start3A_143 : memref<32768xf32, #tpu.memory_space<hbm>>) target_semaphore(%arg8 : memref<!tpu.dma_semaphore, #tpu.memory_space<semaphore_mem>>)
    %mul3A_146 = arith.constant 2 : i32
    %mul3A_147 = arith.muli %add3A, %mul3A_146 : i32
    %add3A_148 = arith.constant 1 : i32
    %add3A_149 = arith.addi %mul3A_147, %add3A_148 : i32
    %dma_wait3A_150 = arith.constant 32768 : i32
    %dma_wait3A_151 = tpu.memref_slice %arg4[%dma_wait3A_150] : memref<65536xf32, #tpu.memory_space<vmem>> -> memref<32768xf32, #tpu.memory_space<vmem>>
    %dma_wait3A_152 = arith.constant 0 : i32
    %dma_wait3A_153 = tpu.memref_slice %arg2[%add3A_20, %dma_wait3A_152] : memref<128x32768xf32, #tpu.memory_space<hbm>> -> memref<1x32768xf32, #tpu.memory_space<hbm>>
    %dma_wait3A_154 = tpu.memref_squeeze %dma_wait3A_153 : memref<1x32768xf32, #tpu.memory_space<hbm>> -> memref<32768xf32, #tpu.memory_space<hbm>>
    %dma_wait3A_155 = arith.constant 32768 : i32
    %dma_wait3A_156 = tpu.memref_slice %arg4[%dma_wait3A_155] : memref<65536xf32, #tpu.memory_space<vmem>> -> memref<32768xf32, #tpu.memory_space<vmem>>
    %dma_wait3A_157 = arith.constant 0 : i32
    %dma_wait3A_158 = tpu.memref_slice %arg2[%add3A_20, %dma_wait3A_157] : memref<128x32768xf32, #tpu.memory_space<hbm>> -> memref<1x32768xf32, #tpu.memory_space<hbm>>
    %dma_wait3A_159 = tpu.memref_squeeze %dma_wait3A_158 : memref<1x32768xf32, #tpu.memory_space<hbm>> -> memref<32768xf32, #tpu.memory_space<hbm>>
    tpu.wait_dma2 semaphore(%arg7 : memref<!tpu.dma_semaphore, #tpu.memory_space<semaphore_mem>>) src(%dma_wait3A_159 : memref<32768xf32, #tpu.memory_space<hbm>>) dst(%dma_wait3A_156 : memref<32768xf32, #tpu.memory_space<vmem>>)
    %broadcast_in_dim3A_160 = arith.constant 0xFF800000 : f32
    %broadcast_in_dim3A_161 = vector.broadcast %broadcast_in_dim3A_160 : f32 to vector<16xf32>
    %parallel_loop3A_162 = arith.constant 0 : i32
    %parallel_loop3A_163 = arith.constant 2048 : i32
    %parallel_loop3A_164 = arith.constant 1 : i32
    %parallel_loop3A_165 = scf.for %parallel_loop3A_289 = %parallel_loop3A_162 to %parallel_loop3A_163 step %parallel_loop3A_164 iter_args(%parallel_loop3A_290 = %broadcast_in_dim3A_161) -> (vector<16xf32>)  : i32 {
      %parallel_loop3A_291 = arith.constant 16 : i32
      %parallel_loop3A_292 = arith.muli %parallel_loop3A_289, %parallel_loop3A_291 : i32
      %parallel_loop3A_293 = arith.constant 32768 : i32
      %parallel_loop3A_294 = tpu.memref_slice %arg4[%parallel_loop3A_293] : memref<65536xf32, #tpu.memory_space<vmem>> -> memref<32768xf32, #tpu.memory_space<vmem>>
      %parallel_loop3A_295 = arith.index_cast %parallel_loop3A_292 : i32 to index
      %parallel_loop3A_296 = tpu.vector_load %parallel_loop3A_294[%parallel_loop3A_295] {strides = array<i32>} : memref<32768xf32, #tpu.memory_space<vmem>>, vector<16xf32>,
      %parallel_loop3A_297 = arith.maximumf %parallel_loop3A_290, %parallel_loop3A_296 : vector<16xf32>
      scf.yield %parallel_loop3A_297 : vector<16xf32>
    } {sc.loop_unroll_factor = 8 : i64, sc.parallel_access}
    %reduce_max3A_166 = arith.constant true
    %reduce_max3A_167 = vector.broadcast %reduce_max3A_166 : i1 to vector<16xi1>
    %reduce_max3A_168 = tpu.scan <max>, %parallel_loop3A_165 masked %reduce_max3A_167 : vector<16xf32>, vector<16xi1> -> vector<16xf32>
    %reduce_max3A_169 = vector.extract %reduce_max3A_168[15] : f32 from vector<16xf32>
    %sub3A_170 = arith.constant 1.000000e+00 : f32
    %sub3A_171 = arith.subf %reduce_max3A_169, %sub3A_170 : f32
    %parallel_loop3A_172 = arith.constant 0 : i32
    %parallel_loop3A_173 = arith.constant 256 : i32
    %parallel_loop3A_174 = arith.constant 1 : i32
    scf.for %parallel_loop3A_289 = %parallel_loop3A_172 to %parallel_loop3A_173 step %parallel_loop3A_174  : i32 {
      %parallel_loop3A_290 = arith.constant 16 : i32
      %parallel_loop3A_291 = arith.muli %parallel_loop3A_289, %parallel_loop3A_290 : i32
      %parallel_loop3A_292 = arith.index_cast %parallel_loop3A_291 : i32 to index
      %parallel_loop3A_293 = tpu.vector_load %arg5[%parallel_loop3A_292] {strides = array<i32>} : memref<4096xf32, #tpu.memory_space<vmem>>, vector<16xf32>,
      tpu.vector_store %arg5[%parallel_loop3A_292], %broadcast_in_dim3A_1 {strides = array<i32>} : memref<4096xf32, #tpu.memory_space<vmem>>, vector<16xf32>,
      %parallel_loop3A_294 = arith.constant 16 : i32
      %parallel_loop3A_295 = arith.muli %parallel_loop3A_289, %parallel_loop3A_294 : i32
      %parallel_loop3A_296 = arith.index_cast %parallel_loop3A_295 : i32 to index
      %parallel_loop3A_297 = tpu.vector_load %arg6[%parallel_loop3A_296] {strides = array<i32>} : memref<4096xf32, #tpu.memory_space<vmem>>, vector<16xf32>,
      tpu.vector_store %arg6[%parallel_loop3A_296], %broadcast_in_dim3A_1 {strides = array<i32>} : memref<4096xf32, #tpu.memory_space<vmem>>, vector<16xf32>,
    } {sc.loop_unroll_factor = 4 : i64, sc.parallel_access}
    %parallel_loop3A_175 = arith.constant 0 : i32
    %parallel_loop3A_176 = arith.constant 2048 : i32
    %parallel_loop3A_177 = arith.constant 1 : i32
    %parallel_loop3A_178 = arith.constant 2.560000e+02 : f32
    scf.for %parallel_loop3A_289 = %parallel_loop3A_175 to %parallel_loop3A_176 step %parallel_loop3A_177  : i32 {
      %parallel_loop3A_290 = arith.constant 16 : i32
      %parallel_loop3A_291 = arith.muli %parallel_loop3A_289, %parallel_loop3A_290 : i32
      %parallel_loop3A_292 = arith.constant 32768 : i32
      %parallel_loop3A_293 = tpu.memref_slice %arg4[%parallel_loop3A_292] : memref<65536xf32, #tpu.memory_space<vmem>> -> memref<32768xf32, #tpu.memory_space<vmem>>
      %parallel_loop3A_294 = arith.index_cast %parallel_loop3A_291 : i32 to index
      %parallel_loop3A_295 = tpu.vector_load %parallel_loop3A_293[%parallel_loop3A_294] {strides = array<i32>} : memref<32768xf32, #tpu.memory_space<vmem>>, vector<16xf32>,
      %parallel_loop3A_296 = vector.broadcast %reduce_max3A_169 : f32 to vector<16xf32>
      %parallel_loop3A_297 = arith.subf %parallel_loop3A_296, %parallel_loop3A_295 : vector<16xf32>
      %parallel_loop3A_298 = vector.broadcast %parallel_loop3A_178 : f32 to vector<16xf32>
      %parallel_loop3A_299 = arith.mulf %parallel_loop3A_297, %parallel_loop3A_298 : vector<16xf32>
      %parallel_loop3A_300 = arith.constant 2.550000e+02 : f32
      %parallel_loop3A_301 = vector.broadcast %parallel_loop3A_300 : f32 to vector<16xf32>
      %parallel_loop3A_302 = arith.minimumf %parallel_loop3A_299, %parallel_loop3A_301 : vector<16xf32>
      %parallel_loop3A_303 = arith.fptosi %parallel_loop3A_302 : vector<16xf32> to vector<16xi32>
      %parallel_loop3A_304 = arith.constant 16 : i32
      %parallel_loop3A_305 = vector.broadcast %parallel_loop3A_304 : i32 to vector<16xi32>
      %parallel_loop3A_306 = arith.muli %parallel_loop3A_303, %parallel_loop3A_305 : vector<16xi32>
      %parallel_loop3A_307 = arith.addi %parallel_loop3A_306, %iota3A : vector<16xi32>
      tpu.vector_store_idx %arg5[%parallel_loop3A_307], %broadcast_in_dim3A_3 {add = true} : memref<4096xf32, #tpu.memory_space<vmem>>[vector<16xi32>], vector<16xf32>,
      tpu.vector_store_idx %arg6[%parallel_loop3A_307], %parallel_loop3A_295 {add = true} : memref<4096xf32, #tpu.memory_space<vmem>>[vector<16xi32>], vector<16xf32>,
    } {sc.loop_unroll_factor = 8 : i64, sc.parallel_access}
    %parallel_loop3A_179 = arith.constant 0 : i32
    %parallel_loop3A_180 = arith.constant 256 : i32
    %parallel_loop3A_181 = arith.constant 1 : i32
    %parallel_loop3A_182 = arith.constant 3.906250e-03 : f32
    %parallel_loop3A_183 = arith.constant 0.000000e+00 : f32
    %parallel_loop3A_184 = arith.constant 0.000000e+00 : f32
    %parallel_loop3A_185 = arith.constant 0.000000e+00 : f32
    %parallel_loop3A_186 = arith.constant 0.000000e+00 : f32
    %parallel_loop3A_187 = arith.constant 255 : i32
    %parallel_loop3A_188 = arith.constant false
    %parallel_loop3A_189 = arith.constant 1.000000e+00 : f32
    %parallel_loop3A_190 = arith.constant 0.000000e+00 : f32
    %parallel_loop3A_191:6 = scf.for %parallel_loop3A_289 = %parallel_loop3A_179 to %parallel_loop3A_180 step %parallel_loop3A_181 iter_args(%parallel_loop3A_290 = %parallel_loop3A_185, %parallel_loop3A_291 = %parallel_loop3A_186, %parallel_loop3A_292 = %parallel_loop3A_187, %parallel_loop3A_293 = %parallel_loop3A_188, %parallel_loop3A_294 = %parallel_loop3A_189, %parallel_loop3A_295 = %parallel_loop3A_190) -> (f32, f32, i32, i1, f32, f32)  : i32 {
      %parallel_loop3A_296 = arith.constant 16 : i32
      %parallel_loop3A_297 = arith.muli %parallel_loop3A_289, %parallel_loop3A_296 : i32
      %parallel_loop3A_298 = arith.index_cast %parallel_loop3A_297 : i32 to index
      %parallel_loop3A_299 = tpu.vector_load %arg5[%parallel_loop3A_298] {strides = array<i32>} : memref<4096xf32, #tpu.memory_space<vmem>>, vector<16xf32>,
      %parallel_loop3A_300 = arith.constant true
      %parallel_loop3A_301 = vector.broadcast %parallel_loop3A_300 : i1 to vector<16xi1>
      %parallel_loop3A_302 = tpu.scan <sum>, %parallel_loop3A_299 masked %parallel_loop3A_301 : vector<16xf32>, vector<16xi1> -> vector<16xf32>
      %parallel_loop3A_303 = vector.extract %parallel_loop3A_302[15] : f32 from vector<16xf32>
      %parallel_loop3A_304 = arith.addf %parallel_loop3A_290, %parallel_loop3A_303 : f32
      %parallel_loop3A_305 = arith.constant 16 : i32
      %parallel_loop3A_306 = arith.muli %parallel_loop3A_289, %parallel_loop3A_305 : i32
      %parallel_loop3A_307 = arith.index_cast %parallel_loop3A_306 : i32 to index
      %parallel_loop3A_308 = tpu.vector_load %arg6[%parallel_loop3A_307] {strides = array<i32>} : memref<4096xf32, #tpu.memory_space<vmem>>, vector<16xf32>,
      %parallel_loop3A_309 = arith.constant true
      %parallel_loop3A_310 = vector.broadcast %parallel_loop3A_309 : i1 to vector<16xi1>
      %parallel_loop3A_311 = tpu.scan <sum>, %parallel_loop3A_308 masked %parallel_loop3A_310 : vector<16xf32>, vector<16xi1> -> vector<16xf32>
      %parallel_loop3A_312 = vector.extract %parallel_loop3A_311[15] : f32 from vector<16xf32>
      %parallel_loop3A_313 = arith.addf %parallel_loop3A_291, %parallel_loop3A_312 : f32
      %parallel_loop3A_314 = arith.constant 1 : i32
      %parallel_loop3A_315 = arith.addi %parallel_loop3A_289, %parallel_loop3A_314 : i32
      %parallel_loop3A_316 = arith.sitofp %parallel_loop3A_315 : i32 to f32
      %parallel_loop3A_317 = arith.mulf %parallel_loop3A_316, %parallel_loop3A_182 : f32
      %parallel_loop3A_318 = arith.subf %reduce_max3A_169, %parallel_loop3A_317 : f32
      %parallel_loop3A_319 = arith.addf %parallel_loop3A_183, %parallel_loop3A_313 : f32
      %parallel_loop3A_320 = arith.addf %parallel_loop3A_184, %parallel_loop3A_304 : f32
      %parallel_loop3A_321 = arith.mulf %parallel_loop3A_320, %parallel_loop3A_318 : f32
      %parallel_loop3A_322 = arith.subf %parallel_loop3A_319, %parallel_loop3A_321 : f32
      %parallel_loop3A_323 = arith.constant 1.000000e+00 : f32
      %parallel_loop3A_324 = arith.subf %parallel_loop3A_322, %parallel_loop3A_323 : f32
      %parallel_loop3A_325 = arith.constant 0.000000e+00 : f32
      %parallel_loop3A_326 = arith.cmpf oge, %parallel_loop3A_324, %parallel_loop3A_325 : f32
      %parallel_loop3A_327 = arith.constant true
      %parallel_loop3A_328 = arith.xori %parallel_loop3A_293, %parallel_loop3A_327 : i1
      %parallel_loop3A_329 = arith.andi %parallel_loop3A_326, %parallel_loop3A_328 : i1
      %parallel_loop3A_330 = arith.select %parallel_loop3A_329, %parallel_loop3A_289, %parallel_loop3A_292 : i32
      %parallel_loop3A_331 = arith.addf %parallel_loop3A_184, %parallel_loop3A_304 : f32
      %parallel_loop3A_332 = arith.select %parallel_loop3A_329, %parallel_loop3A_331, %parallel_loop3A_294 : f32
      %parallel_loop3A_333 = arith.addf %parallel_loop3A_183, %parallel_loop3A_313 : f32
      %parallel_loop3A_334 = arith.select %parallel_loop3A_329, %parallel_loop3A_333, %parallel_loop3A_295 : f32
      %parallel_loop3A_335 = arith.ori %parallel_loop3A_293, %parallel_loop3A_329 : i1
      scf.yield %parallel_loop3A_304, %parallel_loop3A_313, %parallel_loop3A_330, %parallel_loop3A_335, %parallel_loop3A_332, %parallel_loop3A_334 : f32, f32, i32, i1, f32, f32
    } {sc.loop_unroll_factor = 4 : i64, sc.parallel_access}
    %add3A_192 = arith.constant 0.000000e+00 : f32
    %add3A_193 = arith.addf %add3A_192, %parallel_loop3A_191#0 : f32
    %select_n3A_194 = arith.select %parallel_loop3A_191#3, %parallel_loop3A_191#4, %add3A_193 : f32
    %add3A_195 = arith.constant 0.000000e+00 : f32
    %add3A_196 = arith.addf %add3A_195, %parallel_loop3A_191#1 : f32
    %select_n3A_197 = arith.select %parallel_loop3A_191#3, %parallel_loop3A_191#5, %add3A_196 : f32
    %convert_element_type3A_198 = arith.sitofp %parallel_loop3A_191#2 : i32 to f32
    %add3A_199 = arith.constant 3.000000e+00 : f32
    %add3A_200 = arith.addf %convert_element_type3A_198, %add3A_199 : f32
    %mul3A_201 = arith.constant 3.906250e-03 : f32
    %mul3A_202 = arith.mulf %add3A_200, %mul3A_201 : f32
    %sub3A_203 = arith.subf %reduce_max3A_169, %mul3A_202 : f32
    %sub3A_204 = arith.constant 1.000000e+00 : f32
    %sub3A_205 = arith.subf %convert_element_type3A_198, %sub3A_204 : f32
    %mul3A_206 = arith.constant 3.906250e-03 : f32
    %mul3A_207 = arith.mulf %sub3A_205, %mul3A_206 : f32
    %sub3A_208 = arith.subf %reduce_max3A_169, %mul3A_207 : f32
    %parallel_loop3A_209 = arith.constant 0 : i32
    %parallel_loop3A_210 = arith.constant 256 : i32
    %parallel_loop3A_211 = arith.constant 1 : i32
    scf.for %parallel_loop3A_289 = %parallel_loop3A_209 to %parallel_loop3A_210 step %parallel_loop3A_211  : i32 {
      %parallel_loop3A_290 = arith.constant 16 : i32
      %parallel_loop3A_291 = arith.muli %parallel_loop3A_289, %parallel_loop3A_290 : i32
      %parallel_loop3A_292 = arith.index_cast %parallel_loop3A_291 : i32 to index
      %parallel_loop3A_293 = tpu.vector_load %arg5[%parallel_loop3A_292] {strides = array<i32>} : memref<4096xf32, #tpu.memory_space<vmem>>, vector<16xf32>,
      tpu.vector_store %arg5[%parallel_loop3A_292], %broadcast_in_dim3A_1 {strides = array<i32>} : memref<4096xf32, #tpu.memory_space<vmem>>, vector<16xf32>,
      %parallel_loop3A_294 = arith.constant 16 : i32
      %parallel_loop3A_295 = arith.muli %parallel_loop3A_289, %parallel_loop3A_294 : i32
      %parallel_loop3A_296 = arith.index_cast %parallel_loop3A_295 : i32 to index
      %parallel_loop3A_297 = tpu.vector_load %arg6[%parallel_loop3A_296] {strides = array<i32>} : memref<4096xf32, #tpu.memory_space<vmem>>, vector<16xf32>,
      tpu.vector_store %arg6[%parallel_loop3A_296], %broadcast_in_dim3A_1 {strides = array<i32>} : memref<4096xf32, #tpu.memory_space<vmem>>, vector<16xf32>,
    } {sc.loop_unroll_factor = 4 : i64, sc.parallel_access}
    %parallel_loop3A_212 = arith.constant 0 : i32
    %parallel_loop3A_213 = arith.constant 2048 : i32
    %parallel_loop3A_214 = arith.constant 1 : i32
    %parallel_loop3A_215 = arith.constant 1.638400e+04 : f32
    %parallel_loop3A_216:2 = scf.for %parallel_loop3A_289 = %parallel_loop3A_212 to %parallel_loop3A_213 step %parallel_loop3A_214 iter_args(%parallel_loop3A_290 = %broadcast_in_dim3A_1, %parallel_loop3A_291 = %broadcast_in_dim3A_1) -> (vector<16xf32>, vector<16xf32>)  : i32 {
      %parallel_loop3A_292 = arith.constant 16 : i32
      %parallel_loop3A_293 = arith.muli %parallel_loop3A_289, %parallel_loop3A_292 : i32
      %parallel_loop3A_294 = arith.constant 32768 : i32
      %parallel_loop3A_295 = tpu.memref_slice %arg4[%parallel_loop3A_294] : memref<65536xf32, #tpu.memory_space<vmem>> -> memref<32768xf32, #tpu.memory_space<vmem>>
      %parallel_loop3A_296 = arith.index_cast %parallel_loop3A_293 : i32 to index
      %parallel_loop3A_297 = tpu.vector_load %parallel_loop3A_295[%parallel_loop3A_296] {strides = array<i32>} : memref<32768xf32, #tpu.memory_space<vmem>>, vector<16xf32>,
      %parallel_loop3A_298 = vector.broadcast %sub3A_208 : f32 to vector<16xf32>
      %parallel_loop3A_299 = arith.subf %parallel_loop3A_298, %parallel_loop3A_297 : vector<16xf32>
      %parallel_loop3A_300 = vector.broadcast %parallel_loop3A_215 : f32 to vector<16xf32>
      %parallel_loop3A_301 = arith.mulf %parallel_loop3A_299, %parallel_loop3A_300 : vector<16xf32>
      %parallel_loop3A_302 = arith.constant 0.000000e+00 : f32
      %parallel_loop3A_303 = arith.constant 2.550000e+02 : f32
      %parallel_loop3A_304 = vector.broadcast %parallel_loop3A_302 : f32 to vector<16xf32>
      %parallel_loop3A_305 = arith.maximumf %parallel_loop3A_304, %parallel_loop3A_301 : vector<16xf32>
      %parallel_loop3A_306 = vector.broadcast %parallel_loop3A_303 : f32 to vector<16xf32>
      %parallel_loop3A_307 = arith.minimumf %parallel_loop3A_306, %parallel_loop3A_305 : vector<16xf32>
      %parallel_loop3A_308 = arith.fptosi %parallel_loop3A_307 : vector<16xf32> to vector<16xi32>
      %parallel_loop3A_309 = arith.constant 16 : i32
      %parallel_loop3A_310 = vector.broadcast %parallel_loop3A_309 : i32 to vector<16xi32>
      %parallel_loop3A_311 = arith.muli %parallel_loop3A_308, %parallel_loop3A_310 : vector<16xi32>
      %parallel_loop3A_312 = arith.addi %parallel_loop3A_311, %iota3A : vector<16xi32>
      %parallel_loop3A_313 = vector.broadcast %sub3A_208 : f32 to vector<16xf32>
      %parallel_loop3A_314 = arith.cmpf ole, %parallel_loop3A_297, %parallel_loop3A_313 : vector<16xf32>
      %parallel_loop3A_315 = vector.broadcast %sub3A_203 : f32 to vector<16xf32>
      %parallel_loop3A_316 = arith.cmpf oge, %parallel_loop3A_297, %parallel_loop3A_315 : vector<16xf32>
      %parallel_loop3A_317 = arith.andi %parallel_loop3A_314, %parallel_loop3A_316 : vector<16xi1>
      tpu.vector_store_idx %arg5[%parallel_loop3A_312], %broadcast_in_dim3A_3 masked %parallel_loop3A_317 {add = true} : memref<4096xf32, #tpu.memory_space<vmem>>[vector<16xi32>], vector<16xf32>, vector<16xi1>
      tpu.vector_store_idx %arg6[%parallel_loop3A_312], %parallel_loop3A_297 masked %parallel_loop3A_317 {add = true} : memref<4096xf32, #tpu.memory_space<vmem>>[vector<16xi32>], vector<16xf32>, vector<16xi1>
      %parallel_loop3A_318 = vector.broadcast %sub3A_208 : f32 to vector<16xf32>
      %parallel_loop3A_319 = arith.cmpf ogt, %parallel_loop3A_297, %parallel_loop3A_318 : vector<16xf32>
      %parallel_loop3A_320 = arith.constant 1.000000e+00 : f32
      %parallel_loop3A_321 = arith.constant 0.000000e+00 : f32
      %parallel_loop3A_322 = vector.broadcast %parallel_loop3A_320 : f32 to vector<16xf32>
      %parallel_loop3A_323 = vector.broadcast %parallel_loop3A_321 : f32 to vector<16xf32>
      %parallel_loop3A_324 = arith.select %parallel_loop3A_319, %parallel_loop3A_322, %parallel_loop3A_323 : vector<16xi1>, vector<16xf32>
      %parallel_loop3A_325 = arith.addf %parallel_loop3A_290, %parallel_loop3A_324 : vector<16xf32>
      %parallel_loop3A_326 = arith.constant 0.000000e+00 : f32
      %parallel_loop3A_327 = vector.broadcast %parallel_loop3A_326 : f32 to vector<16xf32>
      %parallel_loop3A_328 = arith.select %parallel_loop3A_319, %parallel_loop3A_297, %parallel_loop3A_327 : vector<16xi1>, vector<16xf32>
      %parallel_loop3A_329 = arith.addf %parallel_loop3A_291, %parallel_loop3A_328 : vector<16xf32>
      scf.yield %parallel_loop3A_325, %parallel_loop3A_329 : vector<16xf32>, vector<16xf32>
    } {sc.loop_unroll_factor = 4 : i64, sc.parallel_access}
    %reduce_sum3A_217 = arith.constant true
    %reduce_sum3A_218 = vector.broadcast %reduce_sum3A_217 : i1 to vector<16xi1>
    %reduce_sum3A_219 = tpu.scan <sum>, %parallel_loop3A_216#0 masked %reduce_sum3A_218 : vector<16xf32>, vector<16xi1> -> vector<16xf32>
    %reduce_sum3A_220 = vector.extract %reduce_sum3A_219[15] : f32 from vector<16xf32>
    %reduce_sum3A_221 = arith.constant true
    %reduce_sum3A_222 = vector.broadcast %reduce_sum3A_221 : i1 to vector<16xi1>
    %reduce_sum3A_223 = tpu.scan <sum>, %parallel_loop3A_216#1 masked %reduce_sum3A_222 : vector<16xf32>, vector<16xi1> -> vector<16xf32>
    %reduce_sum3A_224 = vector.extract %reduce_sum3A_223[15] : f32 from vector<16xf32>
    %parallel_loop3A_225 = arith.constant 0 : i32
    %parallel_loop3A_226 = arith.constant 256 : i32
    %parallel_loop3A_227 = arith.constant 1 : i32
    %parallel_loop3A_228 = arith.constant 6.10351563E-5 : f32
    %parallel_loop3A_229 = arith.constant 0.000000e+00 : f32
    %parallel_loop3A_230 = arith.constant 0.000000e+00 : f32
    %parallel_loop3A_231 = arith.constant 255 : i32
    %parallel_loop3A_232 = arith.constant false
    %parallel_loop3A_233 = arith.constant 1.000000e+00 : f32
    %parallel_loop3A_234 = arith.constant 0.000000e+00 : f32
    %parallel_loop3A_235:6 = scf.for %parallel_loop3A_289 = %parallel_loop3A_225 to %parallel_loop3A_226 step %parallel_loop3A_227 iter_args(%parallel_loop3A_290 = %parallel_loop3A_229, %parallel_loop3A_291 = %parallel_loop3A_230, %parallel_loop3A_292 = %parallel_loop3A_231, %parallel_loop3A_293 = %parallel_loop3A_232, %parallel_loop3A_294 = %parallel_loop3A_233, %parallel_loop3A_295 = %parallel_loop3A_234) -> (f32, f32, i32, i1, f32, f32)  : i32 {
      %parallel_loop3A_296 = arith.constant 16 : i32
      %parallel_loop3A_297 = arith.muli %parallel_loop3A_289, %parallel_loop3A_296 : i32
      %parallel_loop3A_298 = arith.index_cast %parallel_loop3A_297 : i32 to index
      %parallel_loop3A_299 = tpu.vector_load %arg5[%parallel_loop3A_298] {strides = array<i32>} : memref<4096xf32, #tpu.memory_space<vmem>>, vector<16xf32>,
      %parallel_loop3A_300 = arith.constant true
      %parallel_loop3A_301 = vector.broadcast %parallel_loop3A_300 : i1 to vector<16xi1>
      %parallel_loop3A_302 = tpu.scan <sum>, %parallel_loop3A_299 masked %parallel_loop3A_301 : vector<16xf32>, vector<16xi1> -> vector<16xf32>
      %parallel_loop3A_303 = vector.extract %parallel_loop3A_302[15] : f32 from vector<16xf32>
      %parallel_loop3A_304 = arith.addf %parallel_loop3A_290, %parallel_loop3A_303 : f32
      %parallel_loop3A_305 = arith.constant 16 : i32
      %parallel_loop3A_306 = arith.muli %parallel_loop3A_289, %parallel_loop3A_305 : i32
      %parallel_loop3A_307 = arith.index_cast %parallel_loop3A_306 : i32 to index
      %parallel_loop3A_308 = tpu.vector_load %arg6[%parallel_loop3A_307] {strides = array<i32>} : memref<4096xf32, #tpu.memory_space<vmem>>, vector<16xf32>,
      %parallel_loop3A_309 = arith.constant true
      %parallel_loop3A_310 = vector.broadcast %parallel_loop3A_309 : i1 to vector<16xi1>
      %parallel_loop3A_311 = tpu.scan <sum>, %parallel_loop3A_308 masked %parallel_loop3A_310 : vector<16xf32>, vector<16xi1> -> vector<16xf32>
      %parallel_loop3A_312 = vector.extract %parallel_loop3A_311[15] : f32 from vector<16xf32>
      %parallel_loop3A_313 = arith.addf %parallel_loop3A_291, %parallel_loop3A_312 : f32
      %parallel_loop3A_314 = arith.constant 1 : i32
      %parallel_loop3A_315 = arith.addi %parallel_loop3A_289, %parallel_loop3A_314 : i32
      %parallel_loop3A_316 = arith.sitofp %parallel_loop3A_315 : i32 to f32
      %parallel_loop3A_317 = arith.mulf %parallel_loop3A_316, %parallel_loop3A_228 : f32
      %parallel_loop3A_318 = arith.subf %sub3A_208, %parallel_loop3A_317 : f32
      %parallel_loop3A_319 = arith.addf %reduce_sum3A_224, %parallel_loop3A_313 : f32
      %parallel_loop3A_320 = arith.addf %reduce_sum3A_220, %parallel_loop3A_304 : f32
      %parallel_loop3A_321 = arith.mulf %parallel_loop3A_320, %parallel_loop3A_318 : f32
      %parallel_loop3A_322 = arith.subf %parallel_loop3A_319, %parallel_loop3A_321 : f32
      %parallel_loop3A_323 = arith.constant 1.000000e+00 : f32
      %parallel_loop3A_324 = arith.subf %parallel_loop3A_322, %parallel_loop3A_323 : f32
      %parallel_loop3A_325 = arith.constant 0.000000e+00 : f32
      %parallel_loop3A_326 = arith.cmpf oge, %parallel_loop3A_324, %parallel_loop3A_325 : f32
      %parallel_loop3A_327 = arith.constant true
      %parallel_loop3A_328 = arith.xori %parallel_loop3A_293, %parallel_loop3A_327 : i1
      %parallel_loop3A_329 = arith.andi %parallel_loop3A_326, %parallel_loop3A_328 : i1
      %parallel_loop3A_330 = arith.select %parallel_loop3A_329, %parallel_loop3A_289, %parallel_loop3A_292 : i32
      %parallel_loop3A_331 = arith.addf %reduce_sum3A_220, %parallel_loop3A_304 : f32
      %parallel_loop3A_332 = arith.select %parallel_loop3A_329, %parallel_loop3A_331, %parallel_loop3A_294 : f32
      %parallel_loop3A_333 = arith.addf %reduce_sum3A_224, %parallel_loop3A_313 : f32
      %parallel_loop3A_334 = arith.select %parallel_loop3A_329, %parallel_loop3A_333, %parallel_loop3A_295 : f32
      %parallel_loop3A_335 = arith.ori %parallel_loop3A_293, %parallel_loop3A_329 : i1
      scf.yield %parallel_loop3A_304, %parallel_loop3A_313, %parallel_loop3A_330, %parallel_loop3A_335, %parallel_loop3A_332, %parallel_loop3A_334 : f32, f32, i32, i1, f32, f32
    } {sc.loop_unroll_factor = 4 : i64, sc.parallel_access}
    %add3A_236 = arith.addf %reduce_sum3A_220, %parallel_loop3A_235#0 : f32
    %select_n3A_237 = arith.select %parallel_loop3A_235#3, %parallel_loop3A_235#4, %add3A_236 : f32
    %add3A_238 = arith.addf %reduce_sum3A_224, %parallel_loop3A_235#1 : f32
    %select_n3A_239 = arith.select %parallel_loop3A_235#3, %parallel_loop3A_235#5, %add3A_238 : f32
    %convert_element_type3A_240 = arith.sitofp %parallel_loop3A_235#2 : i32 to f32
    %add3A_241 = arith.constant 3.000000e+00 : f32
    %add3A_242 = arith.addf %convert_element_type3A_240, %add3A_241 : f32
    %mul3A_243 = arith.constant 6.10351563E-5 : f32
    %mul3A_244 = arith.mulf %add3A_242, %mul3A_243 : f32
    %sub3A_245 = arith.subf %sub3A_208, %mul3A_244 : f32
    %sub3A_246 = arith.constant 1.000000e+00 : f32
    %sub3A_247 = arith.subf %convert_element_type3A_240, %sub3A_246 : f32
    %mul3A_248 = arith.constant 6.10351563E-5 : f32
    %mul3A_249 = arith.mulf %sub3A_247, %mul3A_248 : f32
    %sub3A_250 = arith.subf %sub3A_208, %mul3A_249 : f32
    %sub3A_251 = arith.constant 1.000000e+00 : f32
    %sub3A_252 = arith.subf %select_n3A_239, %sub3A_251 : f32
    %broadcast_in_dim3A_253 = vector.broadcast %sub3A_252 : f32 to vector<16xf32>
    %broadcast_in_dim3A_254 = vector.broadcast %select_n3A_237 : f32 to vector<16xf32>
    %div3A_255 = arith.divf %broadcast_in_dim3A_253, %broadcast_in_dim3A_254 : vector<16xf32>
    %parallel_loop3A_256 = arith.constant 0 : i32
    %parallel_loop3A_257 = arith.constant 2048 : i32
    %parallel_loop3A_258 = arith.constant 1 : i32
    scf.for %parallel_loop3A_289 = %parallel_loop3A_256 to %parallel_loop3A_257 step %parallel_loop3A_258  : i32 {
      %parallel_loop3A_290 = arith.constant 16 : i32
      %parallel_loop3A_291 = arith.muli %parallel_loop3A_289, %parallel_loop3A_290 : i32
      %parallel_loop3A_292 = arith.constant 32768 : i32
      %parallel_loop3A_293 = tpu.memref_slice %arg4[%parallel_loop3A_292] : memref<65536xf32, #tpu.memory_space<vmem>> -> memref<32768xf32, #tpu.memory_space<vmem>>
      %parallel_loop3A_294 = arith.index_cast %parallel_loop3A_291 : i32 to index
      %parallel_loop3A_295 = tpu.vector_load %parallel_loop3A_293[%parallel_loop3A_294] {strides = array<i32>} : memref<32768xf32, #tpu.memory_space<vmem>>, vector<16xf32>,
      %parallel_loop3A_296 = arith.subf %parallel_loop3A_295, %div3A_255 : vector<16xf32>
      %parallel_loop3A_297 = arith.constant 0.000000e+00 : f32
      %parallel_loop3A_298 = vector.broadcast %parallel_loop3A_297 : f32 to vector<16xf32>
      %parallel_loop3A_299 = arith.maximumf %parallel_loop3A_296, %parallel_loop3A_298 : vector<16xf32>
      %parallel_loop3A_300 = arith.constant 16 : i32
      %parallel_loop3A_301 = arith.muli %parallel_loop3A_289, %parallel_loop3A_300 : i32
      %parallel_loop3A_302 = arith.constant 32768 : i32
      %parallel_loop3A_303 = tpu.memref_slice %arg4[%parallel_loop3A_302] : memref<65536xf32, #tpu.memory_space<vmem>> -> memref<32768xf32, #tpu.memory_space<vmem>>
      %parallel_loop3A_304 = arith.index_cast %parallel_loop3A_301 : i32 to index
      %parallel_loop3A_305 = tpu.vector_load %parallel_loop3A_303[%parallel_loop3A_304] {strides = array<i32>} : memref<32768xf32, #tpu.memory_space<vmem>>, vector<16xf32>,
      tpu.vector_store %parallel_loop3A_303[%parallel_loop3A_304], %parallel_loop3A_299 {strides = array<i32>} : memref<32768xf32, #tpu.memory_space<vmem>>, vector<16xf32>,
    } {sc.loop_unroll_factor = 8 : i64, sc.parallel_access}
    %dma_wait3A_259 = arith.constant 0 : i32
    %dma_wait3A_260 = tpu.memref_slice %arg4[%dma_wait3A_259] : memref<65536xf32, #tpu.memory_space<vmem>> -> memref<32768xf32, #tpu.memory_space<vmem>>
    %dma_wait3A_261 = arith.constant 0 : i32
    %dma_wait3A_262 = tpu.memref_slice %arg3[%add3A_34, %dma_wait3A_261] : memref<128x32768xf32, #tpu.memory_space<hbm>> -> memref<1x32768xf32, #tpu.memory_space<hbm>>
    %dma_wait3A_263 = tpu.memref_squeeze %dma_wait3A_262 : memref<1x32768xf32, #tpu.memory_space<hbm>> -> memref<32768xf32, #tpu.memory_space<hbm>>
    %dma_wait3A_264 = arith.constant 0 : i32
    %dma_wait3A_265 = tpu.memref_slice %arg3[%add3A_34, %dma_wait3A_264] : memref<128x32768xf32, #tpu.memory_space<hbm>> -> memref<1x32768xf32, #tpu.memory_space<hbm>>
    %dma_wait3A_266 = tpu.memref_squeeze %dma_wait3A_265 : memref<1x32768xf32, #tpu.memory_space<hbm>> -> memref<32768xf32, #tpu.memory_space<hbm>>
    %dma_wait3A_267 = arith.constant 0 : i32
    %dma_wait3A_268 = tpu.memref_slice %arg4[%dma_wait3A_267] : memref<65536xf32, #tpu.memory_space<vmem>> -> memref<32768xf32, #tpu.memory_space<vmem>>
    tpu.wait_dma2 semaphore(%arg8 : memref<!tpu.dma_semaphore, #tpu.memory_space<semaphore_mem>>) src(%dma_wait3A_268 : memref<32768xf32, #tpu.memory_space<vmem>>) dst(%dma_wait3A_266 : memref<32768xf32, #tpu.memory_space<hbm>>)
    %dma_start3A_269 = arith.constant 32768 : i32
    %dma_start3A_270 = tpu.memref_slice %arg4[%dma_start3A_269] : memref<65536xf32, #tpu.memory_space<vmem>> -> memref<32768xf32, #tpu.memory_space<vmem>>
    %dma_start3A_271 = arith.constant 0 : i32
    %dma_start3A_272 = tpu.memref_slice %arg3[%add3A_149, %dma_start3A_271] : memref<128x32768xf32, #tpu.memory_space<hbm>> -> memref<1x32768xf32, #tpu.memory_space<hbm>>
    %dma_start3A_273 = tpu.memref_squeeze %dma_start3A_272 : memref<1x32768xf32, #tpu.memory_space<hbm>> -> memref<32768xf32, #tpu.memory_space<hbm>>
    %dma_start3A_274 = arith.constant 0 : i32
    %dma_start3A_275 = tpu.memref_slice %arg3[%add3A_149, %dma_start3A_274] : memref<128x32768xf32, #tpu.memory_space<hbm>> -> memref<1x32768xf32, #tpu.memory_space<hbm>>
    %dma_start3A_276 = tpu.memref_squeeze %dma_start3A_275 : memref<1x32768xf32, #tpu.memory_space<hbm>> -> memref<32768xf32, #tpu.memory_space<hbm>>
    %dma_start3A_277 = arith.constant 32768 : i32
    %dma_start3A_278 = tpu.memref_slice %arg4[%dma_start3A_277] : memref<65536xf32, #tpu.memory_space<vmem>> -> memref<32768xf32, #tpu.memory_space<vmem>>
    tpu.enqueue_dma source(%dma_start3A_278 : memref<32768xf32, #tpu.memory_space<vmem>>) target(%dma_start3A_276 : memref<32768xf32, #tpu.memory_space<hbm>>) target_semaphore(%arg8 : memref<!tpu.dma_semaphore, #tpu.memory_space<semaphore_mem>>)
    %dma_wait3A_279 = arith.constant 32768 : i32
    %dma_wait3A_280 = tpu.memref_slice %arg4[%dma_wait3A_279] : memref<65536xf32, #tpu.memory_space<vmem>> -> memref<32768xf32, #tpu.memory_space<vmem>>
    %dma_wait3A_281 = arith.constant 0 : i32
    %dma_wait3A_282 = tpu.memref_slice %arg3[%add3A_149, %dma_wait3A_281] : memref<128x32768xf32, #tpu.memory_space<hbm>> -> memref<1x32768xf32, #tpu.memory_space<hbm>>
    %dma_wait3A_283 = tpu.memref_squeeze %dma_wait3A_282 : memref<1x32768xf32, #tpu.memory_space<hbm>> -> memref<32768xf32, #tpu.memory_space<hbm>>
    %dma_wait3A_284 = arith.constant 0 : i32
    %dma_wait3A_285 = tpu.memref_slice %arg3[%add3A_149, %dma_wait3A_284] : memref<128x32768xf32, #tpu.memory_space<hbm>> -> memref<1x32768xf32, #tpu.memory_space<hbm>>
    %dma_wait3A_286 = tpu.memref_squeeze %dma_wait3A_285 : memref<1x32768xf32, #tpu.memory_space<hbm>> -> memref<32768xf32, #tpu.memory_space<hbm>>
    %dma_wait3A_287 = arith.constant 32768 : i32
    %dma_wait3A_288 = tpu.memref_slice %arg4[%dma_wait3A_287] : memref<65536xf32, #tpu.memory_space<vmem>> -> memref<32768xf32, #tpu.memory_space<vmem>>
    tpu.wait_dma2 semaphore(%arg8 : memref<!tpu.dma_semaphore, #tpu.memory_space<semaphore_mem>>) src(%dma_wait3A_288 : memref<32768xf32, #tpu.memory_space<vmem>>) dst(%dma_wait3A_286 : memref<32768xf32, #tpu.memory_space<hbm>>)
    return
  }
}

module attributes {stable_mosaic.version = 14 : i64} {
  func.func @_tc_body(%arg0: i32, %arg1: memref<8x32768xf32, #tpu.memory_space<vmem>>, %arg2: memref<8x32768xf32, #tpu.memory_space<vmem>>) attributes {dimension_semantics = [#tpu.dimension_semantics<arbitrary>], iteration_bounds = array<i64: 8>, scalar_prefetch = 0 : i64, scratch_operands = 0 : i64, tpu.core_type = #tpu.core_type<tc>, window_params = [{transform_indices = @transform_0, window_bounds = array<i64: 8, 32768>}, {transform_indices = @transform_1, window_bounds = array<i64: 8, 32768>}]} {
    %get3A = arith.constant 0 : index
    %get3A_0 = arith.constant 0 : index
    %get3A_1 = vector.load %arg1[%get3A, %get3A_0] : memref<8x32768xf32, #tpu.memory_space<vmem>>, vector<8x32768xf32>
    %reduce_max3A = arith.constant dense<0xFF800000> : vector<8xf32>
    %reduce_max3A_2 = vector.multi_reduction <maximumf>, %get3A_1, %reduce_max3A [1] : vector<8x32768xf32> to vector<8xf32>
    %broadcast_in_dim3A = vector.shape_cast %reduce_max3A_2 : vector<8xf32> to vector<8x1xf32>
    %sub3A = arith.constant 1.000000e+00 : f32
    %sub3A_3 = vector.broadcast %sub3A : f32 to vector<8x1xf32>
    %sub3A_4 = arith.subf %broadcast_in_dim3A, %sub3A_3 : vector<8x1xf32>
    %scan3A = arith.constant 0 : i32
    %scan3A_5 = arith.constant 12 : i32
    %scan3A_6 = arith.addi %scan3A, %scan3A_5 : i32
    %scan3A_7 = arith.constant 1 : i32
    %scan3A_8:2 = scf.for %scan3A_26 = %scan3A to %scan3A_6 step %scan3A_7 iter_args(%scan3A_27 = %sub3A_4, %scan3A_28 = %broadcast_in_dim3A) -> (vector<8x1xf32>, vector<8x1xf32>)  : i32 {
      %add3A = arith.addf %scan3A_27, %scan3A_28 : vector<8x1xf32>
      %mul3A = arith.constant 5.000000e-01 : f32
      %mul3A_29 = vector.broadcast %mul3A : f32 to vector<8x1xf32>
      %mul3A_30 = arith.mulf %mul3A_29, %add3A : vector<8x1xf32>
      %sub3A_31 = vector.broadcast %mul3A_30 : vector<8x1xf32> to vector<8x32768xf32>
      %sub3A_32 = arith.subf %get3A_1, %sub3A_31 : vector<8x32768xf32>
      %max3A_33 = arith.constant 0.000000e+00 : f32
      %max3A_34 = vector.broadcast %max3A_33 : f32 to vector<8x32768xf32>
      %max3A_35 = arith.maximumf %sub3A_32, %max3A_34 : vector<8x32768xf32>
      %reduce_sum3A_36 = arith.constant dense<0.000000e+00> : vector<8xf32>
      %reduce_sum3A_37 = vector.multi_reduction <add>, %max3A_35, %reduce_sum3A_36 [1] : vector<8x32768xf32> to vector<8xf32>
      %broadcast_in_dim3A_38 = vector.shape_cast %reduce_sum3A_37 : vector<8xf32> to vector<8x1xf32>
      %gt3A_39 = arith.constant 1.000000e+00 : f32
      %gt3A_40 = vector.broadcast %gt3A_39 : f32 to vector<8x1xf32>
      %gt3A_41 = arith.cmpf ogt, %broadcast_in_dim3A_38, %gt3A_40 : vector<8x1xf32>
      %select_n3A_42 = arith.select %gt3A_41, %mul3A_30, %scan3A_27 : vector<8x1xi1>, vector<8x1xf32>
      %select_n3A_43 = arith.select %gt3A_41, %scan3A_28, %mul3A_30 : vector<8x1xi1>, vector<8x1xf32>
      scf.yield %select_n3A_42, %select_n3A_43 : vector<8x1xf32>, vector<8x1xf32>
    }
    %gt3A = vector.broadcast %scan3A_8#0 : vector<8x1xf32> to vector<8x32768xf32>
    %gt3A_9 = arith.cmpf ogt, %get3A_1, %gt3A : vector<8x32768xf32>
    %convert_element_type3A = arith.extui %gt3A_9 : vector<8x32768xi1> to vector<8x32768xi32>
    %convert_element_type3A_10 = arith.sitofp %convert_element_type3A : vector<8x32768xi32> to vector<8x32768xf32>
    %reduce_sum3A = arith.constant dense<0.000000e+00> : vector<8xf32>
    %reduce_sum3A_11 = vector.multi_reduction <add>, %convert_element_type3A_10, %reduce_sum3A [1] : vector<8x32768xf32> to vector<8xf32>
    %broadcast_in_dim3A_12 = vector.shape_cast %reduce_sum3A_11 : vector<8xf32> to vector<8x1xf32>
    %jit3A = arith.constant 0.000000e+00 : f32
    %broadcast_in_dim3A_13 = vector.broadcast %jit3A : f32 to vector<8x32768xf32>
    %select_n3A = arith.select %gt3A_9, %get3A_1, %broadcast_in_dim3A_13 : vector<8x32768xi1>, vector<8x32768xf32>
    %reduce_sum3A_14 = arith.constant dense<0.000000e+00> : vector<8xf32>
    %reduce_sum3A_15 = vector.multi_reduction <add>, %select_n3A, %reduce_sum3A_14 [1] : vector<8x32768xf32> to vector<8xf32>
    %broadcast_in_dim3A_16 = vector.shape_cast %reduce_sum3A_15 : vector<8xf32> to vector<8x1xf32>
    %sub3A_17 = arith.constant 1.000000e+00 : f32
    %sub3A_18 = vector.broadcast %sub3A_17 : f32 to vector<8x1xf32>
    %sub3A_19 = arith.subf %broadcast_in_dim3A_16, %sub3A_18 : vector<8x1xf32>
    %div3A = arith.divf %sub3A_19, %broadcast_in_dim3A_12 : vector<8x1xf32>
    %sub3A_20 = vector.broadcast %div3A : vector<8x1xf32> to vector<8x32768xf32>
    %sub3A_21 = arith.subf %get3A_1, %sub3A_20 : vector<8x32768xf32>
    %max3A = arith.constant 0.000000e+00 : f32
    %max3A_22 = vector.broadcast %max3A : f32 to vector<8x32768xf32>
    %max3A_23 = arith.maximumf %sub3A_21, %max3A_22 : vector<8x32768xf32>
    %swap3A = arith.constant 0 : index
    %swap3A_24 = arith.constant 0 : index
    %swap3A_25 = vector.load %arg2[%swap3A, %swap3A_24] : memref<8x32768xf32, #tpu.memory_space<vmem>>, vector<8x32768xf32>
    tpu.vector_store %arg2[%swap3A, %swap3A_24], %max3A_23 {strides = array<i32>} : memref<8x32768xf32, #tpu.memory_space<vmem>>, vector<8x32768xf32>,
    return
  }
  func.func @transform_0(%arg0: i32) -> (i32, i32) {
    %add3A = arith.constant 8 : i32
    %add3A_0 = arith.addi %arg0, %add3A : i32
    %c0_i32 = arith.constant 0 : i32
    %c0_i32_1 = arith.constant 0 : i32
    return %add3A_0, %c0_i32 : i32, i32
  }
  func.func @transform_1(%arg0: i32) -> (i32, i32) {
    %c0_i32 = arith.constant 0 : i32
    %c0_i32_0 = arith.constant 0 : i32
    return %arg0, %c0_i32 : i32, i32
  }
}

</mosaic_0001>

<sc_bundles>
// kernel: kernel.4.cloned.1.call-start
scs
__scs_entry_jumppad:
0x0: {  	(pc) =	sbr.rel $0x88, $3  }
0x1: {  	(tag) =	ssettag $0x0;
	lr =	simm.s32 $0x1  }
0x2: {  	[smem:$0x3FA0] =	sst lr;
	_ =	strace $0xD0000000  }
0x3: {  	_ = 	snop  }
0x4: {  	_ = 	snop  }
0x5: {  	_ = 	snop  }
0x6: {  	_ = 	snop  }
0x7: {  	_ = 	snop  }
__scs_overlays_trampoline_lowered:
0x8: {  	[smem:$0x3FAF] =	sst s0  }
0x9: {  	[smem:$0x3FB0] =	sst s1  }
0xa: {  	[smem:$0x3FB1] =	sst s2  }
0xb: {  	[smem:$0x3FB2] =	sst s3  }
0xc: {  	[smem:$0x3FB3] =	sst s4  }
0xd: {  	[smem:$0x3FB4] =	sst s5  }
0xe: {  	[smem:$0x3FB5] =	sst s6  }
0xf: {  	[smem:$0x3FB6] =	sst s7  }
0x10: {  	[smem:$0x3FB7] =	sst s8  }
0x11: {  	[smem:$0x3FB8] =	sst s9;
	s0 =	simm.s32 @!p0 $0x0  }
0x12: {  	s1 =	sld [smem:$0x3F9E];
	s0 =	simm.s32 @p0 $0x1  }
0x13: {  	[smem:$0x3FB9] =	sst s0;
	s0 =	simm.s32 @!p1 $0x0  }
0x14: {  	s2 =	sld [smem:$0x3F9D];
	s0 =	simm.s32 @p1 $0x1  }
0x15: {  	[smem:$0x3FBA] =	sst s0;
	s0 =	simm.s32 @!p2 $0x0  }
0x16: {  	s3 =	sld [smem:$0x3FDB];
	s0 =	simm.s32 @p2 $0x1  }
0x17: {  	s4 =	simm.s32 $0x1BF5;
	[smem:$0x3FBC] =	sst s0  }
0x18: {  	s0 =	sld [smem:$0x3F9F];
	_ =	swait.ge [sflag:s4], $0x0  }
0x19: {  	s7 =	sld [smem:$0x3FA0]  }
0x1a: {  	s8 =	sadd.s32 $0xFFFFE003, lr  }
0x1b: {  	s9 =	sadd.s32 $0xFFFFFEF7, lr;
	s5 =	simm.s32 $0xFFFFFFFF;
	p2 =	slt.u32 s8, $0xFFFFF086  }
0x1c: {  	p1 =	slt.u32 s9, $0xF7A;
	s5 =	simm.s32 @!p2 $0x0  }
0x1d: {  	s5 =	simm.s32 @p1 $0x1;
	p0 =	seq.s32 s7, s2  }
0x1e: {  	s7 =	smul.u32 @!p0 $0xF7A, s2;
	p2 =	seq.s32 @!p0 s5, $0x0  }
0x1f: {  	s9 =	smul.u32 $0xF7A, s1;
	s8 =	simm.s32 @!p0 $0x1BF5;
	p2 =	por !p2, p0  }
0x20: {  	[sflag:s8] =	ssyncset.s32 @!p0 $0xFFFFF086;
	s6 =	sadd.s32 @!p0 s3, s7;
	s7 =	simm.s32 @!p0 $0x108  }
0x21: {  	s3 =	sadd.s32 s3, s9;
	s6 =	sadd.s32 @!p0 $0x88, s6;
	s7 =	simm.s32 @p2 $0x1082  }
0x22: {  	[simem:s7], [sflag:s8] =	dma.local @!p0 [hbm:s6], $0xF7A  }
0x23: {  	s9 =	sor.u32 $0xD0000000, s2;
	s6 =	simm.s32 $0x108;
	_ =	swait.ge @!p0 [sflag:s8], $0x0  }
0x24: {  	s3 =	sadd.s32 $0x88, s3;
	s6 =	simm.s32 @!p1 $0x1082;
	[sflag:s4] =	ssyncset.s32 $0xFFFFF086  }
0x25: {  	[simem:s6], [sflag:s4] =	dma.local [hbm:s3], $0xF7A  }
0x26: {  	[smem:$0x3FA0] =	sst s1;
	(tag) =	ssettag s2;
	_ =	strace s9  }
0x27: {  	s1 =	sld [smem:$0x3FB0]  }
0x28: {  	s2 =	sld [smem:$0x3FB1]  }
0x29: {  	s4 =	sld [smem:$0x3FB3]  }
0x2a: {  	p0 =	seq.s32 s5, $0x0;
	s5 =	sld [smem:$0x3FB4]  }
0x2b: {  	s6 =	sld [smem:$0x3FB5]  }
0x2c: {  	s7 =	sld [smem:$0x3FB6]  }
0x2d: {  	s3 =	simm.s32 $0x108;
	s8 =	sld [smem:$0x3FB7]  }
0x2e: {  	s3 =	simm.s32 @!p0 $0x1082;
	s9 =	sld [smem:$0x3FB8]  }
0x2f: {  	lr =	sadd.s32 s0, s3;
	s0 =	sld [smem:$0x3FAF]  }
0x30: {  	s3 =	sld [smem:$0x3FB2]  }
0x31: {  	[smem:$0x3FBB] =	sst s10  }
0x32: {  	s10 =	sld [smem:$0x3FB9];
	_ =	sdelay $0x3  }
0x33: {  	p0 =	seq.s32 s10, $0x1;
	s10 =	sld [smem:$0x3FBB];
	_ =	sdelay $0x3  }
0x34: {  	[smem:$0x3FBB] =	sst s10  }
0x35: {  	s10 =	sld [smem:$0x3FBA];
	_ =	sdelay $0x3  }
0x36: {  	p1 =	seq.s32 s10, $0x1;
	s10 =	sld [smem:$0x3FBB];
	_ =	sdelay $0x3  }
0x37: {  	[smem:$0x3FBB] =	sst s10  }
0x38: {  	s10 =	sld [smem:$0x3FBC]  }
0x39: {  	_ = 	snop;
	(pc) =	sbr.ind lr, $3  }
0x3a: {  	_ = 	snop  }
0x3b: {  	_ = 	snop  }
0x3c: {  	p2 =	seq.s32 s10, $0x1;
	s10 =	sld [smem:$0x3FBB]  }
0x3d: {  	_ =	shalt  }
0x3e: {  	_ =	shalt  }
0x3f: {  	_ =	shalt  }
0x40: {  	_ =	shalt  }
0x41: {  	_ =	shalt  }
0x42: {  	_ =	shalt  }
0x43: {  	_ =	shalt  }
0x44: {  	_ =	shalt  }
0x45: {  	_ =	shalt  }
0x46: {  	_ =	shalt  }
0x47: {  	_ =	shalt  }
0x48: {  	_ =	shalt  }
0x49: {  	_ =	shalt  }
0x4a: {  	_ =	shalt  }
0x4b: {  	_ =	shalt  }
0x4c: {  	_ =	shalt  }
0x4d: {  	_ =	shalt  }
0x4e: {  	_ =	shalt  }
0x4f: {  	_ =	shalt  }
0x50: {  	_ =	shalt  }
0x51: {  	_ =	shalt  }
0x52: {  	_ =	shalt  }
0x53: {  	_ =	shalt  }
0x54: {  	_ =	shalt  }
0x55: {  	_ =	shalt  }
0x56: {  	_ =	shalt  }
0x57: {  	_ =	shalt  }
0x58: {  	_ =	shalt  }
0x59: {  	_ =	shalt  }
0x5a: {  	_ =	shalt  }
0x5b: {  	_ =	shalt  }
0x5c: {  	_ =	shalt  }
0x5d: {  	_ =	shalt  }
0x5e: {  	_ =	shalt  }
0x5f: {  	_ =	shalt  }
0x60: {  	_ =	shalt  }
0x61: {  	_ =	shalt  }
0x62: {  	_ =	shalt  }
0x63: {  	_ =	shalt  }
0x64: {  	_ =	shalt  }
0x65: {  	_ =	shalt  }
0x66: {  	_ =	shalt  }
0x67: {  	_ =	shalt  }
0x68: {  	_ =	shalt  }
0x69: {  	_ =	shalt  }
0x6a: {  	_ =	shalt  }
0x6b: {  	_ =	shalt  }
0x6c: {  	_ =	shalt  }
0x6d: {  	_ =	shalt  }
0x6e: {  	_ =	shalt  }
0x6f: {  	_ =	shalt  }
0x70: {  	_ =	shalt  }
0x71: {  	_ =	shalt  }
0x72: {  	_ =	shalt  }
0x73: {  	_ =	shalt  }
0x74: {  	_ =	shalt  }
0x75: {  	_ =	shalt  }
0x76: {  	_ =	shalt  }
0x77: {  	_ =	shalt  }
0x78: {  	_ =	shalt  }
0x79: {  	_ =	shalt  }
0x7a: {  	_ =	shalt  }
0x7b: {  	_ =	shalt  }
0x7c: {  	_ =	shalt  }
0x7d: {  	_ =	shalt  }
0x7e: {  	_ =	shalt  }
0x7f: {  	_ =	shalt  }
0x80: {  	_ =	shalt  }
0x81: {  	_ =	shalt  }
0x82: {  	_ =	shalt  }
0x83: {  	_ =	shalt  }
0x84: {  	_ =	shalt  }
0x85: {  	_ =	shalt  }
0x86: {  	_ =	shalt  }
0x87: {  	_ =	shalt  }
.Lfunc_end0:
.L_simem_size_0:
called_computation_lowered:
.L_overlay_start_0:
0x88: {  	s2 =	sld [smem:$0x3FD9]  }
0x89: {  	s3 =	sld [smem:$0x3FFE];
	_ =	sdelay $0x1  }
0x8a: {  	s1 =	srdreg.scid  }
0x8b: {  	s0 =	sand.u32 $0x1, s1  }
0x8c: {  	s18 =	sshll.u32 s0, $0xA;
	s2 =	sadd.s32 s3, s2  }
0x8d: {  	s2 =	sadd.s32 s2, s18  }
0x8e: {  	[smem:$0x3FC7] =	sst s2  }
0x8f: {  	_ = 	snop  }
0x90: {  	s2 =	sld [smem:$0x3FC9]  }
0x91: {  	s19 =	sld [smem:$0x3FD0];
	(tm) =	ssettm $0x1  }
0x92: {  	s4 =	sld [smem:$0x3FFB];
	_ =	sdelay $0x3  }
0x93: {  	_ =	strace s4  }
0x94: {  	s4 =	sld [smem:$0x3FFC];
	_ =	sdelay $0x3  }
0x95: {  	_ =	strace s4  }
0x96: {  	s4 =	sld [smem:$0x3FFD];
	_ =	sdelay $0x3  }
0x97: {  	_ =	strace s4  }
0x98: {  	_ =	strace $0x8FFFFFFF  }
0x99: {  	s20 =	sld [smem:$0x3FDB];
	_ =	sdelay $0x1  }
0x9a: {  	s5 =	simm.s32 $_scs_section_size  }
0x9b: {  	s6 =	simm.s32 $_size__tile_overlayer_lowered;
	s7 =	simm.s32 $_tile_overlayer_lowered  }
0x9c: {  	s23 =	simm.s32 $0x1BFF;
	s22 =	sshll.u32 s7, $0x1;
	s4 =	sadd.s32 s5, s20  }
0x9d: {  	s8 =	simm.s32 $0x0;
	s21 =	sshll.u32 s6, $0x1;
	s6 =	sadd.s32 s22, s4  }
0x9e: {  	[timem:s8], [sflag:s23] =	dma.local [hbm:s6], s21  }
0x9f: {  	_ =	swait.ge [sflag:s23], s21  }
0xa0: {  	s5 =	ssub.s32 $0x0, s21;
	[sflag:s23] =	ssyncset.done $0x0  }
0xa1: {  	[sflag:s23] =	ssyncadd.s32 s5;
	_ =	sdelay $0x1  }
0xa2: {  	s24 =	simm.s32 $0x1B8B  }
0xa3: {  	_ =	swait.ge [sflag:s24], $0x1  }
0xa4: {  	[sflag:s24] =	ssyncset.done $0x0  }
0xa5: {  	s25 =	simm.s32 $0x1B8E;
	[sflag:s24] =	ssyncadd.s32 $0xFFFFFFFF  }
0xa6: {  	s26 =	simm.s32 $execute0_lowered;
	[smem:$0x3FD2] =	sst s25  }
0xa7: {  	s5 =	sshll.u32 s26, $0x1;
	_ =	strace $0x80000046;
	[dreg:$0x1] =	wrdreg $0xFFFFFFFF  }
0xa8: {  	s28 =	simm.s32 $_size_execute0_lowered;
	s4 =	sadd.s32 s4, s5;
	[dreg:$0x0] =	wrdreg $0x0  }
0xa9: {  	s5 =	sshll.u32 s28, $0x1;
	[dreg:$0x2] =	wrdreg s4  }
0xaa: {  	[dreg:$0x3] =	wrdreg s5  }
0xab: {  	[dreg:$0x4] =	wrdreg $0xC0  }
0xac: {  	_ =	task [dreg:s8], $0x5FFFF  }
0xad: {  	[dreg:$0x1] =	wrdreg $0xFFFFFFFF  }
0xae: {  	[dreg:$0x0] =	wrdreg $0x60  }
0xaf: {  	[dreg:$0x2] =	wrdreg s2  }
0xb0: {  	[dreg:$0x3] =	wrdreg s19  }
0xb1: {  	[dreg:$0x4] =	wrdreg $0x9  }
0xb2: {  	_ =	task.clear_ibuf [dreg:s8], $0x5FFFF;
	_ =	strace $0x90000046  }
0xb3: {  	s29 =	simm.s32 $0x9;
	_ =	strace $0x80000048  }
0xb4: {  	_ =	swait.ge [sflag:s29], $0x1  }
0xb5: {  	[sflag:s29] =	ssyncadd.s32 $0xFFFFFFFF  }
0xb6: {  	_ =	strace $0x90000048  }
0xb7: {  	_ =	sfence  }
0xb8: {  	s30 =	sld [smem:$0x0];
	_ =	sdelay $0x2  }
0xb9: {  	s31 =	sshll.u32 s1, $0xD;
	s1 =	sshrl.u32 s1, $0x2  }
0xba: {  	s3 =	sand.u32 $0x4000, s31;
	s1 =	sadd.s32 s1, s30  }
0xbb: {  	s0 =	sor.u32 s3, s0;
	s1 =	sshll.u32 s1, $0x11  }
0xbc: {  	s0 =	sor.u32 s1, s0  }
0xbd: {  	s0 =	sadd.s32 $0x8F2B, s0  }
0xbe: {  	[sflag:s0] =	ssyncadd.remote.s32 $0x1  }
0xbf: {  	_ =	sfence.sel $0xFFFF  }
0xc0: {  	[dreg:$0x0] =	wrdreg $0xFFFFFFFF;
	(pc) =	sbr.abs _section_cstart, $3  }
0xc1: {  	[dreg:$0x1] =	wrdreg $0xFFFFFFFF  }
0xc2: {  	_ =	task.clear_ibuf [dreg:s8], $0x2FFFF;
	_ =	strace $0x9FFFFFFF  }
0xc3: {  	(tm) =	ssettm $0x7FFFFFFF  }
tec
execute0_lowered:
.L_overlay_start_1:
0x0: {  	(tag) =	ssettag $0x1  }
0x1: {  	s0 =	rddreg [dreg:$0x0]  }
0x2: {  	s1 =	rddreg [dreg:$0x1]  }
0x3: {  	s3 =	simm.s32 $0x0;
	s2 =	srdreg.scid;
	s5 =	stileid.u32  }
0x4: {  	[smem:$0x7FF] =	sst s3;
	s2 =	sand.u32 $0x1, s2;
	s24 =	sshll.u32 s5, $0x6  }
0x5: {  	s5 =	sshll.u32 s5, $0xE;
	s4 =	sshll.u32 s2, $0x5;
	s3 =	sand.u32 $0x40, s24  }
0x6: {  	s6 =	simm.s32 $0x11000;
	s5 =	sand.u32 $0x38000, s5;
	s3 =	sor.u32 s4, s3  }
0x7: {  	s7 =	simm.s32 $0x0;
	s2 =	ssub.s32 $0x2, s2;
	s3 =	sor.u32 s5, s3  }
0x8: {  	_ =	strace $0x80000047;
	s25 =	sshrl.u32 s2, $0x1;
	s26 =	sadd.s32 s0, s3  }
0x9: {  	s2 =	ssub.s32 s2, s25;
	s29 =	sadd.s32 s1, s3;
	[dreg:$0x5] =	wrdreg s26  }
0xa: {  	s28 =	sor.u32 $0x10, s3;
	s31 =	smax.u32 s2, $0x1;
	[dreg:$0x7] =	wrdreg s29  }
0xb: {  	s4 =	simm.s32 $0x8000;
	s0 =	sadd.s32 s0, s28;
	[dreg:$0x9] =	wrdreg s31  }
0xc: {  	s5 =	simm.s32 $0x10000;
	s30 =	sadd.s32 s1, s28;
	[dreg:$0x6] =	wrdreg s0  }
0xd: {  	v0 =	vimm.f32 $0.0e+00;
	v1 =	vlaneseq.u32;
	v2 =	vimm.f32 $1.000000000e+00;
	s2 =	simm.s32 $0x80;
	s3 =	simm.s32 $0x400;
	[dreg:$0x8] =	wrdreg s30  }
.LBB2_1:
0xe: {  	s0 =	simm.s32 $0x0;
	s1 =	rddreg [dreg:$0x5]  }
0xf: {  	[tilespmem:s0], [sflag:$0x1] =	stream.strided.gather [hbm4b:s1+s2], $0x8000, s3, s2, $0x38;
	[tilespmem:$0x12000] =	vst v63  }
0x10: {  	s29 =	rddreg [dreg:$0x6];
	s30 =	simm.s32 $0x1  }
0x11: {  	[tilespmem:s4], [sflag:$0x1] =	stream.strided.gather [hbm4b:s29+s2], $0x8000, s3, s2, $0x38;
	[tilespmem:$0x12000] =	vst v63  }
0x12: {  	_ =	swait.ge [sflag:s30], $0x8000  }
0x13: {  	[sflag:s30] =	ssyncset.done $0x0  }
0x14: {  	s31 =	simm.s32 $0x40;
	[sflag:s30] =	ssyncadd.s32 $0xFFFF8000  }
0x15: {  	v5 =	vld [tilespmem:s31+$0xFFFFFFC0]  }
0x16: {  	v6 =	vld [tilespmem:s31+$0xFFFFFFD0]  }
0x17: {  	v7 =	vld [tilespmem:s31+$0xFFFFFFE0]  }
0x18: {  	v3 =	vld [tilespmem:s31+$0xFFFFFFF0]  }
0x19: {  	v8 =	vimm.f32 $-Inf;
	v4 =	vld [tilespmem:s31+$0x0]  }
0x1a: {  	v8 =	vmax.f32 v8, v5;
	v5 =	vld [tilespmem:s31+$0x10]  }
0x1b: {  	v8 =	vmax.f32 v8, v6;
	v6 =	vld [tilespmem:s31+$0x20]  }
0x1c: {  	s1 =	simm.s32 $0x0;
	s2 =	simm.s32 $0xC0;
	v8 =	vmax.f32 v8, v7;
	v7 =	vld [tilespmem:s31+$0x30]  }
.LBB2_2:
0x1d: {  	v9 =	vld [tilespmem:s2+$0xFFFFFFC0];
	s1 =	sadd.s32 $0x8, s1;
	v3 =	vmax.f32 v8, v3  }
0x1e: {  	v8 =	vld [tilespmem:s2+$0xFFFFFFD0];
	p0 =	slt.u32 s1, $0x7F8;
	v3 =	vmax.f32 v3, v4  }
0x1f: {  	v10 =	vld [tilespmem:s2+$0xFFFFFFE0];
	v4 =	vmax.f32 v3, v5  }
.Ltmp0:
0x20: {  	v3 =	vld [tilespmem:s2+$0xFFFFFFF0];
	v5 =	vmax.f32 v4, v6;
	(pc) =	sbr.rel @p0 .LBB2_2-.Ltmp0, $4  }
0x21: {  	s0 =	simm.s32 $0x11020;
	s3 =	simm.s32 $0x10020;
	v4 =	vld [tilespmem:s2+$0x0];
	v5 =	vmax.f32 v5, v7  }
0x22: {  	v6 =	vmax.f32 v5, v9;
	v5 =	vld [tilespmem:s2+$0x10]  }
0x23: {  	v7 =	vmax.f32 v6, v8;
	v6 =	vld [tilespmem:s2+$0x20]  }
0x24: {  	v8 =	vmax.f32 v7, v10;
	v7 =	vld [tilespmem:s2+$0x30];
	s2 =	sadd.s32 $0x80, s2  }
0x25: {  	[tilespmem:s3+$0xFFFFFFF0] =	vst v0  }
0x26: {  	[tilespmem:s3+$0x0] =	vst v0  }
0x27: {  	[tilespmem:s3+$0x10] =	vst v0  }
0x28: {  	v3 =	vmax.f32 v8, v3;
	[tilespmem:s3+$0xFFFFFFE0] =	vst v0  }
0x29: {  	v3 =	vmax.f32 v3, v4;
	[tilespmem:s0+$0xFFFFFFF0] =	vst v0  }
0x2a: {  	[tilespmem:s0+$0x0] =	vst v0;
	v3 =	vmax.f32 v3, v5  }
0x2b: {  	[tilespmem:s0+$0x10] =	vst v0;
	v3 =	vmax.f32 v3, v6  }
0x2c: {  	s1 =	simm.s32 $0x0;
	s2 =	simm.s32 $0x10060;
	[tilespmem:s0+$0xFFFFFFE0] =	vst v0;
	v3 =	vmax.f32 v3, v7  }
.LBB2_4:
0x2d: {  	[tilespmem:s2+$0xFFFFFFF0] =	vst v0;
	s0 =	sadd.s32 $0x40, s0  }
0x2e: {  	s1 =	sadd.s32 $0x4, s1;
	[tilespmem:s0+$0xFFFFFFF0] =	vst v0  }
0x2f: {  	p0 =	slt.u32 s1, $0xFC;
	[tilespmem:s2+$0x0] =	vst v0  }
.Ltmp1:
0x30: {  	[tilespmem:s0+$0x0] =	vst v0;
	(pc) =	sbr.rel @p0 .LBB2_4-.Ltmp1, $4  }
0x31: {  	[tilespmem:s2+$0x10] =	vst v0  }
0x32: {  	[tilespmem:s0+$0x10] =	vst v0  }
0x33: {  	[tilespmem:s2+$0xFFFFFFE0] =	vst v0  }
0x34: {  	s2 =	sadd.s32 $0x40, s2;
	[tilespmem:s0+$0xFFFFFFE0] =	vst v0  }
0x35: {  	(xrf0) =	vmax.scan.msk.f32 $0xffff, v3;
	s0 =	simm.s32 $0x40;
	[dreg:$0xa] =	wrdreg s7  }
0x36: {  	v16 =	vld [tilespmem:s0+$0x30]  }
0x37: {  	v9 =	vld [tilespmem:s0+$0xFFFFFFD0]  }
0x38: {  	v8 =	vld [tilespmem:s0+$0xFFFFFFE0]  }
0x39: {  	v7 =	vld [tilespmem:s0+$0xFFFFFFF0]  }
0x3a: {  	v6 =	vld [tilespmem:s0+$0x0]  }
0x3b: {  	v4 =	vld [tilespmem:s0+$0x10];
	v3, _, _ =	vpop (xrf0)  }
0x3c: {  	v5 =	vld [tilespmem:s0+$0x20];
	v10 =	vbroadcast v3, $0xF  }
0x3d: {  	v11 =	vld [tilespmem:s0+$0xFFFFFFC0]  }
0x3e: {  	v12 =	vsub.f32 v10, v16;
	v13 =	vsub.f32 v10, v9  }
0x3f: {  	v14 =	vsub.f32 v10, v8;
	v15 =	vsub.f32 v10, v7  }
0x40: {  	v17 =	vsub.f32 v10, v6;
	v18 =	vsub.f32 v10, v4  }
0x41: {  	v19 =	vsub.f32 v10, v5;
	v12 =	vmul.f32 $2.560000000e+02, v12;
	v13 =	vmul.f32 $2.560000000e+02, v13  }
0x42: {  	v20 =	vsub.f32 v10, v11;
	v14 =	vmul.f32 $2.560000000e+02, v14;
	v15 =	vmul.f32 $2.560000000e+02, v15  }
0x43: {  	v17 =	vmul.f32 $2.560000000e+02, v17;
	v18 =	vmul.f32 $2.560000000e+02, v18  }
0x44: {  	v19 =	vmul.f32 $2.560000000e+02, v19;
	v20 =	vmul.f32 $2.560000000e+02, v20;
	v12 =	vmin.f32 v12, $2.550000000e+02  }
0x45: {  	v13 =	vmin.f32 v13, $2.550000000e+02;
	v14 =	vmin.f32 v14, $2.550000000e+02;
	v12 =	vtrunc.f32 v12  }
0x46: {  	v15 =	vmin.f32 v15, $2.550000000e+02;
	v18 =	vmin.f32 v18, $2.550000000e+02;
	v12 =	vcvt.f32.s32 v12  }
0x47: {  	v19 =	vmin.f32 v19, $2.550000000e+02;
	v13 =	vtrunc.f32 v13;
	v14 =	vtrunc.f32 v14  }
0x48: {  	v15 =	vtrunc.f32 v15;
	v18 =	vtrunc.f32 v18;
	v12 =	vshll.u32 v12, $0x4  }
0x49: {  	v21 =	vor.u32 v1, v12;
	v12 =	vmin.f32 v17, $2.550000000e+02;
	v17 =	vmin.f32 v20, $2.550000000e+02  }
0x4a: {  	v19 =	vtrunc.f32 v19;
	v17 =	vtrunc.f32 v17  }
0x4b: {  	v22 =	vcvt.f32.s32 v14;
	v17 =	vcvt.f32.s32 v17  }
0x4c: {  	v20 =	vcvt.f32.s32 v13;
	v12 =	vtrunc.f32 v12  }
0x4d: {  	v23 =	vcvt.f32.s32 v12;
	v13 =	vshll.u32 v17, $0x4;
	v17 =	vcvt.f32.s32 v15  }
0x4e: {  	v14 =	vcvt.f32.s32 v18;
	v18 =	vshll.u32 v22, $0x4;
	v12 =	vcvt.f32.s32 v19;
	[tilespmem:v21+s5+$0x0] =	vst.idx.add.f32.msk $0xffff, v2  }
0x4f: {  	s1 =	simm.s32 $0xC0;
	s0 =	simm.s32 $0x0;
	v15 =	vshll.u32 v20, $0x4;
	[tilespmem:v21+s6+$0x0] =	vst.idx.add.f32.msk $0xffff, v16;
	v17 =	vshll.u32 v17, $0x4;
	v16 =	vshll.u32 v23, $0x4  }
.LBB2_6:
0x50: {  	v19 =	vld [tilespmem:s1+$0x30];
	v13 =	vor.u32 v1, v13;
	v14 =	vshll.u32 v14, $0x4;
	v12 =	vshll.u32 v12, $0x4  }
0x51: {  	s0 =	sadd.s32 $0x8, s0;
	v15 =	vor.u32 v1, v15;
	v18 =	vor.u32 v1, v18;
	v17 =	vor.u32 v1, v17;
	v20 =	vld [tilespmem:s1+$0xFFFFFFD0]  }
0x52: {  	v16 =	vor.u32 v1, v16;
	p0 =	slt.u32 s0, $0x7F8;
	v14 =	vor.u32 v1, v14;
	v22 =	vor.u32 v1, v12;
	v21 =	vld [tilespmem:s1+$0xFFFFFFE0]  }
0x53: {  	v12 =	vld [tilespmem:s1+$0xFFFFFFF0]  }
0x54: {  	v23 =	vld [tilespmem:s1+$0x0]  }
0x55: {  	v24 =	vld [tilespmem:s1+$0x10];
	v25 =	vsub.f32 v10, v19  }
0x56: {  	v26 =	vsub.f32 v10, v20;
	v27 =	vld [tilespmem:s1+$0x20]  }
0x57: {  	v28 =	vld [tilespmem:s1+$0xFFFFFFC0];
	v29 =	vsub.f32 v10, v21;
	v25 =	vmul.f32 $2.560000000e+02, v25  }
0x58: {  	v26 =	vmul.f32 $2.560000000e+02, v26;
	v30 =	vsub.f32 v10, v12;
	[tilespmem:v13+s5+$0x0] =	vst.idx.add.f32.msk $0xffff, v2  }
0x59: {  	v29 =	vmul.f32 $2.560000000e+02, v29;
	v31 =	vsub.f32 v10, v23;
	v25 =	vmin.f32 v25, $2.550000000e+02;
	[tilespmem:v13+s6+$0x0] =	vst.idx.add.f32.msk $0xffff, v11  }
0x5a: {  	v13 =	vmul.f32 $2.560000000e+02, v30;
	v32 =	vsub.f32 v10, v24;
	v25 =	vtrunc.f32 v25;
	[tilespmem:v15+s5+$0x0] =	vst.idx.add.f32.msk $0xffff, v2  }
0x5b: {  	v30 =	vmul.f32 $2.560000000e+02, v31;
	v31 =	vsub.f32 v10, v27;
	v25 =	vcvt.f32.s32 v25;
	[tilespmem:v15+s6+$0x0] =	vst.idx.add.f32.msk $0xffff, v9;
	v9 =	vmovc v20  }
0x5c: {  	v20 =	vmin.f32 v26, $2.550000000e+02;
	v15 =	vsub.f32 v10, v28;
	v26 =	vmul.f32 $2.560000000e+02, v32;
	[tilespmem:v18+s5+$0x0] =	vst.idx.add.f32.msk $0xffff, v2;
	v11 =	vmovc v28  }
0x5d: {  	v28 =	vmin.f32 v29, $2.550000000e+02;
	v29 =	vmul.f32 $2.560000000e+02, v31;
	v25 =	vshll.u32 v25, $0x4;
	[tilespmem:v18+s6+$0x0] =	vst.idx.add.f32.msk $0xffff, v8;
	v8 =	vmovc v21  }
0x5e: {  	v13 =	vmin.f32 v13, $2.550000000e+02;
	v15 =	vmul.f32 $2.560000000e+02, v15;
	v18 =	vor.u32 v1, v25;
	[tilespmem:v17+s5+$0x0] =	vst.idx.add.f32.msk $0xffff, v2  }
0x5f: {  	v21 =	vmin.f32 v30, $2.550000000e+02;
	v25 =	vmin.f32 v26, $2.550000000e+02;
	v26 =	vmin.f32 v29, $2.550000000e+02;
	[tilespmem:v17+s6+$0x0] =	vst.idx.add.f32.msk $0xffff, v7;
	v7 =	vmovc v12  }
0x60: {  	v17 =	vtrunc.f32 v28;
	v12 =	vmin.f32 v15, $2.550000000e+02;
	v15 =	vtrunc.f32 v20;
	[tilespmem:v16+s5+$0x0] =	vst.idx.add.f32.msk $0xffff, v2  }
0x61: {  	v20 =	vtrunc.f32 v13;
	v12 =	vtrunc.f32 v12;
	[tilespmem:v16+s6+$0x0] =	vst.idx.add.f32.msk $0xffff, v6;
	v6 =	vmov v23  }
0x62: {  	v16 =	vtrunc.f32 v21;
	v21 =	vtrunc.f32 v25;
	[tilespmem:v14+s5+$0x0] =	vst.idx.add.f32.msk $0xffff, v2  }
.Ltmp2:
0x63: {  	v23 =	vtrunc.f32 v26;
	v12 =	vcvt.f32.s32 v12;
	[tilespmem:v18+s5+$0x0] =	vst.idx.add.f32.msk $0xffff, v2;
	(pc) =	sbr.rel @p0 .LBB2_6-.Ltmp2, $4  }
0x64: {  	v17 =	vcvt.f32.s32 v17;
	v15 =	vcvt.f32.s32 v15;
	[tilespmem:v18+s6+$0x0] =	vst.idx.add.f32.msk $0xffff, v19  }
0x65: {  	v16 =	vcvt.f32.s32 v16;
	v13 =	vshll.u32 v12, $0x4;
	v19 =	vcvt.f32.s32 v20;
	[tilespmem:v14+s6+$0x0] =	vst.idx.add.f32.msk $0xffff, v4;
	v4 =	vmovc v24  }
0x66: {  	v15 =	vshll.u32 v15, $0x4;
	v12 =	vcvt.f32.s32 v23;
	v14 =	vcvt.f32.s32 v21;
	[tilespmem:v22+s5+$0x0] =	vst.idx.add.f32.msk $0xffff, v2  }
0x67: {  	s1 =	sadd.s32 $0x80, s1;
	v18 =	vshll.u32 v17, $0x4;
	v16 =	vshll.u32 v16, $0x4;
	v17 =	vshll.u32 v19, $0x4;
	[tilespmem:v22+s6+$0x0] =	vst.idx.add.f32.msk $0xffff, v5;
	v5 =	vmovc v27  }
0x68: {  	v10 =	vor.u32 v1, v13  }
0x69: {  	v48 =	vor.u32 v1, v15  }
0x6a: {  	v49 =	vor.u32 v1, v18  }
0x6b: {  	v17 =	vor.u32 v1, v17  }
0x6c: {  	v50 =	vor.u32 v1, v16  }
0x6d: {  	[tilespmem:v10+s5+$0x0] =	vst.idx.add.f32.msk $0xffff, v2  }
0x6e: {  	[tilespmem:v48+s5+$0x0] =	vst.idx.add.f32.msk $0xffff, v2  }
0x6f: {  	[tilespmem:v49+s5+$0x0] =	vst.idx.add.f32.msk $0xffff, v2  }
0x70: {  	[tilespmem:v17+s5+$0x0] =	vst.idx.add.f32.msk $0xffff, v2  }
0x71: {  	v51 =	vshll.u32 v14, $0x4;
	[tilespmem:v50+s5+$0x0] =	vst.idx.add.f32.msk $0xffff, v2  }
0x72: {  	v52 =	vshll.u32 v12, $0x4;
	[tilespmem:v48+s6+$0x0] =	vst.idx.add.f32.msk $0xffff, v9;
	v9 =	vor.u32 v1, v51  }
0x73: {  	[tilespmem:v49+s6+$0x0] =	vst.idx.add.f32.msk $0xffff, v8;
	v8 =	vor.u32 v1, v52  }
0x74: {  	[tilespmem:v10+s6+$0x0] =	vst.idx.add.f32.msk $0xffff, v11  }
0x75: {  	[tilespmem:v17+s6+$0x0] =	vst.idx.add.f32.msk $0xffff, v7  }
0x76: {  	[tilespmem:v50+s6+$0x0] =	vst.idx.add.f32.msk $0xffff, v6  }
0x77: {  	[tilespmem:v9+s5+$0x0] =	vst.idx.add.f32.msk $0xffff, v2  }
0x78: {  	[tilespmem:v8+s5+$0x0] =	vst.idx.add.f32.msk $0xffff, v2  }
0x79: {  	[tilespmem:v9+s6+$0x0] =	vst.idx.add.f32.msk $0xffff, v4  }
0x7a: {  	s0 =	simm.s32 $0x10020;
	[tilespmem:v8+s6+$0x0] =	vst.idx.add.f32.msk $0xffff, v5  }
0x7b: {  	s16 =	simm.s32 $0x11020;
	v4 =	vld [tilespmem:s0+$0xFFFFFFF0]  }
0x7c: {  	v5 =	vld [tilespmem:s16+$0xFFFFFFF0]  }
0x7d: {  	v6 =	vld [tilespmem:s16+$0xFFFFFFE0];
	_ =	sdelay $0x1  }
0x7e: {  	v7 =	vld [tilespmem:s0+$0xFFFFFFE0]  }
0x7f: {  	(xrf2) =	vadd.scan.msk.f32 $0xffff, v4  }
0x80: {  	(xrf2) =	vadd.scan.msk.f32 $0xffff, v5  }
0x81: {  	v4 =	vld [tilespmem:s16+$0x0];
	(xrf2) =	vadd.scan.msk.f32 $0xffff, v6  }
0x82: {  	v5 =	vld [tilespmem:s0+$0x0]  }
0x83: {  	(xrf2) =	vadd.scan.msk.f32 $0xffff, v7;
	_ =	sdelay $0x2  }
0x84: {  	(xrf2) =	vadd.scan.msk.f32 $0xffff, v4  }
0x85: {  	(xrf2) =	vadd.scan.msk.f32 $0xffff, v5;
	_ =	sdelay $0x1  }
0x86: {  	v4, _, _ =	vpop (xrf2)  }
0x87: {  	v5 =	vld [tilespmem:s16+$0x10];
	v53, _, _ =	vpop (xrf2)  }
0x88: {  	(v2sf) =	vpush v3, $0xF;
	v3, _, _ =	vpop (xrf2)  }
0x89: {  	v54 =	vld [tilespmem:s0+$0x10];
	(v2sf) =	vpush v3, $0xF  }
0x8a: {  	v3, _, _ =	vpop (xrf2);
	(v2sf) =	vpush v53, $0xF  }
0x8b: {  	(v2sf) =	vpush v3, $0xF  }
0x8c: {  	s18 =	simm.s32 $0x10060;
	(xrf2) =	vadd.scan.msk.f32 $0xffff, v5  }
0x8d: {  	s22 =	simm.s32 $0x11060;
	v3 =	vld [tilespmem:s18+$0xFFFFFFF0];
	v5, _, _ =	vpop (xrf2)  }
0x8e: {  	(xrf2) =	vadd.scan.msk.f32 $0xffff, v54;
	(v2sf) =	vpush v4, $0xF;
	v4 =	vld [tilespmem:s22+$0xFFFFFFF0];
	v56, _, _ =	vpop (xrf2)  }
0x8f: {  	v55 =	vld [tilespmem:s22+$0xFFFFFFE0];
	(v2sf) =	vpush v56, $0xF;
	_ =	sdelay $0x1  }
0x90: {  	(v2sf) =	vpush v5, $0xF  }
0x91: {  	(xrf2) =	vadd.scan.msk.f32 $0xffff, v3  }
0x92: {  	(xrf2) =	vadd.scan.msk.f32 $0xffff, v4  }
0x93: {  	s1 =	simm.s32 $0x1;
	(xrf2) =	vadd.scan.msk.f32 $0xffff, v55  }
0x94: {  	s24 =	scvt.s32.f32 s1  }
0x95: {  	v57 =	vld [tilespmem:s18+$0xFFFFFFE0];
	v4, _, _ =	vpop (xrf2)  }
0x96: {  	s25 =	smul.f32 $3.906250000e-03, s24;
	s19 =	spop (v2sf);
	v3 =	vld [tilespmem:s22+$0x0];
	(v2sf) =	vpush v4, $0xF  }
0x97: {  	v5, _, _ =	vpop (xrf2);
	v4 =	vld [tilespmem:s18+$0x0];
	s2 =	spop (v2sf)  }
0x98: {  	s4 =	simm.f32 $0.0e+00;
	s0 =	ssub.f32 s19, s25;
	(v2sf) =	vpush v5, $0xF;
	s3 =	spop (v2sf)  }
0x99: {  	s2 =	sadd.f32 s2, s4;
	s23 =	spop (v2sf)  }
0x9a: {  	(xrf2) =	vadd.scan.msk.f32 $0xffff, v57;
	s4 =	sadd.f32 s23, s4  }
0x9b: {  	(xrf2) =	vadd.scan.msk.f32 $0xffff, v3;
	v3, _, _ =	vpop (xrf2);
	s26 =	sadd.f32 s3, s2  }
0x9c: {  	v5 =	vld [tilespmem:s22+$0x10];
	(xrf2) =	vadd.scan.msk.f32 $0xffff, v4;
	s7 =	spop (v2sf);
	v4, _, _ =	vpop (xrf2);
	s2 =	sadd.f32 $0.0e+00, s2  }
0x9d: {  	v58 =	vld [tilespmem:s18+$0x10];
	s3 =	simm.s32 $0x2;
	v6, _, _ =	vpop (xrf2);
	s12 =	spop (v2sf);
	s7 =	sadd.f32 s7, s4  }
0x9e: {  	s8 =	scvt.s32.f32 s3;
	(v2sf) =	vpush v6, $0xF;
	s4 =	sadd.f32 $0.0e+00, s4  }
0x9f: {  	s9 =	spop (v2sf);
	s5 =	sadd.f32 $0.0e+00, s26  }
0xa0: {  	s9 =	sadd.f32 s9, s26  }
0xa1: {  	(xrf2) =	vadd.scan.msk.f32 $0xffff, v5;
	s8 =	smul.f32 $3.906250000e-03, s8;
	s6 =	sadd.f32 s12, s7  }
0xa2: {  	(xrf2) =	vadd.scan.msk.f32 $0xffff, v58;
	s7 =	sadd.f32 $0.0e+00, s7  }
0xa3: {  	s24 =	simm.s32 $0x3;
	s0 =	smul.f32 s4, s0;
	s8 =	ssub.f32 s19, s8  }
0xa4: {  	s15 =	scvt.s32.f32 s24;
	s10 =	sadd.f32 $0.0e+00, s6  }
0xa5: {  	s11 =	spop (v2sf);
	s0 =	ssub.f32 s2, s0  }
0xa6: {  	s17 =	smul.f32 $3.906250000e-03, s15;
	s13 =	sadd.f32 s11, s9  }
0xa7: {  	v59, _, _ =	vpop (xrf2);
	(v2sf) =	vpush v4, $0xF;
	s14 =	spop (v2sf);
	s9 =	sadd.f32 $0.0e+00, s9  }
0xa8: {  	(v2sf) =	vpush v59, $0xF;
	v4, _, _ =	vpop (xrf2);
	s4 =	sadd.f32 s14, s6  }
0xa9: {  	(v2sf) =	vpush v3, $0xF;
	s7 =	smul.f32 s7, s8;
	s6 =	ssub.f32 s19, s17;
	v3, _, _ =	vpop (xrf2)  }
0xaa: {  	s21 =	simm.s32 $0x4;
	s0 =	sadd.f32 $-1.000000000e+00, s0;
	(v2sf) =	vpush v3, $0xF  }
0xab: {  	s5 =	ssub.f32 s5, s7;
	s7 =	scvt.s32.f32 s21;
	v3, _, _ =	vpop (xrf2);
	(v2sf) =	vpush v4, $0xF  }
0xac: {  	s15 =	simm.s32 $0x100A0;
	s26 =	sadd.f32 $0.0e+00, s4;
	(v2sf) =	vpush v3, $0xF;
	v3, _, _ =	vpop (xrf2)  }
0xad: {  	s12 =	simm.s32 $0x110A0;
	s23 =	smul.f32 $3.906250000e-03, s7;
	s22 =	spop (v2sf);
	(v2sf) =	vpush v3, $0xF;
	v3 =	vld [tilespmem:s15+$0xFFFFFFF0]  }
0xae: {  	s6 =	smul.f32 s10, s6;
	s10 =	sadd.f32 $0.0e+00, s13;
	v4 =	vld [tilespmem:s12+$0xFFFFFFF0]  }
0xaf: {  	v5 =	vld [tilespmem:s12+$0xFFFFFFE0];
	s2 =	ssub.f32 s19, s23  }
0xb0: {  	s20 =	simm.s32 $0xFF;
	p2 =	sge.f32 s0, $0.0e+00;
	s5 =	sadd.f32 $-1.000000000e+00, s5  }
0xb1: {  	v60 =	vld [tilespmem:s15+$0xFFFFFFE0];
	s0 =	ssub.f32 s9, s6;
	s2 =	smul.f32 s26, s2;
	s26 =	simm.s32 $0x5  }
0xb2: {  	p0 =	por $0x0, $0x0;
	s11 =	simm.s32 $0x0;
	[dreg:$0x4] =	wrdreg s26;
	(xrf2) =	vadd.scan.msk.f32 $0xffff, v3  }
0xb3: {  	s11 =	smov.u32 @p0 s20;
	s17 =	simm.s32 $0x5;
	s28 =	sadd.f32 $-1.000000000e+00, s0;
	v3 =	vld [tilespmem:s12+$0x0];
	(xrf2) =	vadd.scan.msk.f32 $0xffff, v4  }
0xb4: {  	s20 =	smov.u32 @p2 s11;
	p0 =	por p0, p2;
	s6 =	simm.s32 $0x7;
	(xrf2) =	vadd.scan.msk.f32 $0xffff, v5  }
0xb5: {  	s1 =	smov.u32 @p0 s20;
	p2 =	sge.f32 s5, $0.0e+00;
	p3 =	sge.f32 s28, $0.0e+00  }
0xb6: {  	s0 =	simm.s32 $0x6;
	s2 =	ssub.f32 s10, s2;
	s21 =	spop (v2sf);
	(xrf2) =	vadd.scan.msk.f32 $0xffff, v60  }
0xb7: {  	s20 =	smov.u32 @p2 s1;
	s14 =	sadd.f32 s22, s13;
	s13 =	scvt.s32.f32 s17  }
0xb8: {  	p0 =	por p0, p2;
	s25 =	spop (v2sf);
	s29 =	sadd.f32 $-1.000000000e+00, s2;
	(xrf2) =	vadd.scan.msk.f32 $0xffff, v3  }
0xb9: {  	s1 =	simm.s32 $0x4;
	s22 =	spop (v2sf);
	s8 =	sadd.f32 s25, s4  }
0xba: {  	s3 =	smov.u32 @p0 s20;
	s23 =	smul.f32 $3.906250000e-03, s13;
	s7 =	sadd.f32 s21, s14  }
0xbb: {  	s10 =	simm.s32 $0x100E0;
	s25 =	scvt.s32.f32 s0;
	s2 =	sadd.f32 $0.0e+00, s14;
	v3 =	vld [tilespmem:s15+$0x0]  }
0xbc: {  	p2 =	por p0, p3;
	p1 =	sge.f32 s29, $0.0e+00;
	s29 =	ssub.f32 s19, s23;
	v5 =	vld [tilespmem:s12+$0x10];
	v4, _, _ =	vpop (xrf2)  }
0xbd: {  	v62 =	vld [tilespmem:s15+$0x10];
	s20 =	smov.u32 @p3 s3;
	s14 =	sadd.f32 s22, s8;
	s26 =	spop (v2sf);
	v61, _, _ =	vpop (xrf2)  }
0xbe: {  	s3 =	simm.s32 $0x0;
	s4 =	smul.f32 $3.906250000e-03, s25;
	s17 =	spop (v2sf);
	v63, _, _ =	vpop (xrf2)  }
0xbf: {  	s24 =	smov.u32 @p2 s20;
	s11 =	sadd.f32 s26, s14;
	s31 =	spop (v2sf);
	(v2sf) =	vpush v63, $0xF  }
0xc0: {  	s21 =	simm.s32 $0x0;
	s9 =	sadd.f32 s17, s7;
	s30 =	spop (v2sf);
	(xrf2) =	vadd.scan.msk.f32 $0xffff, v3;
	v3, _, _ =	vpop (xrf2);
	(v2sf) =	vpush v61, $0xF  }
0xc1: {  	s25 =	simm.s32 $0x4;
	s22 =	simm.s32 $0x8;
	s15 =	ssub.f32 s19, s4;
	(xrf2) =	vadd.scan.msk.f32 $0xffff, v5;
	(v2sf) =	vpush v3, $0xF  }
0xc2: {  	s26 =	simm.s32 $0x110E0;
	s4 =	simm.s32 $0x8;
	s28 =	sadd.f32 $0.0e+00, s11;
	(xrf2) =	vadd.scan.msk.f32 $0xffff, v62;
	v3, _, _ =	vpop (xrf2);
	(v2sf) =	vpush v4, $0xF  }
.LBB2_8:
0xc3: {  	s14 =	sadd.f32 $0.0e+00, s14  }
0xc4: {  	s13 =	sadd.f32 $0.0e+00, s8  }
0xc5: {  	s20 =	smov.u32 @p1 s24;
	s24 =	smov.u32 s6;
	s8 =	sadd.f32 s31, s9  }
0xc6: {  	s23 =	scvt.s32.f32 s24;
	s9 =	sadd.f32 $0.0e+00, s9  }
0xc7: {  	s14 =	smul.f32 s14, s15;
	s15 =	sadd.f32 $0.0e+00, s7  }
0xc8: {  	s5 =	smov.u32 s0;
	v6 =	vld [tilespmem:s10+$0xFFFFFFF0];
	s0 =	smul.f32 s13, s29;
	s7 =	sadd.f32 s30, s11  }
0xc9: {  	s3 =	sadd.s32 $0x8, s3;
	s12 =	smul.f32 $3.906250000e-03, s23;
	s6 =	ssub.f32 s15, s14  }
0xca: {  	s13 =	scvt.s32.f32 s3;
	s0 =	ssub.f32 s2, s0  }
0xcb: {  	s17 =	smov.u32 s4;
	v5, _, _ =	vpop (xrf2);
	s11 =	ssub.f32 s19, s12  }
0xcc: {  	s4 =	sadd.s32 $0x4, s4;
	s12 =	smul.f32 $3.906250000e-03, s13;
	s13 =	sadd.f32 $0.0e+00, s7;
	(v2sf) =	vpush v5, $0xF  }
0xcd: {  	p1 =	por p2, p1;
	p0 =	slt.u32 s4, $0xFC;
	s0 =	sadd.f32 $-1.000000000e+00, s0;
	(v2sf) =	vpush v3, $0xF;
	v3 =	vld [tilespmem:s26+$0xFFFFFFF0];
	v8, _, _ =	vpop (xrf2);
	(xrf2) =	vadd.scan.msk.f32 $0xffff, v6  }
0xce: {  	v4 =	vld [tilespmem:s26+$0xFFFFFFE0];
	s3 =	smov.u32 s1;
	s6 =	sadd.f32 $-1.000000000e+00, s6;
	s11 =	smul.f32 s28, s11  }
0xcf: {  	s1 =	smov.u32 s17;
	s2 =	ssub.f32 s19, s12;
	p2 =	sge.f32 s0, $0.0e+00;
	v61, _, _ =	vpop (xrf2);
	(v2sf) =	vpush v8, $0xF  }
0xd0: {  	v5 =	vld [tilespmem:s10+$0xFFFFFFE0];
	s28 =	sadd.s32 $0x5, s3;
	s9 =	ssub.f32 s9, s11;
	s29 =	spop (v2sf);
	(v2sf) =	vpush v61, $0xF  }
0xd1: {  	s23 =	smov.u32 s4;
	s14 =	scvt.s32.f32 s28;
	s29 =	sadd.f32 s29, s8  }
0xd2: {  	v7 =	vld [tilespmem:s26+$0x0];
	s15 =	smov.u32 s25;
	s2 =	smul.f32 s13, s2;
	(xrf2) =	vadd.scan.msk.f32 $0xffff, v3;
	s8 =	sadd.f32 $0.0e+00, s8  }
0xd3: {  	s25 =	smov.u32 s22;
	s22 =	sadd.f32 $-1.000000000e+00, s9;
	s17 =	spop (v2sf);
	(xrf2) =	vadd.scan.msk.f32 $0xffff, v4  }
0xd4: {  	s15 =	smov.u32 @p1 s20;
	s30 =	spop (v2sf);
	s2 =	ssub.f32 s8, s2  }
0xd5: {  	v62 =	vld [tilespmem:s26+$0x10];
	s26 =	sadd.s32 $0x40, s26;
	p4 =	sge.f32 s6, $0.0e+00;
	(xrf2) =	vadd.scan.msk.f32 $0xffff, v5;
	s8 =	sadd.f32 s30, s7  }
0xd6: {  	s0 =	sadd.s32 $0x6, s3;
	s9 =	smul.f32 $3.906250000e-03, s14;
	s7 =	sadd.f32 s17, s29  }
0xd7: {  	s6 =	sadd.s32 $0x7, s3;
	p3 =	sge.f32 s22, $0.0e+00;
	s17 =	rddreg [dreg:$0x4];
	v4, _, _ =	vpop (xrf2);
	(xrf2) =	vadd.scan.msk.f32 $0xffff, v7  }
0xd8: {  	s20 =	smov.u32 @p2 s15;
	v3 =	vld [tilespmem:s10+$0x0];
	s12 =	spop (v2sf);
	s14 =	sadd.f32 $-1.000000000e+00, s2  }
0xd9: {  	p2 =	por p1, p2;
	s30 =	scvt.s32.f32 s0;
	s2 =	sadd.f32 $0.0e+00, s29  }
0xda: {  	s29 =	ssub.f32 s19, s9;
	p1 =	sge.f32 s14, $0.0e+00;
	s14 =	smov.u32 s28  }
0xdb: {  	v63 =	vld [tilespmem:s10+$0x10];
	s10 =	sadd.s32 $0x40, s10;
	s15 =	smul.f32 $3.906250000e-03, s30;
	[dreg:$0x4] =	wrdreg s14  }
0xdc: {  	s17 =	smov.u32 @p2 s20;
	s14 =	sadd.f32 s12, s8;
	s11 =	spop (v2sf);
	v5, _, _ =	vpop (xrf2)  }
.Ltmp3:
0xdd: {  	p2 =	por p2, p4;
	s13 =	spop (v2sf);
	(xrf2) =	vadd.scan.msk.f32 $0xffff, v3;
	v3, _, _ =	vpop (xrf2);
	(pc) =	sbr.rel @p0 .LBB2_8-.Ltmp3, $4  }
0xde: {  	s20 =	smov.u32 @p4 s17;
	s15 =	ssub.f32 s19, s15;
	s31 =	spop (v2sf);
	(v2sf) =	vpush v3, $0xF  }
0xdf: {  	s5 =	smov.u32 @p2 s20;
	s11 =	sadd.f32 s11, s14;
	v3, _, _ =	vpop (xrf2);
	s30 =	spop (v2sf);
	(v2sf) =	vpush v5, $0xF  }
0xe0: {  	p2 =	por p2, p3;
	s20 =	smov.u32 @p3 s5;
	s9 =	sadd.f32 s13, s7;
	(xrf2) =	vadd.scan.msk.f32 $0xffff, v62;
	(v2sf) =	vpush v3, $0xF  }
0xe1: {  	s22 =	smov.u32 s23;
	s24 =	smov.u32 @p2 s20;
	s28 =	sadd.f32 $0.0e+00, s11;
	v3, _, _ =	vpop (xrf2);
	(xrf2) =	vadd.scan.msk.f32 $0xffff, v63;
	(v2sf) =	vpush v4, $0xF  }
0xe2: {  	s4 =	sadd.f32 $0.0e+00, s14  }
0xe3: {  	s5 =	sadd.f32 $0.0e+00, s8  }
0xe4: {  	s23 =	sadd.f32 s31, s9  }
0xe5: {  	s7 =	sadd.f32 $0.0e+00, s7  }
0xe6: {  	s11 =	sadd.f32 s30, s11  }
0xe7: {  	s10 =	scvt.s32.f32 s6;
	s3 =	sadd.s32 $0x8, s3;
	s26 =	sadd.f32 $0.0e+00, s9  }
0xe8: {  	s3 =	scvt.s32.f32 s3;
	s4 =	smul.f32 s4, s15  }
0xe9: {  	s5 =	smul.f32 s5, s29;
	s29 =	sadd.f32 $0.0e+00, s11  }
0xea: {  	s20 =	smov.u32 @p1 s24;
	s24 =	smul.f32 $3.906250000e-03, s10;
	s8 =	sadd.f32 $0.0e+00, s23  }
0xeb: {  	s4 =	ssub.f32 s7, s4  }
0xec: {  	s3 =	smul.f32 $3.906250000e-03, s3;
	s7 =	ssub.f32 s19, s24  }
0xed: {  	s2 =	ssub.f32 s2, s5  }
0xee: {  	s3 =	ssub.f32 s19, s3  }
0xef: {  	v4, _, _ =	vpop (xrf2);
	s2 =	sadd.f32 $-1.000000000e+00, s2;
	s7 =	smul.f32 s28, s7  }
0xf0: {  	p0 =	por p2, p1;
	(v2sf) =	vpush v4, $0xF;
	s4 =	sadd.f32 $-1.000000000e+00, s4;
	s3 =	smul.f32 s29, s3  }
0xf1: {  	s7 =	ssub.f32 s26, s7;
	p2 =	sge.f32 s2, $0.0e+00;
	s2 =	sadd.s32 $0x5, s1  }
0xf2: {  	(v2sf) =	vpush v3, $0xF;
	s3 =	ssub.f32 s8, s3;
	s15 =	scvt.s32.f32 s2  }
0xf3: {  	s25 =	smov.u32 @p0 s20;
	s7 =	sadd.f32 $-1.000000000e+00, s7;
	s30 =	spop (v2sf)  }
0xf4: {  	s20 =	smov.u32 @p2 s25;
	s13 =	sadd.f32 $-1.000000000e+00, s3;
	s9 =	smul.f32 $3.906250000e-03, s15  }
0xf5: {  	v3, _, _ =	vpop (xrf2);
	s3 =	sadd.s32 $0x6, s1;
	s12 =	spop (v2sf);
	s10 =	sadd.f32 s30, s23  }
0xf6: {  	(v2sf) =	vpush v3, $0xF;
	p2 =	por p0, p2;
	s24 =	scvt.s32.f32 s3;
	p0 =	sge.f32 s7, $0.0e+00  }
0xf7: {  	s25 =	sadd.s32 $0x8, s1;
	s31 =	spop (v2sf);
	s9 =	ssub.f32 s19, s9  }
0xf8: {  	s7 =	sadd.s32 $0x7, s1;
	s1 =	scvt.s32.f32 s25;
	s5 =	sadd.f32 s31, s11  }
0xf9: {  	s14 =	spop (v2sf);
	s12 =	sadd.f32 s12, s10  }
0xfa: {  	v63, _, _ =	vpop (xrf2);
	p1 =	sge.f32 s13, $0.0e+00;
	s8 =	sadd.f32 s14, s5  }
0xfb: {  	(v2sf) =	vpush v63, $0xF;
	s26 =	smul.f32 $3.906250000e-03, s24;
	s5 =	sadd.f32 $0.0e+00, s5  }
0xfc: {  	s10 =	sadd.f32 $0.0e+00, s10;
	s1 =	smul.f32 $3.906250000e-03, s1  }
0xfd: {  	s13 =	ssub.f32 s19, s26;
	s5 =	smul.f32 s5, s9  }
0xfe: {  	s26 =	ssub.f32 s19, s1  }
0xff: {  	s5 =	ssub.f32 s10, s5;
	s17 =	spop (v2sf)  }
0x100: {  	s14 =	sadd.f32 s17, s8  }
0x101: {  	s23 =	spop (v2sf);
	s8 =	sadd.f32 $0.0e+00, s8  }
0x102: {  	s11 =	sadd.f32 s23, s12  }
0x103: {  	s23 =	rddreg [dreg:$0x4]  }
0x104: {  	p3 =	sge.f32 s4, $0.0e+00;
	s12 =	sadd.f32 $0.0e+00, s12  }
0x105: {  	s28 =	spop (v2sf);
	s29 =	sadd.f32 $0.0e+00, s14  }
0x106: {  	s31 =	scvt.s32.f32 s7;
	s30 =	sadd.f32 s28, s11  }
0x107: {  	s8 =	smul.f32 s8, s13;
	s11 =	sadd.f32 $0.0e+00, s11  }
0x108: {  	s24 =	smul.f32 $3.906250000e-03, s31;
	s23 =	smov.u32 @p2 s20;
	s28 =	sadd.f32 $-1.000000000e+00, s5  }
0x109: {  	p2 =	por p2, p3;
	s20 =	smov.u32 @p3 s23;
	s8 =	ssub.f32 s12, s8  }
0x10a: {  	s17 =	spop (v2sf);
	s12 =	ssub.f32 s19, s24;
	s0 =	smov.u32 @p2 s20  }
0x10b: {  	s17 =	sadd.f32 s17, s14;
	s20 =	smov.u32 @p0 s0  }
0x10c: {  	p0 =	por p2, p0;
	s4 =	smul.f32 s29, s12;
	s29 =	sadd.f32 $0.0e+00, s30  }
0x10d: {  	s6 =	smov.u32 @p0 s20;
	p0 =	por p0, p1;
	s30 =	sadd.f32 $-1.000000000e+00, s8  }
0x10e: {  	s9 =	sadd.f32 $0.0e+00, s17;
	s20 =	smov.u32 @p1 s6;
	p1 =	sge.f32 s28, $0.0e+00  }
0x10f: {  	s4 =	ssub.f32 s11, s4;
	s22 =	smov.u32 @p0 s20  }
0x110: {  	s31 =	simm.s32 $0x10020;
	s0 =	smul.f32 s9, s26;
	s20 =	smov.u32 @p1 s22  }
0x111: {  	[tilespmem:s31+$0xFFFFFFF0] =	vst v0;
	p0 =	por p0, p1;
	p1 =	sge.f32 s30, $0.0e+00;
	s4 =	sadd.f32 $-1.000000000e+00, s4  }
0x112: {  	[tilespmem:s31+$0x0] =	vst v0;
	s2 =	smov.u32 @p0 s20;
	s0 =	ssub.f32 s29, s0  }
0x113: {  	[tilespmem:s31+$0x10] =	vst v0;
	s20 =	smov.u32 @p1 s2  }
0x114: {  	[tilespmem:s31+$0xFFFFFFE0] =	vst v0;
	p0 =	por p0, p1;
	p2 =	sge.f32 s4, $0.0e+00;
	s0 =	sadd.f32 $-1.000000000e+00, s0  }
0x115: {  	[tilespmem:s16+$0xFFFFFFF0] =	vst v0;
	s3 =	smov.u32 @p0 s20  }
0x116: {  	[tilespmem:s16+$0x0] =	vst v0;
	p0 =	por p0, p2;
	s20 =	smov.u32 @p2 s3;
	p1 =	sge.f32 s0, $0.0e+00  }
0x117: {  	[tilespmem:s16+$0x10] =	vst v0;
	s7 =	smov.u32 @p0 s20  }
0x118: {  	[tilespmem:s16+$0xFFFFFFE0] =	vst v0;
	s2 =	simm.s32 $0x10000;
	s3 =	simm.s32 $0x11000;
	s20 =	smov.u32 @p1 s7  }
.LBB2_10:
0x119: {  	[tilespmem:s18+$0xFFFFFFF0] =	vst v0;
	s16 =	sadd.s32 $0x40, s16  }
0x11a: {  	s21 =	sadd.s32 $0x4, s21;
	[tilespmem:s16+$0xFFFFFFF0] =	vst v0  }
0x11b: {  	p0 =	slt.u32 s21, $0xFC;
	[tilespmem:s18+$0x0] =	vst v0  }
.Ltmp4:
0x11c: {  	[tilespmem:s16+$0x0] =	vst v0;
	(pc) =	sbr.rel @p0 .LBB2_10-.Ltmp4, $4  }
0x11d: {  	[tilespmem:s18+$0x10] =	vst v0  }
0x11e: {  	[tilespmem:s16+$0x10] =	vst v0  }
0x11f: {  	[tilespmem:s18+$0xFFFFFFE0] =	vst v0  }
0x120: {  	s18 =	sadd.s32 $0x40, s18;
	[tilespmem:s16+$0xFFFFFFE0] =	vst v0  }
0x121: {  	s0 =	scvt.s32.f32 s20;
	_ =	sdelay $0x1  }
0x122: {  	s1 =	sadd.f32 $3.000000000e+00, s0  }
0x123: {  	s0 =	sadd.f32 $-1.000000000e+00, s0  }
0x124: {  	s31 =	simm.s32 $0x20  }
0x125: {  	v12 =	vld [tilespmem:s31+$0xFFFFFFE0];
	s0 =	smul.f32 $3.906250000e-03, s0  }
0x126: {  	v19 =	vld [tilespmem:s31+$0xFFFFFFF0];
	s1 =	smul.f32 $3.906250000e-03, s1  }
0x127: {  	v6 =	vld [tilespmem:s31+$0x0];
	s16 =	ssub.f32 s19, s0  }
0x128: {  	v5 =	vld [tilespmem:s31+$0x10];
	s1 =	ssub.f32 s19, s1  }
0x129: {  	v3 =	vmov s16  }
0x12a: {  	v7 =	vimm.f32 $0.0e+00;
	v4 =	vmov s1;
	vm1 =	vgt.f32 v12, v3  }
0x12b: {  	v8 =	vsub.f32 v3, v12;
	vm0 =	vle.f32 v12, v3;
	vm2 =	vgt.f32 v19, v3  }
0x12c: {  	v13 =	vsub.f32 v3, v6;
	vm3 =	vge.f32 v19, v4;
	vm4 =	vle.f32 v6, v3  }
0x12d: {  	vm6 =	vge.f32 v6, v4;
	vm7 =	vle.f32 v5, v3;
	vm8 =	vge.f32 v5, v4  }
0x12e: {  	v9 =	vsel vm1, $0x3F800000, v0;
	v10 =	vnsel vm1, $0x0, v12;
	vm1 =	vge.f32 v12, v4  }
0x12f: {  	v11 =	vnsel vm2, $0x0, v19;
	v9 =	vadd.f32 v9, v7;
	v7 =	vadd.f32 v10, v7  }
0x130: {  	v10 =	vsel vm2, $0x3F800000, v0;
	vm2 =	vgt.f32 v6, v3;
	v8 =	vmul.f32 $1.638400000e+04, v8  }
0x131: {  	vm9 =	vmand vm0, vm1;
	v14 =	vnsel vm2, $0x0, v6;
	v9 =	vadd.f32 v10, v9  }
0x132: {  	v10 =	vsub.f32 v3, v19;
	v7 =	vadd.f32 v11, v7;
	v11 =	vsel vm2, $0x3F800000, v0  }
0x133: {  	vm2 =	vgt.f32 v5, v3;
	v8 =	vmax.f32 v8, $0.0e+00;
	v9 =	vadd.f32 v11, v9  }
0x134: {  	v15 =	vnsel vm2, $0x0, v5;
	v7 =	vadd.f32 v14, v7;
	v14 =	vsel vm2, $0x3F800000, v0  }
0x135: {  	v8 =	vmin.f32 v8, $2.550000000e+02;
	v11 =	vsub.f32 v3, v5;
	v16 =	vadd.f32 v14, v9  }
0x136: {  	v15 =	vadd.f32 v15, v7;
	v7 =	vmul.f32 $1.638400000e+04, v10;
	v9 =	vmul.f32 $1.638400000e+04, v13  }
0x137: {  	vm2 =	vle.f32 v19, v3;
	v8 =	vtrunc.f32 v8;
	v10 =	vmul.f32 $1.638400000e+04, v11  }
0x138: {  	v8 =	vcvt.f32.s32 v8;
	v7 =	vmax.f32 v7, $0.0e+00;
	v9 =	vmax.f32 v9, $0.0e+00  }
0x139: {  	v10 =	vmax.f32 v10, $0.0e+00;
	v7 =	vmin.f32 v7, $2.550000000e+02;
	v9 =	vmin.f32 v9, $2.550000000e+02  }
0x13a: {  	s0 =	simm.s32 $0x60;
	v10 =	vmin.f32 v10, $2.550000000e+02;
	v7 =	vtrunc.f32 v7;
	v9 =	vtrunc.f32 v9  }
0x13b: {  	vm5 =	vmand vm2, vm3;
	v10 =	vtrunc.f32 v10;
	v11 =	vcvt.f32.s32 v7;
	v7 =	vld [tilespmem:s0+$0xFFFFFFE0]  }
0x13c: {  	v8 =	vshll.u32 v8, $0x4;
	v9 =	vcvt.f32.s32 v9;
	v10 =	vcvt.f32.s32 v10  }
0x13d: {  	vm3 =	vmand vm4, vm6;
	vm2 =	vmand vm7, vm8;
	v13 =	vor.u32 v1, v8;
	v8 =	vld [tilespmem:s0+$0xFFFFFFF0]  }
0x13e: {  	v11 =	vshll.u32 v11, $0x4;
	v9 =	vshll.u32 v9, $0x4;
	v10 =	vshll.u32 v10, $0x4  }
0x13f: {  	v20 =	vor.u32 v1, v11;
	v14 =	vor.u32 v1, v9;
	v9 =	vor.u32 v1, v10;
	v10 =	vld [tilespmem:s0+$0x0]  }
0x140: {  	v17 =	vsub.f32 v3, v7;
	vm0 =	vle.f32 v7, v3;
	vm4 =	vgt.f32 v7, v3  }
0x141: {  	v11 =	vld [tilespmem:s0+$0x10];
	vm1 =	vge.f32 v7, v4;
	v18 =	vsel vm4, $0x3F800000, v0;
	v21 =	vnsel vm4, $0x0, v7  }
0x142: {  	vm4 =	vgt.f32 v8, v3;
	v16 =	vadd.f32 v18, v16;
	v15 =	vadd.f32 v21, v15  }
0x143: {  	v18 =	vsub.f32 v3, v8;
	v59 =	vsel vm4, $0x3F800000, v0;
	v22 =	vnsel vm4, $0x0, v8  }
0x144: {  	v17 =	vmul.f32 $1.638400000e+04, v17;
	vm4 =	vgt.f32 v10, v3;
	v16 =	vadd.f32 v59, v16  }
0x145: {  	[tilespmem:v13+s2+$0x0] =	vst.idx.add.f32.msk vm9, v2;
	v60 =	vsub.f32 v3, v10;
	v15 =	vadd.f32 v22, v15;
	v61 =	vsel vm4, $0x3F800000, v0  }
0x146: {  	[tilespmem:v13+s3+$0x0] =	vst.idx.add.f32.msk vm9, v12;
	v23 =	vnsel vm4, $0x0, v10;
	vm4 =	vgt.f32 v11, v3;
	v16 =	vadd.f32 v61, v16  }
0x147: {  	[tilespmem:v20+s2+$0x0] =	vst.idx.add.f32.msk vm5, v2;
	v63 =	vsel vm4, $0x3F800000, v0;
	v24 =	vnsel vm4, $0x0, v11;
	v62 =	vadd.f32 v23, v15  }
0x148: {  	vm4 =	vle.f32 v8, v3;
	v15 =	vsub.f32 v3, v11;
	v12 =	vadd.f32 v63, v16  }
0x149: {  	s1 =	simm.s32 $0x4;
	[tilespmem:v20+s3+$0x0] =	vst.idx.add.f32.msk vm5, v19;
	v13 =	vadd.f32 v24, v62;
	v16 =	vmul.f32 $1.638400000e+04, v18;
	v18 =	vmul.f32 $1.638400000e+04, v60  }
.LBB2_12:
0x14a: {  	s1 =	sadd.s32 $0x4, s1;
	v17 =	vmax.f32 v17, $0.0e+00;
	vm5 =	vge.f32 v8, v4;
	v15 =	vmul.f32 $1.638400000e+04, v15;
	[tilespmem:v14+s2+$0x0] =	vst.idx.add.f32.msk vm3, v2  }
0x14b: {  	p0 =	slt.u32 s1, $0x7FC;
	v17 =	vmin.f32 v17, $2.550000000e+02;
	v16 =	vmax.f32 v16, $0.0e+00;
	v18 =	vmax.f32 v18, $0.0e+00;
	[tilespmem:v14+s3+$0x0] =	vst.idx.add.f32.msk vm3, v6;
	v6 =	vmovc v10  }
0x14c: {  	v10 =	vmin.f32 v16, $2.550000000e+02;
	v14 =	vmin.f32 v18, $2.550000000e+02;
	v15 =	vmax.f32 v15, $0.0e+00;
	[tilespmem:v9+s2+$0x0] =	vst.idx.add.f32.msk vm2, v2  }
0x14d: {  	v16 =	vtrunc.f32 v17;
	v10 =	vtrunc.f32 v10;
	v15 =	vmin.f32 v15, $2.550000000e+02;
	[tilespmem:v9+s3+$0x0] =	vst.idx.add.f32.msk vm2, v5;
	v5 =	vmovc v11  }
0x14e: {  	v9 =	vtrunc.f32 v14;
	vm2 =	vle.f32 v6, v3;
	v11 =	vtrunc.f32 v15  }
0x14f: {  	vm3 =	vge.f32 v6, v4;
	v14 =	vcvt.f32.s32 v16;
	v10 =	vcvt.f32.s32 v10  }
0x150: {  	s0 =	sadd.s32 $0x40, s0;
	v9 =	vcvt.f32.s32 v9;
	vm7 =	vle.f32 v5, v3;
	v11 =	vcvt.f32.s32 v11  }
0x151: {  	vm8 =	vge.f32 v5, v4;
	v14 =	vshll.u32 v14, $0x4;
	v10 =	vshll.u32 v10, $0x4;
	v16 =	vld [tilespmem:s0+$0xFFFFFFE0]  }
0x152: {  	v17 =	vor.u32 v1, v14;
	v9 =	vshll.u32 v9, $0x4;
	v11 =	vshll.u32 v11, $0x4  }
0x153: {  	v20 =	vor.u32 v1, v10;
	v14 =	vor.u32 v1, v9;
	v9 =	vor.u32 v1, v11;
	v19 =	vld [tilespmem:s0+$0xFFFFFFF0]  }
0x154: {  	vm6 =	vmand vm0, vm1;
	vm5 =	vmand vm4, vm5;
	vm3 =	vmand vm2, vm3  }
0x155: {  	vm2 =	vmand vm7, vm8;
	v10 =	vld [tilespmem:s0+$0x0]  }
0x156: {  	v18 =	vsub.f32 v3, v16;
	vm0 =	vle.f32 v16, v3;
	vm4 =	vgt.f32 v16, v3  }
0x157: {  	vm1 =	vge.f32 v16, v4;
	v15 =	vsel vm4, $0x3F800000, v0;
	v21 =	vnsel vm4, $0x0, v16;
	v11 =	vld [tilespmem:s0+$0x10]  }
0x158: {  	v12 =	vadd.f32 v15, v12;
	v13 =	vadd.f32 v21, v13;
	vm4 =	vgt.f32 v19, v3  }
0x159: {  	v21 =	vsub.f32 v3, v19;
	v15 =	vsel vm4, $0x3F800000, v0;
	v22 =	vnsel vm4, $0x0, v19  }
0x15a: {  	v12 =	vadd.f32 v15, v12;
	v13 =	vadd.f32 v22, v13;
	vm4 =	vgt.f32 v10, v3  }
.Ltmp5:
0x15b: {  	v22 =	vsub.f32 v3, v10;
	v15 =	vsel vm4, $0x3F800000, v0;
	v23 =	vnsel vm4, $0x0, v10;
	[tilespmem:v17+s2+$0x0] =	vst.idx.add.f32.msk vm6, v2;
	(pc) =	sbr.rel @p0 .LBB2_12-.Ltmp5, $4  }
0x15c: {  	v12 =	vadd.f32 v15, v12;
	v13 =	vadd.f32 v23, v13;
	vm4 =	vgt.f32 v11, v3  }
0x15d: {  	v15 =	vsub.f32 v3, v11;
	v23 =	vsel vm4, $0x3F800000, v0;
	v24 =	vnsel vm4, $0x0, v11;
	[tilespmem:v17+s3+$0x0] =	vst.idx.add.f32.msk vm6, v7;
	v7 =	vmovc v16  }
0x15e: {  	v17 =	vmul.f32 $1.638400000e+04, v18;
	v12 =	vadd.f32 v23, v12;
	v13 =	vadd.f32 v24, v13;
	[tilespmem:v20+s2+$0x0] =	vst.idx.add.f32.msk vm5, v2  }
0x15f: {  	v16 =	vmul.f32 $1.638400000e+04, v21;
	vm4 =	vle.f32 v19, v3;
	v18 =	vmul.f32 $1.638400000e+04, v22;
	[tilespmem:v20+s3+$0x0] =	vst.idx.add.f32.msk vm5, v8;
	v8 =	vmovc v19  }
0x160: {  	v17 =	vmax.f32 v17, $0.0e+00;
	vm5 =	vge.f32 v8, v4;
	v15 =	vmul.f32 $1.638400000e+04, v15  }
0x161: {  	vm0 =	vmand vm0, vm1;
	vm11 =	vle.f32 v10, v3;
	v17 =	vmin.f32 v17, $2.550000000e+02  }
0x162: {  	vm13 =	vge.f32 v10, v4;
	v16 =	vmax.f32 v16, $0.0e+00;
	v17 =	vtrunc.f32 v17  }
0x163: {  	v18 =	vmax.f32 v18, $0.0e+00;
	v16 =	vmin.f32 v16, $2.550000000e+02;
	v17 =	vcvt.f32.s32 v17  }
0x164: {  	vm12 =	vmand vm4, vm5;
	v18 =	vmin.f32 v18, $2.550000000e+02;
	v16 =	vtrunc.f32 v16  }
0x165: {  	[tilespmem:v14+s2+$0x0] =	vst.idx.add.f32.msk vm3, v2;
	v18 =	vtrunc.f32 v18;
	v16 =	vcvt.f32.s32 v16;
	v17 =	vshll.u32 v17, $0x4  }
0x166: {  	[tilespmem:v14+s3+$0x0] =	vst.idx.add.f32.msk vm3, v6;
	v15 =	vmax.f32 v15, $0.0e+00;
	v6 =	vcvt.f32.s32 v18;
	v17 =	vor.u32 v1, v17  }
0x167: {  	vm1 =	vmand vm11, vm13;
	v15 =	vmin.f32 v15, $2.550000000e+02;
	v63 =	vshll.u32 v16, $0x4  }
0x168: {  	[tilespmem:v9+s2+$0x0] =	vst.idx.add.f32.msk vm2, v2;
	v15 =	vtrunc.f32 v15;
	v6 =	vshll.u32 v6, $0x4;
	v14 =	vor.u32 v1, v63  }
0x169: {  	vm14 =	vle.f32 v11, v3;
	[tilespmem:v9+s3+$0x0] =	vst.idx.add.f32.msk vm2, v5;
	v5 =	vcvt.f32.s32 v15;
	v3 =	vor.u32 v1, v6  }
0x16a: {  	vm15 =	vge.f32 v11, v4  }
0x16b: {  	vm2 =	vmand vm14, vm15;
	v4 =	vshll.u32 v5, $0x4;
	[tilespmem:v17+s2+$0x0] =	vst.idx.add.f32.msk vm0, v2  }
0x16c: {  	v4 =	vor.u32 v1, v4;
	[tilespmem:v17+s3+$0x0] =	vst.idx.add.f32.msk vm0, v7  }
0x16d: {  	[tilespmem:v14+s2+$0x0] =	vst.idx.add.f32.msk vm12, v2  }
0x16e: {  	[tilespmem:v3+s2+$0x0] =	vst.idx.add.f32.msk vm1, v2  }
0x16f: {  	[tilespmem:v14+s3+$0x0] =	vst.idx.add.f32.msk vm12, v8  }
0x170: {  	[tilespmem:v3+s3+$0x0] =	vst.idx.add.f32.msk vm1, v10  }
0x171: {  	[tilespmem:v4+s2+$0x0] =	vst.idx.add.f32.msk vm2, v2  }
0x172: {  	s0 =	simm.s32 $0x10020;
	[tilespmem:v4+s3+$0x0] =	vst.idx.add.f32.msk vm2, v11  }
0x173: {  	v3 =	vld [tilespmem:s0+$0xFFFFFFE0]  }
0x174: {  	v4 =	vld [tilespmem:s0+$0xFFFFFFF0];
	_ =	sdelay $0x1  }
0x175: {  	s1 =	simm.s32 $0x11020;
	(xrf2) =	vadd.scan.msk.f32 $0xffff, v12  }
0x176: {  	(xrf2) =	vadd.scan.msk.f32 $0xffff, v13;
	v5 =	vld [tilespmem:s1+$0xFFFFFFE0]  }
0x177: {  	(xrf2) =	vadd.scan.msk.f32 $0xffff, v3  }
0x178: {  	(xrf2) =	vadd.scan.msk.f32 $0xffff, v4  }
0x179: {  	v3 =	vld [tilespmem:s0+$0x0]  }
0x17a: {  	v4 =	vld [tilespmem:s0+$0x10]  }
0x17b: {  	(xrf2) =	vadd.scan.msk.f32 $0xffff, v5;
	v5 =	vld [tilespmem:s1+$0xFFFFFFF0];
	_ =	sdelay $0x2  }
0x17c: {  	(xrf2) =	vadd.scan.msk.f32 $0xffff, v3  }
0x17d: {  	v3, _, _ =	vpop (xrf2);
	(xrf2) =	vadd.scan.msk.f32 $0xffff, v4  }
0x17e: {  	(v2sf) =	vpush v3, $0xF;
	(xrf2) =	vadd.scan.msk.f32 $0xffff, v5;
	v5, _, _ =	vpop (xrf2)  }
0x17f: {  	v4 =	vld [tilespmem:s1+$0x0];
	(v2sf) =	vpush v5, $0xF;
	v3, _, _ =	vpop (xrf2)  }
0x180: {  	s13 =	simm.s32 $0x10060;
	v5 =	vld [tilespmem:s1+$0x10];
	(v2sf) =	vpush v3, $0xF;
	v3, _, _ =	vpop (xrf2)  }
0x181: {  	(v2sf) =	vpush v3, $0xF;
	v3 =	vld [tilespmem:s13+$0xFFFFFFE0];
	_ =	sdelay $0x2  }
0x182: {  	(xrf2) =	vadd.scan.msk.f32 $0xffff, v4  }
0x183: {  	(xrf2) =	vadd.scan.msk.f32 $0xffff, v5  }
0x184: {  	v6, _, _ =	vpop (xrf2);
	(xrf2) =	vadd.scan.msk.f32 $0xffff, v3;
	_ =	sdelay $0x1  }
0x185: {  	(v2sf) =	vpush v6, $0xF;
	v4, _, _ =	vpop (xrf2)  }
0x186: {  	(v2sf) =	vpush v4, $0xF;
	v4, _, _ =	vpop (xrf2)  }
0x187: {  	s14 =	simm.s32 $0x11060;
	(v2sf) =	vpush v4, $0xF;
	v4, _, _ =	vpop (xrf2);
	v3 =	vld [tilespmem:s13+$0xFFFFFFF0]  }
0x188: {  	(v2sf) =	vpush v4, $0xF;
	v4 =	vld [tilespmem:s14+$0xFFFFFFE0];
	_ =	sdelay $0x2  }
0x189: {  	v6, _, _ =	vpop (xrf2)  }
0x18a: {  	v5 =	vld [tilespmem:s13+$0x0];
	s25 =	spop (v2sf);
	(v2sf) =	vpush v6, $0xF;
	(xrf2) =	vadd.scan.msk.f32 $0xffff, v3;
	v3, _, _ =	vpop (xrf2)  }
0x18b: {  	s23 =	spop (v2sf);
	(xrf2) =	vadd.scan.msk.f32 $0xffff, v4;
	(v2sf) =	vpush v3, $0xF;
	v3 =	vld [tilespmem:s13+$0x10];
	v4, _, _ =	vpop (xrf2)  }
0x18c: {  	s5 =	simm.s32 $0x1;
	s15 =	spop (v2sf);
	(v2sf) =	vpush v4, $0xF  }
0x18d: {  	s5 =	scvt.s32.f32 s5;
	_ =	sdelay $0x1  }
0x18e: {  	s5 =	smul.f32 $6.103515630e-05, s5;
	(xrf2) =	vadd.scan.msk.f32 $0xffff, v5  }
0x18f: {  	(xrf2) =	vadd.scan.msk.f32 $0xffff, v3  }
0x190: {  	s17 =	simm.f32 $0.0e+00;
	s5 =	ssub.f32 s16, s5;
	s18 =	spop (v2sf)  }
0x191: {  	s19 =	sadd.f32 s15, s17;
	s20 =	spop (v2sf)  }
0x192: {  	s6 =	simm.s32 $0x3;
	v4 =	vld [tilespmem:s14+$0xFFFFFFF0];
	s2 =	sadd.f32 s20, s17  }
0x193: {  	s6 =	scvt.s32.f32 s6;
	s3 =	sadd.f32 s18, s19  }
0x194: {  	s26 =	sadd.f32 s19, s25;
	s4 =	spop (v2sf)  }
0x195: {  	s31 =	sadd.f32 s3, s25;
	s21 =	spop (v2sf)  }
0x196: {  	s4 =	sadd.f32 s4, s3;
	v3, _, _ =	vpop (xrf2);
	s22 =	spop (v2sf)  }
0x197: {  	s8 =	smul.f32 $6.103515630e-05, s6;
	(xrf2) =	vadd.scan.msk.f32 $0xffff, v4;
	v4, _, _ =	vpop (xrf2);
	(v2sf) =	vpush v3, $0xF;
	s3 =	sadd.f32 s22, s2  }
0x198: {  	s7 =	sadd.f32 s21, s4;
	(v2sf) =	vpush v4, $0xF;
	v3, _, _ =	vpop (xrf2);
	s9 =	spop (v2sf)  }
0x199: {  	s22 =	sadd.f32 s4, s25;
	v4 =	vld [tilespmem:s14+$0x0];
	(v2sf) =	vpush v3, $0xF;
	s10 =	spop (v2sf);
	v3, _, _ =	vpop (xrf2)  }
0x19a: {  	s4 =	ssub.f32 s16, s8;
	s8 =	spop (v2sf);
	(v2sf) =	vpush v3, $0xF  }
0x19b: {  	_ = 	snop  }
0x19c: {  	s28 =	sadd.f32 s2, s23;
	s5 =	smul.f32 s26, s5;
	v3 =	vld [tilespmem:s14+$0x10]  }
0x19d: {  	s24 =	simm.s32 $0x2  }
0x19e: {  	s5 =	ssub.f32 s28, s5;
	s2 =	scvt.s32.f32 s24;
	(xrf2) =	vadd.scan.msk.f32 $0xffff, v4  }
0x19f: {  	s18 =	sadd.f32 s3, s23  }
0x1a0: {  	s2 =	smul.f32 $6.103515630e-05, s2;
	s24 =	sadd.f32 s7, s25  }
0x1a1: {  	s3 =	sadd.f32 s9, s3;
	(xrf2) =	vadd.scan.msk.f32 $0xffff, v3  }
0x1a2: {  	s11 =	simm.s32 $0x4;
	s2 =	ssub.f32 s16, s2  }
0x1a3: {  	s1 =	simm.s32 $0x100A0;
	s4 =	smul.f32 s22, s4;
	s20 =	sadd.f32 s3, s23;
	v5, _, _ =	vpop (xrf2)  }
0x1a4: {  	v6 =	vld [tilespmem:s1+$0xFFFFFFE0];
	s0 =	sadd.f32 s8, s7;
	(v2sf) =	vpush v5, $0xF;
	s7 =	scvt.s32.f32 s11  }
0x1a5: {  	s3 =	sadd.f32 s10, s3;
	s2 =	smul.f32 s31, s2;
	v5 =	vld [tilespmem:s1+$0xFFFFFFF0]  }
0x1a6: {  	s12 =	smul.f32 $6.103515630e-05, s7;
	s13 =	spop (v2sf)  }
0x1a7: {  	s11 =	sadd.f32 $-1.000000000e+00, s5;
	s14 =	spop (v2sf)  }
0x1a8: {  	s6 =	ssub.f32 s16, s12;
	v4, _, _ =	vpop (xrf2);
	s12 =	spop (v2sf)  }
0x1a9: {  	p4 =	sge.f32 s11, $0.0e+00;
	(xrf2) =	vadd.scan.msk.f32 $0xffff, v6;
	s11 =	spop (v2sf);
	(v2sf) =	vpush v4, $0xF  }
0x1aa: {  	s4 =	ssub.f32 s20, s4;
	(xrf2) =	vadd.scan.msk.f32 $0xffff, v5  }
0x1ab: {  	s10 =	simm.s32 $0x110A0;
	s9 =	ssub.f32 s18, s2;
	v4, _, _ =	vpop (xrf2)  }
0x1ac: {  	p1 =	por $0x0, $0x0;
	s29 =	simm.s32 $0x4;
	s4 =	sadd.f32 $-1.000000000e+00, s4;
	v3 =	vld [tilespmem:s10+$0xFFFFFFE0];
	(v2sf) =	vpush v4, $0xF  }
0x1ad: {  	p3 =	por !p1, !p1;
	s19 =	simm.f32 $1.000000000e+00;
	s9 =	sadd.f32 $-1.000000000e+00, s9  }
0x1ae: {  	s21 =	sadd.f32 s3, s23;
	s2 =	simm.s32 $0x8;
	p0 =	sge.f32 s4, $0.0e+00  }
0x1af: {  	p2 =	sge.f32 s9, $0.0e+00;
	p1 =	por p1, p4;
	s15 =	sadd.f32 s13, s0;
	v5 =	vld [tilespmem:s1+$0x0]  }
0x1b0: {  	s0 =	sadd.f32 s0, s25;
	s13 =	simm.s32 $0x6;
	p5 =	por !p1, !p1  }
0x1b1: {  	s5 =	smul.f32 s24, s6;
	s8 =	sadd.f32 s14, s3;
	s14 =	simm.s32 $0x8;
	(xrf2) =	vadd.scan.msk.f32 $0xffff, v3  }
0x1b2: {  	s6 =	simm.s32 $0x5;
	s3 =	scvt.s32.f32 s14;
	s7 =	sadd.f32 s12, s15  }
0x1b3: {  	p5 =	por !p2, !p5;
	s30 =	sadd.f32 s15, s25;
	v3 =	vld [tilespmem:s10+$0xFFFFFFF0];
	v6, _, _ =	vpop (xrf2);
	s15 =	spop (v2sf)  }
0x1b4: {  	s14 =	scvt.s32.f32 s13;
	(xrf2) =	vadd.scan.msk.f32 $0xffff, v5;
	v4 =	vld [tilespmem:s1+$0x10];
	(v2sf) =	vpush v6, $0xF;
	v5, _, _ =	vpop (xrf2);
	s9 =	sadd.f32 s15, s8;
	s15 =	simm.s32 $0x7  }
.LBB2_14:
0x1b5: {  	s12 =	scvt.s32.f32 s15;
	p3 =	por !p4, !p3  }
0x1b6: {  	s5 =	ssub.f32 s21, s5;
	s4 =	smov.u32 s29;
	s6 =	scvt.s32.f32 s6  }
0x1b7: {  	s29 =	smov.u32 s2;
	s14 =	smul.f32 $6.103515630e-05, s14;
	s8 =	sadd.f32 s8, s23  }
0x1b8: {  	s11 =	sadd.f32 s11, s7;
	s13 =	spop (v2sf);
	p3 =	por !p3, !p3  }
0x1b9: {  	p1 =	por p1, p2;
	s2 =	sadd.s32 $0x4, s2;
	(xrf2) =	vadd.scan.msk.f32 $0xffff, v4;
	s15 =	sadd.f32 $-1.000000000e+00, s5  }
0x1ba: {  	s7 =	sadd.f32 s7, s25;
	p2 =	por !p1, !p1;
	s12 =	smul.f32 $6.103515630e-05, s12;
	v4 =	vld [tilespmem:s10+$0x0]  }
0x1bb: {  	s1 =	sadd.s32 $0x40, s1;
	s3 =	smul.f32 $6.103515630e-05, s3;
	v6, _, _ =	vpop (xrf2);
	(v2sf) =	vpush v5, $0xF;
	s5 =	spop (v2sf)  }
0x1bc: {  	p1 =	por p1, p0;
	s6 =	smul.f32 $6.103515630e-05, s6;
	s19 =	smov.u32 @p3 s26;
	(v2sf) =	vpush v6, $0xF;
	(xrf2) =	vadd.scan.msk.f32 $0xffff, v3  }
0x1bd: {  	s17 =	smov.u32 @p3 s28;
	p0 =	por !p0, !p2;
	s3 =	ssub.f32 s16, s3;
	v3 =	vld [tilespmem:s10+$0x10]  }
0x1be: {  	p3 =	por !p5, !p5;
	s6 =	ssub.f32 s16, s6;
	p2 =	sge.f32 s15, $0.0e+00;
	v5, _, _ =	vpop (xrf2)  }
0x1bf: {  	s28 =	smov.u32 s8;
	s19 =	smov.u32 @p3 s31;
	s15 =	sadd.f32 s9, s23;
	(v2sf) =	vpush v5, $0xF;
	(xrf2) =	vadd.scan.msk.f32 $0xffff, v4  }
0x1c0: {  	p6 =	slt.u32 s2, $0xFC;
	s8 =	ssub.f32 s16, s12;
	s6 =	smul.f32 s0, s6  }
0x1c1: {  	s26 =	smov.u32 s0;
	p4 =	por !p1, !p1;
	s9 =	sadd.f32 s13, s9  }
0x1c2: {  	s17 =	smov.u32 @p3 s18;
	s0 =	smul.f32 s7, s8;
	p1 =	por p1, p2;
	(xrf2) =	vadd.scan.msk.f32 $0xffff, v3  }
0x1c3: {  	p0 =	por !p0, !p0;
	s12 =	ssub.f32 s16, s14;
	s8 =	spop (v2sf);
	v3, _, _ =	vpop (xrf2)  }
0x1c4: {  	s17 =	smov.u32 @p0 s20;
	s13 =	sadd.f32 s11, s25;
	p2 =	por !p2, !p4;
	(v2sf) =	vpush v3, $0xF  }
0x1c5: {  	s10 =	sadd.s32 $0x40, s10;
	s20 =	sadd.f32 s9, s23;
	v3 =	vld [tilespmem:s1+$0xFFFFFFE0]  }
0x1c6: {  	s19 =	smov.u32 @p0 s22;
	p0 =	por !p2, !p2;
	s11 =	sadd.f32 s8, s11;
	v4, _, _ =	vpop (xrf2)  }
0x1c7: {  	s22 =	smov.u32 s7;
	s7 =	sadd.f32 s5, s9;
	s17 =	smov.u32 @p0 s21;
	v5 =	vld [tilespmem:s1+$0xFFFFFFF0];
	(v2sf) =	vpush v4, $0xF  }
0x1c8: {  	s18 =	smov.u32 s15;
	s19 =	smov.u32 @p0 s24;
	s5 =	ssub.f32 s28, s6  }
0x1c9: {  	s6 =	smul.f32 s30, s12;
	s24 =	smov.u32 s13;
	s0 =	ssub.f32 s20, s0;
	v4, _, _ =	vpop (xrf2)  }
0x1ca: {  	s31 =	smov.u32 s30;
	s21 =	sadd.f32 s7, s23;
	(xrf2) =	vadd.scan.msk.f32 $0xffff, v3;
	s9 =	spop (v2sf);
	(v2sf) =	vpush v4, $0xF  }
0x1cb: {  	s0 =	sadd.f32 $-1.000000000e+00, s0;
	s8 =	spop (v2sf)  }
0x1cc: {  	s6 =	ssub.f32 s18, s6;
	v3, _, _ =	vpop (xrf2)  }
0x1cd: {  	s13 =	sadd.f32 $-1.000000000e+00, s5;
	v4 =	vld [tilespmem:s10+$0xFFFFFFE0];
	(xrf2) =	vadd.scan.msk.f32 $0xffff, v5;
	(v2sf) =	vpush v3, $0xF  }
0x1ce: {  	s5 =	smul.f32 s24, s3;
	s12 =	spop (v2sf)  }
0x1cf: {  	p4 =	sge.f32 s13, $0.0e+00;
	s13 =	sadd.f32 $-1.000000000e+00, s6;
	v5 =	vld [tilespmem:s1+$0x0]  }
0x1d0: {  	p3 =	por !p1, !p1;
	p0 =	sge.f32 s0, $0.0e+00;
	s8 =	sadd.f32 s8, s7  }
0x1d1: {  	s0 =	sadd.s32 $0x8, s4;
	s9 =	sadd.f32 s9, s11  }
0x1d2: {  	s3 =	scvt.s32.f32 s0;
	s0 =	sadd.f32 s11, s25;
	(xrf2) =	vadd.scan.msk.f32 $0xffff, v4  }
.Ltmp6:
0x1d3: {  	s6 =	sadd.s32 $0x5, s4;
	s11 =	spop (v2sf);
	(pc) =	sbr.rel @p6 .LBB2_14-.Ltmp6, $4  }
0x1d4: {  	s14 =	sadd.s32 $0x6, s4;
	p1 =	por p1, p4;
	s7 =	sadd.f32 s12, s9;
	v4 =	vld [tilespmem:s1+$0x10];
	v6, _, _ =	vpop (xrf2)  }
0x1d5: {  	p2 =	sge.f32 s13, $0.0e+00;
	p5 =	por !p1, !p1;
	s30 =	sadd.f32 s9, s25;
	v3 =	vld [tilespmem:s10+$0xFFFFFFF0];
	(v2sf) =	vpush v6, $0xF;
	(xrf2) =	vadd.scan.msk.f32 $0xffff, v5  }
0x1d6: {  	s14 =	scvt.s32.f32 s14;
	s9 =	spop (v2sf)  }
0x1d7: {  	s15 =	sadd.s32 $0x7, s4;
	p5 =	por !p2, !p5;
	v5, _, _ =	vpop (xrf2);
	s9 =	sadd.f32 s9, s8  }
0x1d8: {  	_ = 	snop  }
0x1d9: {  	(xrf2) =	vadd.scan.msk.f32 $0xffff, v4;
	_ =	sdelay $0x5  }
0x1da: {  	(v2sf) =	vpush v5, $0xF  }
0x1db: {  	v4, _, _ =	vpop (xrf2)  }
0x1dc: {  	s12 =	ssub.f32 s21, s5;
	(v2sf) =	vpush v4, $0xF;
	v4, _, _ =	vpop (xrf2)  }
0x1dd: {  	s1 =	sadd.f32 s11, s7;
	(v2sf) =	vpush v4, $0xF  }
0x1de: {  	s2 =	sadd.f32 s7, s25;
	v4, _, _ =	vpop (xrf2)  }
0x1df: {  	p3 =	por !p4, !p3;
	s13 =	spop (v2sf);
	s12 =	sadd.f32 $-1.000000000e+00, s12;
	(v2sf) =	vpush v4, $0xF  }
0x1e0: {  	s14 =	smul.f32 $6.103515630e-05, s14;
	p3 =	por !p3, !p3;
	s13 =	sadd.f32 s13, s9;
	(xrf2) =	vadd.scan.msk.f32 $0xffff, v3  }
0x1e1: {  	s19 =	smov.u32 @p3 s26;
	s17 =	smov.u32 @p3 s28;
	p3 =	sge.f32 s12, $0.0e+00  }
0x1e2: {  	s14 =	ssub.f32 s16, s14;
	s11 =	spop (v2sf)  }
0x1e3: {  	v5 =	vld [tilespmem:s10+$0x10];
	s11 =	sadd.f32 s11, s13;
	s12 =	simm.s32 @!p3 $0x0  }
0x1e4: {  	s12 =	simm.s32 @p3 $0x1;
	v4 =	vld [tilespmem:s10+$0x0];
	[dreg:$0xd] =	wrdreg s2  }
0x1e5: {  	p3 =	por !p5, !p5;
	s4 =	spop (v2sf);
	[smem:$0x7EE] =	sst s12  }
0x1e6: {  	s12 =	simm.s32 @!p3 $0x0;
	s2 =	sadd.f32 s4, s1  }
0x1e7: {  	s1 =	sadd.f32 s1, s25;
	s12 =	simm.s32 @p3 $0x1  }
0x1e8: {  	[smem:$0x7F7] =	sst s12  }
0x1e9: {  	[dreg:$0xb] =	wrdreg s1;
	s7 =	spop (v2sf);
	(xrf2) =	vadd.scan.msk.f32 $0xffff, v4  }
0x1ea: {  	v3, _, _ =	vpop (xrf2);
	s1 =	sadd.f32 s7, s2  }
0x1eb: {  	s5 =	sadd.f32 s2, s25;
	(v2sf) =	vpush v3, $0xF;
	(xrf2) =	vadd.scan.msk.f32 $0xffff, v5;
	s4 =	spop (v2sf)  }
0x1ec: {  	s7 =	sadd.f32 s1, s25;
	s10 =	spop (v2sf)  }
0x1ed: {  	s10 =	sadd.f32 s10, s1  }
0x1ee: {  	s4 =	sadd.f32 s4, s11;
	s2 =	spop (v2sf)  }
0x1ef: {  	s1 =	sadd.f32 s2, s10  }
0x1f0: {  	s2 =	scvt.s32.f32 s6;
	s6 =	sadd.f32 s10, s25  }
0x1f1: {  	s15 =	scvt.s32.f32 s15;
	s10 =	sadd.f32 s8, s23  }
0x1f2: {  	s8 =	sadd.f32 s13, s23  }
0x1f3: {  	s15 =	smul.f32 $6.103515630e-05, s15;
	v3, _, _ =	vpop (xrf2);
	s1 =	sadd.f32 s1, s25  }
0x1f4: {  	(v2sf) =	vpush v3, $0xF;
	s25 =	sadd.f32 s9, s23  }
0x1f5: {  	v3, _, _ =	vpop (xrf2);
	s13 =	smul.f32 $6.103515630e-05, s3;
	s9 =	ssub.f32 s16, s15  }
0x1f6: {  	(v2sf) =	vpush v3, $0xF;
	s2 =	smul.f32 $6.103515630e-05, s2;
	s15 =	rddreg [dreg:$0xd]  }
0x1f7: {  	s3 =	sadd.f32 s11, s23;
	s9 =	smul.f32 s15, s9  }
0x1f8: {  	s2 =	ssub.f32 s16, s2  }
0x1f9: {  	s26 =	smul.f32 s30, s14;
	s9 =	ssub.f32 s8, s9  }
0x1fa: {  	s13 =	ssub.f32 s16, s13;
	s14 =	spop (v2sf)  }
0x1fb: {  	s2 =	smul.f32 s0, s2;
	s9 =	sadd.f32 $-1.000000000e+00, s9  }
0x1fc: {  	s12 =	sadd.f32 s14, s4  }
0x1fd: {  	s19 =	smov.u32 @p3 s31;
	s2 =	ssub.f32 s10, s2;
	p3 =	sge.f32 s9, $0.0e+00  }
0x1fe: {  	s11 =	ssub.f32 s25, s26  }
0x1ff: {  	s2 =	sadd.f32 $-1.000000000e+00, s2;
	s9 =	simm.s32 @!p3 $0x0  }
0x200: {  	s11 =	sadd.f32 $-1.000000000e+00, s11;
	s9 =	simm.s32 @p3 $0x1  }
0x201: {  	s26 =	sadd.s32 $0x5, s29;
	p3 =	sge.f32 s2, $0.0e+00;
	[smem:$0x7F0] =	sst s9  }
0x202: {  	s9 =	sadd.f32 s4, s23;
	s4 =	scvt.s32.f32 s26  }
0x203: {  	s26 =	sadd.f32 s12, s23;
	s28 =	spop (v2sf);
	s2 =	simm.s32 @!p3 $0x0  }
0x204: {  	s14 =	sadd.f32 s28, s12;
	s2 =	simm.s32 @p3 $0x1  }
0x205: {  	s31 =	spop (v2sf);
	[smem:$0x7EF] =	sst s2  }
0x206: {  	s12 =	sadd.f32 s31, s14  }
0x207: {  	s4 =	smul.f32 $6.103515630e-05, s4;
	s28 =	sadd.f32 s14, s23  }
0x208: {  	s14 =	rddreg [dreg:$0xb]  }
0x209: {  	p6 =	sge.f32 s11, $0.0e+00;
	s4 =	ssub.f32 s16, s4  }
0x20a: {  	s31 =	smul.f32 s14, s13;
	s23 =	sadd.f32 s12, s23;
	s12 =	sadd.s32 $0x7, s29  }
0x20b: {  	s13 =	sadd.s32 $0x6, s29;
	s4 =	smul.f32 s5, s4;
	s11 =	scvt.s32.f32 s12  }
0x20c: {  	s2 =	ssub.f32 s3, s31;
	s12 =	scvt.s32.f32 s13;
	s31 =	sadd.s32 $0x8, s29  }
0x20d: {  	s13 =	scvt.s32.f32 s31;
	s4 =	ssub.f32 s9, s4  }
0x20e: {  	s2 =	sadd.f32 $-1.000000000e+00, s2;
	s11 =	smul.f32 $6.103515630e-05, s11  }
0x20f: {  	s12 =	smul.f32 $6.103515630e-05, s12;
	s4 =	sadd.f32 $-1.000000000e+00, s4  }
0x210: {  	s13 =	smul.f32 $6.103515630e-05, s13;
	s11 =	ssub.f32 s16, s11  }
0x211: {  	p5 =	sge.f32 s2, $0.0e+00;
	s2 =	ssub.f32 s16, s12  }
0x212: {  	p1 =	por p1, p2;
	s12 =	ssub.f32 s16, s13;
	p2 =	sge.f32 s4, $0.0e+00  }
0x213: {  	p4 =	por !p1, !p1;
	s16 =	sld [smem:$0x7EE]  }
0x214: {  	s29 =	sld [smem:$0x7EF];
	s2 =	smul.f32 s7, s2;
	s4 =	simm.s32 @!p2 $0x0  }
0x215: {  	p4 =	por !p0, !p4;
	s4 =	simm.s32 @p2 $0x1;
	p2 =	por p1, p0  }
0x216: {  	p1 =	seq.s32 s16, $0x1;
	s2 =	ssub.f32 s26, s2;
	p3 =	por !p2, !p2  }
0x217: {  	p2 =	por p2, p1;
	p0 =	por !p1, !p3;
	p1 =	seq.s32 s29, $0x1  }
0x218: {  	[smem:$0x7F2] =	sst s4;
	s4 =	simm.s32 @!p0 $0x0;
	p3 =	por p2, p1  }
0x219: {  	s31 =	sld [smem:$0x7F0];
	s4 =	simm.s32 @p0 $0x1;
	p0 =	por !p3, !p3  }
0x21a: {  	s2 =	sadd.f32 $-1.000000000e+00, s2;
	p2 =	por !p2, !p2;
	p0 =	por !p6, !p0  }
0x21b: {  	p3 =	por p3, p6;
	[smem:$0x7F1] =	sst s4;
	s4 =	simm.s32 @!p0 $0x0  }
0x21c: {  	s4 =	simm.s32 @p0 $0x1;
	p0 =	por !p1, !p2;
	p2 =	seq.s32 s31, $0x1  }
0x21d: {  	s31 =	smul.f32 s1, s12;
	[smem:$0x7F4] =	sst s4;
	s4 =	simm.s32 @!p0 $0x0  }
0x21e: {  	s16 =	sld [smem:$0x7F1];
	s4 =	simm.s32 @p0 $0x1;
	p0 =	por !p3, !p3  }
0x21f: {  	s13 =	smul.f32 s6, s11;
	s12 =	ssub.f32 s23, s31;
	p0 =	por !p2, !p0  }
0x220: {  	p3 =	por p3, p2;
	[smem:$0x7F3] =	sst s4;
	s4 =	simm.s32 @!p0 $0x0  }
0x221: {  	p2 =	por !p3, !p3;
	s29 =	sld [smem:$0x7F3];
	s4 =	simm.s32 @p0 $0x1  }
0x222: {  	p0 =	por !p5, !p2;
	[smem:$0x7F5] =	sst s4  }
0x223: {  	s11 =	simm.s32 @!p0 $0x0;
	s4 =	ssub.f32 s28, s13  }
0x224: {  	p6 =	por p3, p5;
	s11 =	simm.s32 @p0 $0x1;
	s13 =	sld [smem:$0x7F5]  }
0x225: {  	p3 =	seq.s32 s16, $0x1;
	p0 =	por !p4, !p4;
	[smem:$0x7F6] =	sst s11  }
0x226: {  	p1 =	por !p3, !p3;
	s19 =	smov.u32 @p0 s22;
	s22 =	sld [smem:$0x7F2]  }
0x227: {  	p4 =	por !p6, !p6;
	s11 =	simm.s32 @!p0 $0x0;
	s4 =	sadd.f32 $-1.000000000e+00, s4  }
0x228: {  	s11 =	simm.s32 @p0 $0x1;
	p0 =	sge.f32 s2, $0.0e+00;
	s2 =	sld [smem:$0x7F4]  }
0x229: {  	p3 =	seq.s32 s29, $0x1;
	[smem:$0x7F8] =	sst s11;
	s11 =	simm.s32 @!p1 $0x0  }
0x22a: {  	s19 =	smov.u32 @p1 s24;
	s11 =	simm.s32 @p1 $0x1;
	p5 =	seq.s32 s22, $0x1  }
0x22b: {  	p2 =	por p6, p5;
	p6 =	por !p5, !p4;
	p4 =	seq.s32 s2, $0x1  }
0x22c: {  	p1 =	por !p3, !p3;
	[smem:$0x7F9] =	sst s11;
	p3 =	por !p4, !p4  }
0x22d: {  	s11 =	simm.s32 @!p1 $0x0;
	s19 =	smov.u32 @p1 s0;
	s0 =	simm.s32 @!p3 $0x0  }
0x22e: {  	s19 =	smov.u32 @p3 s30;
	s0 =	simm.s32 @p3 $0x1;
	p3 =	seq.s32 s13, $0x1  }
0x22f: {  	s11 =	simm.s32 @p1 $0x1;
	p5 =	por !p2, !p2;
	p1 =	por !p3, !p3  }
0x230: {  	p4 =	sge.f32 s4, $0.0e+00;
	s19 =	smov.u32 @p1 s15;
	s15 =	sld [smem:$0x7F6]  }
0x231: {  	s16 =	sld [smem:$0x7F7];
	p5 =	por !p0, !p5;
	p0 =	por p2, p0  }
0x232: {  	p2 =	por !p0, !p0;
	[smem:$0x7FB] =	sst s0;
	p3 =	por p0, p4  }
0x233: {  	p2 =	por !p4, !p2;
	s2 =	simm.s32 @!p1 $0x0;
	p4 =	seq.s32 s15, $0x1  }
0x234: {  	s0 =	sadd.f32 $-1.000000000e+00, s12;
	s2 =	simm.s32 @p1 $0x1;
	p0 =	por !p4, !p4  }
0x235: {  	[smem:$0x7FC] =	sst s2;
	s2 =	simm.s32 @!p0 $0x0  }
0x236: {  	s19 =	smov.u32 @p0 s14;
	s2 =	simm.s32 @p0 $0x1;
	p0 =	sge.f32 s0, $0.0e+00  }
0x237: {  	p4 =	por !p5, !p5;
	p5 =	por !p3, !p3  }
0x238: {  	[smem:$0x7FA] =	sst s11;
	p1 =	por !p0, !p5;
	p5 =	seq.s32 s16, $0x1  }
0x239: {  	s17 =	smov.u32 @p5 s18;
	s18 =	sld [smem:$0x7F8]  }
0x23a: {  	s22 =	sld [smem:$0x7FA]  }
0x23b: {  	s24 =	sld [smem:$0x7FB]  }
0x23c: {  	p6 =	por !p6, !p6;
	s29 =	sld [smem:$0x7FC];
	p5 =	seq.s32 s18, $0x1  }
0x23d: {  	s19 =	smov.u32 @p6 s5;
	s17 =	smov.u32 @p5 s20;
	s20 =	sld [smem:$0x7F9]  }
0x23e: {  	p2 =	por !p2, !p2;
	[smem:$0x7FD] =	sst s2;
	s19 =	smov.u32 @p4 s7  }
0x23f: {  	s19 =	smov.u32 @p2 s6;
	p0 =	por p3, p0;
	p1 =	por !p1, !p1  }
0x240: {  	s30 =	sld [smem:$0x7FD];
	s19 =	smov.u32 @p1 s1;
	p3 =	seq.s32 s20, $0x1  }
0x241: {  	s1 =	smov.u32 @p0 s19;
	s17 =	smov.u32 @p3 s21;
	p3 =	seq.s32 s22, $0x1  }
0x242: {  	v3 =	vmov s1;
	s17 =	smov.u32 @p3 s10;
	p3 =	seq.s32 s24, $0x1  }
0x243: {  	(erf) = vrcp.f32 v3;
	s17 =	smov.u32 @p3 s25;
	p3 =	seq.s32 s29, $0x1  }
0x244: {  	s17 =	smov.u32 @p3 s8;
	p3 =	seq.s32 s30, $0x1  }
0x245: {  	s17 =	smov.u32 @p3 s3  }
0x246: {  	s17 =	smov.u32 @p6 s9  }
0x247: {  	s17 =	smov.u32 @p4 s26  }
0x248: {  	s17 =	smov.u32 @p2 s28  }
0x249: {  	s0 =	simm.s32 $0x40;
	s17 =	smov.u32 @p1 s23  }
0x24a: {  	v5 =	vld [tilespmem:s0+$0x30];
	s23 =	smov.u32 @p0 s17  }
0x24b: {  	v7 =	vld [tilespmem:s0+$0xFFFFFFD0];
	s31 =	sadd.f32 $-1.000000000e+00, s23  }
0x24c: {  	v9 =	vld [tilespmem:s0+$0xFFFFFFE0];
	v3 =	vpop (erf)  }
0x24d: {  	v8 =	vld [tilespmem:s0+$0xFFFFFFF0];
	v3 =	vmul.f32 s31, v3  }
0x24e: {  	v6 =	vld [tilespmem:s0+$0x0]  }
0x24f: {  	v4 =	vld [tilespmem:s0+$0x10];
	v11 =	vsub.f32 v5, v3  }
0x250: {  	v5 =	vld [tilespmem:s0+$0x20];
	v10 =	vsub.f32 v7, v3  }
0x251: {  	s2 =	simm.s32 $0xC0;
	s1 =	simm.s32 $0x0;
	v7 =	vld [tilespmem:s0+$0xFFFFFFC0];
	v9 =	vsub.f32 v9, v3;
	v11 =	vmax.f32 v11, $0.0e+00  }
.LBB2_16:
0x252: {  	v12 =	vld [tilespmem:s2+$0x30];
	s1 =	sadd.s32 $0x8, s1;
	v10 =	vmax.f32 v10, $0.0e+00;
	v8 =	vsub.f32 v8, v3;
	[tilespmem:s0+$0x30] =	vst v11  }
0x253: {  	v11 =	vld [tilespmem:s2+$0xFFFFFFD0];
	p0 =	slt.u32 s1, $0x7F8;
	[tilespmem:s0+$0xFFFFFFD0] =	vst v10;
	v9 =	vmax.f32 v9, $0.0e+00;
	v6 =	vsub.f32 v6, v3  }
0x254: {  	v13 =	vld [tilespmem:s2+$0xFFFFFFE0];
	[tilespmem:s0+$0xFFFFFFE0] =	vst v9;
	v9 =	vmax.f32 v8, $0.0e+00;
	v4 =	vsub.f32 v4, v3  }
.Ltmp7:
0x255: {  	v8 =	vld [tilespmem:s2+$0xFFFFFFF0];
	[tilespmem:s0+$0xFFFFFFF0] =	vst v9;
	v9 =	vmax.f32 v6, $0.0e+00;
	v5 =	vsub.f32 v5, v3;
	(pc) =	sbr.rel @p0 .LBB2_16-.Ltmp7, $4  }
0x256: {  	v6 =	vld [tilespmem:s2+$0x0];
	v7 =	vsub.f32 v7, v3;
	[tilespmem:s0+$0x0] =	vst v9;
	v9 =	vmax.f32 v4, $0.0e+00  }
0x257: {  	v4 =	vld [tilespmem:s2+$0x10];
	v12 =	vsub.f32 v12, v3;
	[tilespmem:s0+$0x10] =	vst v9;
	v9 =	vmax.f32 v5, $0.0e+00  }
0x258: {  	v10 =	vsub.f32 v11, v3;
	v5 =	vld [tilespmem:s2+$0x20];
	v14 =	vmax.f32 v7, $0.0e+00;
	[tilespmem:s0+$0x20] =	vst v9  }
0x259: {  	v7 =	vld [tilespmem:s2+$0xFFFFFFC0];
	v9 =	vsub.f32 v13, v3;
	v11 =	vmax.f32 v12, $0.0e+00;
	[tilespmem:s0+$0xFFFFFFC0] =	vst v14;
	s0 =	smov.u32 s2;
	s2 =	sadd.s32 $0x80, s2  }
0x25a: {  	v10 =	vmax.f32 v10, $0.0e+00;
	v8 =	vsub.f32 v8, v3;
	[tilespmem:s0+$0x30] =	vst v11  }
0x25b: {  	[tilespmem:s0+$0xFFFFFFD0] =	vst v10;
	v9 =	vmax.f32 v9, $0.0e+00;
	v6 =	vsub.f32 v6, v3  }
0x25c: {  	[tilespmem:s0+$0xFFFFFFE0] =	vst v9;
	v8 =	vmax.f32 v8, $0.0e+00;
	v4 =	vsub.f32 v4, v3  }
0x25d: {  	[tilespmem:s0+$0xFFFFFFF0] =	vst v8;
	v6 =	vmax.f32 v6, $0.0e+00;
	v5 =	vsub.f32 v5, v3  }
0x25e: {  	v3 =	vsub.f32 v7, v3;
	[tilespmem:s0+$0x0] =	vst v6;
	v4 =	vmax.f32 v4, $0.0e+00  }
0x25f: {  	[tilespmem:s0+$0x10] =	vst v4;
	v4 =	vmax.f32 v5, $0.0e+00  }
0x260: {  	v3 =	vmax.f32 v3, $0.0e+00;
	[tilespmem:s0+$0x20] =	vst v4  }
0x261: {  	s29 =	simm.s32 $0x0;
	s2 =	simm.s32 $0x80;
	[tilespmem:s0+$0xFFFFFFC0] =	vst v3  }
0x262: {  	s3 =	simm.s32 $0x400;
	s30 =	simm.s32 $0x1;
	s1 =	rddreg [dreg:$0x7]  }
0x263: {  	[hbm4b:s1+s2] =	stream.strided.scatter [tilespmem:s29], [sflag:$0x2], $0x8000, s3, s2, $0x38;
	[tilespmem:$0x12000] =	vst v63  }
0x264: {  	_ =	swait.ge [sflag:s30], $0x8000  }
0x265: {  	[sflag:s30] =	ssyncset.done $0x0  }
0x266: {  	s31 =	simm.s32 $0x8070;
	[sflag:s30] =	ssyncadd.s32 $0xFFFF8000  }
0x267: {  	v5 =	vld [tilespmem:s31+$0xFFFFFF90]  }
0x268: {  	v6 =	vld [tilespmem:s31+$0xFFFFFFA0]  }
0x269: {  	v7 =	vld [tilespmem:s31+$0xFFFFFFB0]  }
0x26a: {  	v3 =	vld [tilespmem:s31+$0xFFFFFFC0]  }
0x26b: {  	v8 =	vimm.f32 $-Inf;
	v4 =	vld [tilespmem:s31+$0xFFFFFFD0]  }
0x26c: {  	v8 =	vmax.f32 v8, v5;
	v5 =	vld [tilespmem:s31+$0xFFFFFFE0]  }
0x26d: {  	s4 =	simm.s32 $0x11000;
	v8 =	vmax.f32 v8, v6;
	v6 =	vld [tilespmem:s31+$0xFFFFFFF0]  }
0x26e: {  	s0 =	simm.s32 $0x0;
	s1 =	simm.s32 $0x80F0;
	s3 =	simm.s32 $0x10000;
	v8 =	vmax.f32 v8, v7;
	v7 =	vld [tilespmem:s31+$0x0]  }
.LBB2_18:
0x26f: {  	v9 =	vld [tilespmem:s1+$0xFFFFFF90];
	s0 =	sadd.s32 $0x8, s0;
	v3 =	vmax.f32 v8, v3  }
0x270: {  	v8 =	vld [tilespmem:s1+$0xFFFFFFA0];
	p0 =	slt.u32 s0, $0x7F8;
	v3 =	vmax.f32 v3, v4  }
0x271: {  	v10 =	vld [tilespmem:s1+$0xFFFFFFB0];
	v4 =	vmax.f32 v3, v5  }
.Ltmp8:
0x272: {  	v3 =	vld [tilespmem:s1+$0xFFFFFFC0];
	v5 =	vmax.f32 v4, v6;
	(pc) =	sbr.rel @p0 .LBB2_18-.Ltmp8, $4  }
0x273: {  	v4 =	vld [tilespmem:s1+$0xFFFFFFD0];
	v5 =	vmax.f32 v5, v7  }
0x274: {  	v6 =	vmax.f32 v5, v9;
	v5 =	vld [tilespmem:s1+$0xFFFFFFE0]  }
0x275: {  	v7 =	vmax.f32 v6, v8;
	v6 =	vld [tilespmem:s1+$0xFFFFFFF0]  }
0x276: {  	v8 =	vmax.f32 v7, v10;
	v7 =	vld [tilespmem:s1+$0x0];
	s1 =	sadd.s32 $0x80, s1  }
0x277: {  	s1 =	simm.s32 $0x10020  }
0x278: {  	[tilespmem:s1+$0xFFFFFFF0] =	vst v0  }
0x279: {  	[tilespmem:s1+$0x0] =	vst v0  }
0x27a: {  	[tilespmem:s1+$0x10] =	vst v0  }
0x27b: {  	v3 =	vmax.f32 v8, v3;
	s0 =	simm.s32 $0x11020;
	[tilespmem:s1+$0xFFFFFFE0] =	vst v0  }
0x27c: {  	v3 =	vmax.f32 v3, v4;
	[tilespmem:s0+$0xFFFFFFF0] =	vst v0  }
0x27d: {  	v3 =	vmax.f32 v3, v5;
	[tilespmem:s0+$0x0] =	vst v0  }
0x27e: {  	[tilespmem:s0+$0x10] =	vst v0;
	v3 =	vmax.f32 v3, v6  }
0x27f: {  	s2 =	simm.s32 $0x10060;
	s1 =	simm.s32 $0x0;
	[tilespmem:s0+$0xFFFFFFE0] =	vst v0;
	v3 =	vmax.f32 v3, v7  }
.LBB2_20:
0x280: {  	[tilespmem:s2+$0xFFFFFFF0] =	vst v0;
	s0 =	sadd.s32 $0x40, s0  }
0x281: {  	s1 =	sadd.s32 $0x4, s1;
	[tilespmem:s0+$0xFFFFFFF0] =	vst v0  }
0x282: {  	p0 =	slt.u32 s1, $0xFC;
	[tilespmem:s2+$0x0] =	vst v0  }
.Ltmp9:
0x283: {  	[tilespmem:s0+$0x0] =	vst v0;
	(pc) =	sbr.rel @p0 .LBB2_20-.Ltmp9, $4  }
0x284: {  	[tilespmem:s2+$0x10] =	vst v0  }
0x285: {  	[tilespmem:s0+$0x10] =	vst v0  }
0x286: {  	[tilespmem:s2+$0xFFFFFFE0] =	vst v0  }
0x287: {  	s2 =	sadd.s32 $0x40, s2;
	[tilespmem:s0+$0xFFFFFFE0] =	vst v0  }
0x288: {  	(xrf0) =	vmax.scan.msk.f32 $0xffff, v3;
	s0 =	simm.s32 $0x8070  }
0x289: {  	v16 =	vld [tilespmem:s0+$0x0]  }
0x28a: {  	v9 =	vld [tilespmem:s0+$0xFFFFFFA0]  }
0x28b: {  	v8 =	vld [tilespmem:s0+$0xFFFFFFB0]  }
0x28c: {  	v7 =	vld [tilespmem:s0+$0xFFFFFFC0]  }
0x28d: {  	v6 =	vld [tilespmem:s0+$0xFFFFFFD0]  }
0x28e: {  	v4 =	vld [tilespmem:s0+$0xFFFFFFE0];
	v3, _, _ =	vpop (xrf0)  }
0x28f: {  	v5 =	vld [tilespmem:s0+$0xFFFFFFF0];
	v10 =	vbroadcast v3, $0xF  }
0x290: {  	v11 =	vld [tilespmem:s0+$0xFFFFFF90]  }
0x291: {  	v12 =	vsub.f32 v10, v16;
	v13 =	vsub.f32 v10, v9  }
0x292: {  	v14 =	vsub.f32 v10, v8;
	v15 =	vsub.f32 v10, v7  }
0x293: {  	v17 =	vsub.f32 v10, v6;
	v18 =	vsub.f32 v10, v4  }
0x294: {  	v19 =	vsub.f32 v10, v5;
	v12 =	vmul.f32 $2.560000000e+02, v12;
	v13 =	vmul.f32 $2.560000000e+02, v13  }
0x295: {  	v20 =	vsub.f32 v10, v11;
	v14 =	vmul.f32 $2.560000000e+02, v14;
	v15 =	vmul.f32 $2.560000000e+02, v15  }
0x296: {  	v17 =	vmul.f32 $2.560000000e+02, v17;
	v18 =	vmul.f32 $2.560000000e+02, v18  }
0x297: {  	v19 =	vmul.f32 $2.560000000e+02, v19;
	v20 =	vmul.f32 $2.560000000e+02, v20;
	v12 =	vmin.f32 v12, $2.550000000e+02  }
0x298: {  	v13 =	vmin.f32 v13, $2.550000000e+02;
	v14 =	vmin.f32 v14, $2.550000000e+02;
	v12 =	vtrunc.f32 v12  }
0x299: {  	v15 =	vmin.f32 v15, $2.550000000e+02;
	v18 =	vmin.f32 v18, $2.550000000e+02;
	v12 =	vcvt.f32.s32 v12  }
0x29a: {  	v19 =	vmin.f32 v19, $2.550000000e+02;
	v13 =	vtrunc.f32 v13;
	v14 =	vtrunc.f32 v14  }
0x29b: {  	v15 =	vtrunc.f32 v15;
	v18 =	vtrunc.f32 v18;
	v12 =	vshll.u32 v12, $0x4  }
0x29c: {  	v21 =	vor.u32 v1, v12;
	v12 =	vmin.f32 v17, $2.550000000e+02;
	v17 =	vmin.f32 v20, $2.550000000e+02  }
0x29d: {  	v19 =	vtrunc.f32 v19;
	v17 =	vtrunc.f32 v17  }
0x29e: {  	v22 =	vcvt.f32.s32 v14;
	v17 =	vcvt.f32.s32 v17  }
0x29f: {  	v20 =	vcvt.f32.s32 v13;
	v12 =	vtrunc.f32 v12  }
0x2a0: {  	v23 =	vcvt.f32.s32 v12;
	v13 =	vshll.u32 v17, $0x4;
	v17 =	vcvt.f32.s32 v15  }
0x2a1: {  	v14 =	vcvt.f32.s32 v18;
	v18 =	vshll.u32 v22, $0x4;
	v12 =	vcvt.f32.s32 v19;
	[tilespmem:v21+s3+$0x0] =	vst.idx.add.f32.msk $0xffff, v2  }
0x2a2: {  	s1 =	simm.s32 $0x80F0;
	s0 =	simm.s32 $0x0;
	v15 =	vshll.u32 v20, $0x4;
	[tilespmem:v21+s4+$0x0] =	vst.idx.add.f32.msk $0xffff, v16;
	v17 =	vshll.u32 v17, $0x4;
	v16 =	vshll.u32 v23, $0x4  }
.LBB2_22:
0x2a3: {  	v19 =	vld [tilespmem:s1+$0x0];
	v13 =	vor.u32 v1, v13;
	v14 =	vshll.u32 v14, $0x4;
	v12 =	vshll.u32 v12, $0x4  }
0x2a4: {  	s0 =	sadd.s32 $0x8, s0;
	v15 =	vor.u32 v1, v15;
	v18 =	vor.u32 v1, v18;
	v17 =	vor.u32 v1, v17;
	v20 =	vld [tilespmem:s1+$0xFFFFFFA0]  }
0x2a5: {  	v16 =	vor.u32 v1, v16;
	p0 =	slt.u32 s0, $0x7F8;
	v14 =	vor.u32 v1, v14;
	v22 =	vor.u32 v1, v12;
	v21 =	vld [tilespmem:s1+$0xFFFFFFB0]  }
0x2a6: {  	v12 =	vld [tilespmem:s1+$0xFFFFFFC0]  }
0x2a7: {  	v23 =	vld [tilespmem:s1+$0xFFFFFFD0]  }
0x2a8: {  	v24 =	vld [tilespmem:s1+$0xFFFFFFE0];
	v25 =	vsub.f32 v10, v19  }
0x2a9: {  	v26 =	vsub.f32 v10, v20;
	v27 =	vld [tilespmem:s1+$0xFFFFFFF0]  }
0x2aa: {  	v28 =	vld [tilespmem:s1+$0xFFFFFF90];
	v29 =	vsub.f32 v10, v21;
	v25 =	vmul.f32 $2.560000000e+02, v25  }
0x2ab: {  	v26 =	vmul.f32 $2.560000000e+02, v26;
	v30 =	vsub.f32 v10, v12;
	[tilespmem:v13+s3+$0x0] =	vst.idx.add.f32.msk $0xffff, v2  }
0x2ac: {  	v29 =	vmul.f32 $2.560000000e+02, v29;
	v31 =	vsub.f32 v10, v23;
	v25 =	vmin.f32 v25, $2.550000000e+02;
	[tilespmem:v13+s4+$0x0] =	vst.idx.add.f32.msk $0xffff, v11  }
0x2ad: {  	v13 =	vmul.f32 $2.560000000e+02, v30;
	v32 =	vsub.f32 v10, v24;
	v25 =	vtrunc.f32 v25;
	[tilespmem:v15+s3+$0x0] =	vst.idx.add.f32.msk $0xffff, v2  }
0x2ae: {  	v30 =	vmul.f32 $2.560000000e+02, v31;
	v31 =	vsub.f32 v10, v27;
	v25 =	vcvt.f32.s32 v25;
	[tilespmem:v15+s4+$0x0] =	vst.idx.add.f32.msk $0xffff, v9;
	v9 =	vmovc v20  }
0x2af: {  	v20 =	vmin.f32 v26, $2.550000000e+02;
	v15 =	vsub.f32 v10, v28;
	v26 =	vmul.f32 $2.560000000e+02, v32;
	[tilespmem:v18+s3+$0x0] =	vst.idx.add.f32.msk $0xffff, v2;
	v11 =	vmovc v28  }
0x2b0: {  	v28 =	vmin.f32 v29, $2.550000000e+02;
	v29 =	vmul.f32 $2.560000000e+02, v31;
	v25 =	vshll.u32 v25, $0x4;
	[tilespmem:v18+s4+$0x0] =	vst.idx.add.f32.msk $0xffff, v8;
	v8 =	vmovc v21  }
0x2b1: {  	v13 =	vmin.f32 v13, $2.550000000e+02;
	v15 =	vmul.f32 $2.560000000e+02, v15;
	v18 =	vor.u32 v1, v25;
	[tilespmem:v17+s3+$0x0] =	vst.idx.add.f32.msk $0xffff, v2  }
0x2b2: {  	v21 =	vmin.f32 v30, $2.550000000e+02;
	v25 =	vmin.f32 v26, $2.550000000e+02;
	v26 =	vmin.f32 v29, $2.550000000e+02;
	[tilespmem:v17+s4+$0x0] =	vst.idx.add.f32.msk $0xffff, v7;
	v7 =	vmovc v12  }
0x2b3: {  	v17 =	vtrunc.f32 v28;
	v12 =	vmin.f32 v15, $2.550000000e+02;
	v15 =	vtrunc.f32 v20;
	[tilespmem:v16+s3+$0x0] =	vst.idx.add.f32.msk $0xffff, v2  }
0x2b4: {  	v20 =	vtrunc.f32 v13;
	v12 =	vtrunc.f32 v12;
	[tilespmem:v16+s4+$0x0] =	vst.idx.add.f32.msk $0xffff, v6;
	v6 =	vmov v23  }
0x2b5: {  	v16 =	vtrunc.f32 v21;
	v21 =	vtrunc.f32 v25;
	[tilespmem:v14+s3+$0x0] =	vst.idx.add.f32.msk $0xffff, v2  }
.Ltmp10:
0x2b6: {  	v23 =	vtrunc.f32 v26;
	v12 =	vcvt.f32.s32 v12;
	[tilespmem:v18+s3+$0x0] =	vst.idx.add.f32.msk $0xffff, v2;
	(pc) =	sbr.rel @p0 .LBB2_22-.Ltmp10, $4  }
0x2b7: {  	v17 =	vcvt.f32.s32 v17;
	v15 =	vcvt.f32.s32 v15;
	[tilespmem:v18+s4+$0x0] =	vst.idx.add.f32.msk $0xffff, v19  }
0x2b8: {  	v16 =	vcvt.f32.s32 v16;
	v13 =	vshll.u32 v12, $0x4;
	v19 =	vcvt.f32.s32 v20;
	[tilespmem:v14+s4+$0x0] =	vst.idx.add.f32.msk $0xffff, v4;
	v4 =	vmovc v24  }
0x2b9: {  	v15 =	vshll.u32 v15, $0x4;
	v12 =	vcvt.f32.s32 v23;
	v14 =	vcvt.f32.s32 v21;
	[tilespmem:v22+s3+$0x0] =	vst.idx.add.f32.msk $0xffff, v2  }
0x2ba: {  	s1 =	sadd.s32 $0x80, s1;
	v18 =	vshll.u32 v17, $0x4;
	v16 =	vshll.u32 v16, $0x4;
	v17 =	vshll.u32 v19, $0x4;
	[tilespmem:v22+s4+$0x0] =	vst.idx.add.f32.msk $0xffff, v5;
	v5 =	vmovc v27  }
0x2bb: {  	v10 =	vor.u32 v1, v13  }
0x2bc: {  	v48 =	vor.u32 v1, v15  }
0x2bd: {  	v49 =	vor.u32 v1, v18  }
0x2be: {  	v17 =	vor.u32 v1, v17  }
0x2bf: {  	v50 =	vor.u32 v1, v16  }
0x2c0: {  	[tilespmem:v10+s3+$0x0] =	vst.idx.add.f32.msk $0xffff, v2  }
0x2c1: {  	[tilespmem:v48+s3+$0x0] =	vst.idx.add.f32.msk $0xffff, v2  }
0x2c2: {  	[tilespmem:v49+s3+$0x0] =	vst.idx.add.f32.msk $0xffff, v2  }
0x2c3: {  	[tilespmem:v17+s3+$0x0] =	vst.idx.add.f32.msk $0xffff, v2  }
0x2c4: {  	v51 =	vshll.u32 v14, $0x4;
	[tilespmem:v50+s3+$0x0] =	vst.idx.add.f32.msk $0xffff, v2  }
0x2c5: {  	v52 =	vshll.u32 v12, $0x4;
	[tilespmem:v48+s4+$0x0] =	vst.idx.add.f32.msk $0xffff, v9;
	v9 =	vor.u32 v1, v51  }
0x2c6: {  	[tilespmem:v49+s4+$0x0] =	vst.idx.add.f32.msk $0xffff, v8;
	v8 =	vor.u32 v1, v52  }
0x2c7: {  	[tilespmem:v10+s4+$0x0] =	vst.idx.add.f32.msk $0xffff, v11  }
0x2c8: {  	[tilespmem:v17+s4+$0x0] =	vst.idx.add.f32.msk $0xffff, v7  }
0x2c9: {  	[tilespmem:v50+s4+$0x0] =	vst.idx.add.f32.msk $0xffff, v6  }
0x2ca: {  	[tilespmem:v9+s3+$0x0] =	vst.idx.add.f32.msk $0xffff, v2  }
0x2cb: {  	[tilespmem:v8+s3+$0x0] =	vst.idx.add.f32.msk $0xffff, v2  }
0x2cc: {  	[tilespmem:v9+s4+$0x0] =	vst.idx.add.f32.msk $0xffff, v4  }
0x2cd: {  	s0 =	simm.s32 $0x10020;
	[tilespmem:v8+s4+$0x0] =	vst.idx.add.f32.msk $0xffff, v5  }
0x2ce: {  	s1 =	simm.s32 $0x11020;
	v4 =	vld [tilespmem:s0+$0xFFFFFFF0]  }
0x2cf: {  	v5 =	vld [tilespmem:s1+$0xFFFFFFF0]  }
0x2d0: {  	v6 =	vld [tilespmem:s1+$0xFFFFFFE0];
	_ =	sdelay $0x1  }
0x2d1: {  	v7 =	vld [tilespmem:s0+$0xFFFFFFE0]  }
0x2d2: {  	(xrf2) =	vadd.scan.msk.f32 $0xffff, v4  }
0x2d3: {  	(xrf2) =	vadd.scan.msk.f32 $0xffff, v5  }
0x2d4: {  	(xrf2) =	vadd.scan.msk.f32 $0xffff, v6;
	_ =	sdelay $0x1  }
0x2d5: {  	v4 =	vld [tilespmem:s1+$0x0];
	(xrf2) =	vadd.scan.msk.f32 $0xffff, v7  }
0x2d6: {  	v5 =	vld [tilespmem:s0+$0x0];
	_ =	sdelay $0x3  }
0x2d7: {  	(xrf2) =	vadd.scan.msk.f32 $0xffff, v4  }
0x2d8: {  	(xrf2) =	vadd.scan.msk.f32 $0xffff, v5;
	v5 =	vld [tilespmem:s1+$0x10];
	v4, _, _ =	vpop (xrf2)  }
0x2d9: {  	v53, _, _ =	vpop (xrf2)  }
0x2da: {  	(v2sf) =	vpush v3, $0xF;
	v3, _, _ =	vpop (xrf2)  }
0x2db: {  	v54 =	vld [tilespmem:s0+$0x10];
	(v2sf) =	vpush v3, $0xF  }
0x2dc: {  	s18 =	simm.s32 $0x10060;
	v3, _, _ =	vpop (xrf2);
	(v2sf) =	vpush v53, $0xF  }
0x2dd: {  	s13 =	simm.s32 $0x11060;
	(xrf2) =	vadd.scan.msk.f32 $0xffff, v5;
	(v2sf) =	vpush v3, $0xF;
	v3 =	vld [tilespmem:s18+$0xFFFFFFF0]  }
0x2de: {  	(v2sf) =	vpush v4, $0xF;
	v4 =	vld [tilespmem:s13+$0xFFFFFFF0]  }
0x2df: {  	v55 =	vld [tilespmem:s13+$0xFFFFFFE0]  }
0x2e0: {  	(xrf2) =	vadd.scan.msk.f32 $0xffff, v54  }
0x2e1: {  	v5, _, _ =	vpop (xrf2)  }
0x2e2: {  	v56, _, _ =	vpop (xrf2);
	(xrf2) =	vadd.scan.msk.f32 $0xffff, v3  }
0x2e3: {  	(v2sf) =	vpush v56, $0xF;
	(xrf2) =	vadd.scan.msk.f32 $0xffff, v4  }
0x2e4: {  	(v2sf) =	vpush v5, $0xF;
	(xrf2) =	vadd.scan.msk.f32 $0xffff, v55;
	_ =	sdelay $0x1  }
0x2e5: {  	s3 =	simm.s32 $0x2;
	v57 =	vld [tilespmem:s18+$0xFFFFFFE0]  }
0x2e6: {  	s8 =	scvt.s32.f32 s3;
	s1 =	simm.s32 $0x1;
	v3 =	vld [tilespmem:s13+$0x0];
	v4, _, _ =	vpop (xrf2)  }
0x2e7: {  	s6 =	scvt.s32.f32 s1;
	(v2sf) =	vpush v4, $0xF;
	v4 =	vld [tilespmem:s18+$0x0]  }
0x2e8: {  	s8 =	smul.f32 $3.906250000e-03, s8  }
0x2e9: {  	s19 =	spop (v2sf);
	s16 =	smul.f32 $3.906250000e-03, s6;
	v5, _, _ =	vpop (xrf2)  }
0x2ea: {  	s8 =	ssub.f32 s19, s8;
	(xrf2) =	vadd.scan.msk.f32 $0xffff, v57;
	(v2sf) =	vpush v5, $0xF;
	s2 =	spop (v2sf)  }
0x2eb: {  	s15 =	simm.f32 $0.0e+00;
	s0 =	ssub.f32 s19, s16;
	(xrf2) =	vadd.scan.msk.f32 $0xffff, v3;
	s14 =	spop (v2sf);
	v3, _, _ =	vpop (xrf2)  }
0x2ec: {  	v5 =	vld [tilespmem:s13+$0x10];
	s2 =	sadd.f32 s2, s15;
	s5 =	spop (v2sf);
	(xrf2) =	vadd.scan.msk.f32 $0xffff, v4;
	v4, _, _ =	vpop (xrf2)  }
0x2ed: {  	v58 =	vld [tilespmem:s18+$0x10];
	s4 =	sadd.f32 s5, s15;
	v6, _, _ =	vpop (xrf2)  }
0x2ee: {  	s17 =	sadd.f32 s14, s2;
	(v2sf) =	vpush v6, $0xF  }
0x2ef: {  	s7 =	spop (v2sf);
	s2 =	sadd.f32 $0.0e+00, s2  }
0x2f0: {  	s7 =	sadd.f32 s7, s4  }
0x2f1: {  	(xrf2) =	vadd.scan.msk.f32 $0xffff, v5;
	s21 =	spop (v2sf);
	s4 =	sadd.f32 $0.0e+00, s4  }
0x2f2: {  	(xrf2) =	vadd.scan.msk.f32 $0xffff, v58;
	s9 =	spop (v2sf);
	s5 =	sadd.f32 $0.0e+00, s17  }
0x2f3: {  	s9 =	sadd.f32 s9, s17  }
0x2f4: {  	s6 =	sadd.f32 s21, s7  }
0x2f5: {  	s24 =	simm.s32 $0x3;
	s7 =	sadd.f32 $0.0e+00, s7;
	s0 =	smul.f32 s4, s0  }
0x2f6: {  	s22 =	scvt.s32.f32 s24;
	s10 =	sadd.f32 $0.0e+00, s6  }
0x2f7: {  	v59, _, _ =	vpop (xrf2);
	(v2sf) =	vpush v4, $0xF;
	s11 =	spop (v2sf);
	s0 =	ssub.f32 s2, s0  }
0x2f8: {  	(v2sf) =	vpush v59, $0xF;
	v4, _, _ =	vpop (xrf2);
	s7 =	smul.f32 s7, s8;
	s8 =	sadd.f32 s11, s9  }
0x2f9: {  	(v2sf) =	vpush v3, $0xF;
	s12 =	spop (v2sf);
	s9 =	sadd.f32 $0.0e+00, s9;
	v3, _, _ =	vpop (xrf2)  }
0x2fa: {  	s23 =	smul.f32 $3.906250000e-03, s22;
	s4 =	sadd.f32 s12, s6;
	(v2sf) =	vpush v3, $0xF  }
0x2fb: {  	s5 =	ssub.f32 s5, s7;
	v3, _, _ =	vpop (xrf2);
	(v2sf) =	vpush v4, $0xF  }
0x2fc: {  	s25 =	simm.s32 $0x4;
	s13 =	simm.s32 $0x100A0;
	s6 =	ssub.f32 s19, s23;
	(v2sf) =	vpush v3, $0xF;
	v3, _, _ =	vpop (xrf2)  }
0x2fd: {  	s14 =	simm.s32 $0x110A0;
	s0 =	sadd.f32 $-1.000000000e+00, s0;
	s26 =	spop (v2sf);
	(v2sf) =	vpush v3, $0xF;
	v3 =	vld [tilespmem:s13+$0xFFFFFFF0]  }
0x2fe: {  	s20 =	simm.s32 $0xFF;
	s7 =	scvt.s32.f32 s25;
	s23 =	sadd.f32 $0.0e+00, s8;
	v4 =	vld [tilespmem:s14+$0xFFFFFFF0]  }
0x2ff: {  	p0 =	por $0x0, $0x0;
	v5 =	vld [tilespmem:s14+$0xFFFFFFE0];
	s11 =	simm.s32 $0x0;
	s17 =	sadd.f32 $0.0e+00, s4  }
0x300: {  	s11 =	smov.u32 @p0 s20;
	s16 =	smul.f32 $3.906250000e-03, s7;
	s5 =	sadd.f32 $-1.000000000e+00, s5  }
0x301: {  	v60 =	vld [tilespmem:s13+$0xFFFFFFE0];
	p2 =	sge.f32 s0, $0.0e+00;
	s12 =	sadd.f32 s26, s8;
	s26 =	simm.s32 $0x5  }
0x302: {  	s25 =	simm.s32 $0x5;
	s22 =	smul.f32 s10, s6;
	[dreg:$0x3] =	wrdreg s26;
	(xrf2) =	vadd.scan.msk.f32 $0xffff, v3  }
0x303: {  	s6 =	simm.s32 $0x7;
	s2 =	ssub.f32 s19, s16;
	s16 =	scvt.s32.f32 s25;
	v3 =	vld [tilespmem:s14+$0x0];
	(xrf2) =	vadd.scan.msk.f32 $0xffff, v4  }
0x304: {  	s0 =	ssub.f32 s9, s22;
	s20 =	smov.u32 @p2 s11;
	p0 =	por p0, p2;
	(xrf2) =	vadd.scan.msk.f32 $0xffff, v5  }
0x305: {  	p2 =	sge.f32 s5, $0.0e+00;
	s1 =	smov.u32 @p0 s20;
	s2 =	smul.f32 s17, s2  }
0x306: {  	s28 =	sadd.f32 $-1.000000000e+00, s0;
	s0 =	simm.s32 $0x6;
	s22 =	smul.f32 $3.906250000e-03, s16;
	(xrf2) =	vadd.scan.msk.f32 $0xffff, v60  }
0x307: {  	s16 =	simm.s32 $0x4;
	s25 =	scvt.s32.f32 s0;
	s2 =	ssub.f32 s23, s2  }
0x308: {  	s20 =	smov.u32 @p2 s1;
	s29 =	ssub.f32 s19, s22;
	s15 =	spop (v2sf);
	(xrf2) =	vadd.scan.msk.f32 $0xffff, v3  }
0x309: {  	p0 =	por p0, p2;
	s23 =	sadd.f32 $-1.000000000e+00, s2;
	s21 =	spop (v2sf)  }
0x30a: {  	s1 =	simm.s32 $0x4;
	p3 =	sge.f32 s28, $0.0e+00;
	s8 =	sadd.f32 s21, s4  }
0x30b: {  	s3 =	smov.u32 @p0 s20;
	s10 =	spop (v2sf);
	s7 =	sadd.f32 s15, s12;
	v3 =	vld [tilespmem:s13+$0x0]  }
0x30c: {  	p2 =	por p0, p3;
	s2 =	sadd.f32 $0.0e+00, s12;
	p1 =	sge.f32 s23, $0.0e+00;
	v5 =	vld [tilespmem:s14+$0x10];
	v4, _, _ =	vpop (xrf2)  }
0x30d: {  	s20 =	smov.u32 @p3 s3;
	s4 =	smul.f32 $3.906250000e-03, s25;
	v62 =	vld [tilespmem:s13+$0x10];
	s26 =	spop (v2sf);
	v61, _, _ =	vpop (xrf2)  }
0x30e: {  	s3 =	simm.s32 $0x0;
	s14 =	sadd.f32 s10, s8;
	s17 =	spop (v2sf);
	v63, _, _ =	vpop (xrf2)  }
0x30f: {  	s24 =	smov.u32 @p2 s20;
	s15 =	ssub.f32 s19, s4;
	s31 =	spop (v2sf);
	(v2sf) =	vpush v63, $0xF  }
0x310: {  	s21 =	simm.s32 $0x0;
	s11 =	sadd.f32 s26, s14;
	s30 =	spop (v2sf);
	(xrf2) =	vadd.scan.msk.f32 $0xffff, v3;
	v3, _, _ =	vpop (xrf2);
	(v2sf) =	vpush v61, $0xF  }
0x311: {  	s25 =	simm.s32 $0x8;
	s4 =	simm.s32 $0x8;
	s9 =	sadd.f32 s17, s7;
	(xrf2) =	vadd.scan.msk.f32 $0xffff, v5;
	(v2sf) =	vpush v3, $0xF  }
0x312: {  	s10 =	simm.s32 $0x100E0;
	s26 =	simm.s32 $0x110E0;
	s28 =	sadd.f32 $0.0e+00, s11;
	(xrf2) =	vadd.scan.msk.f32 $0xffff, v62;
	v3, _, _ =	vpop (xrf2);
	(v2sf) =	vpush v4, $0xF  }
.LBB2_24:
0x313: {  	s12 =	sadd.f32 $0.0e+00, s14  }
0x314: {  	s14 =	sadd.f32 $0.0e+00, s8  }
0x315: {  	s22 =	sadd.f32 $0.0e+00, s7  }
0x316: {  	s7 =	sadd.f32 s30, s11  }
0x317: {  	s20 =	smov.u32 @p1 s24;
	s24 =	smov.u32 s6;
	s8 =	sadd.f32 s31, s9  }
0x318: {  	s23 =	scvt.s32.f32 s24;
	s17 =	smul.f32 s12, s15  }
0x319: {  	s5 =	smov.u32 s0;
	s9 =	sadd.f32 $0.0e+00, s9;
	s0 =	smul.f32 s14, s29  }
0x31a: {  	v6 =	vld [tilespmem:s10+$0xFFFFFFF0];
	s3 =	sadd.s32 $0x8, s3;
	s12 =	smul.f32 $3.906250000e-03, s23;
	s23 =	sadd.f32 $0.0e+00, s7  }
0x31b: {  	s15 =	scvt.s32.f32 s3;
	s6 =	ssub.f32 s22, s17  }
0x31c: {  	s0 =	ssub.f32 s2, s0  }
0x31d: {  	s22 =	smul.f32 $3.906250000e-03, s15;
	v5, _, _ =	vpop (xrf2);
	s11 =	ssub.f32 s19, s12  }
0x31e: {  	(v2sf) =	vpush v5, $0xF;
	s0 =	sadd.f32 $-1.000000000e+00, s0  }
0x31f: {  	s13 =	smov.u32 s4;
	s2 =	ssub.f32 s19, s22;
	(v2sf) =	vpush v3, $0xF;
	v3 =	vld [tilespmem:s26+$0xFFFFFFF0];
	s11 =	smul.f32 s28, s11;
	v8, _, _ =	vpop (xrf2);
	(xrf2) =	vadd.scan.msk.f32 $0xffff, v6  }
0x320: {  	v4 =	vld [tilespmem:s26+$0xFFFFFFE0];
	s4 =	sadd.s32 $0x4, s4;
	p1 =	por p2, p1;
	s6 =	sadd.f32 $-1.000000000e+00, s6  }
0x321: {  	s3 =	smov.u32 s1;
	v61, _, _ =	vpop (xrf2);
	(v2sf) =	vpush v8, $0xF;
	s9 =	ssub.f32 s9, s11;
	s17 =	spop (v2sf)  }
0x322: {  	v5 =	vld [tilespmem:s10+$0xFFFFFFE0];
	s28 =	sadd.s32 $0x5, s3;
	s2 =	smul.f32 s23, s2;
	(v2sf) =	vpush v61, $0xF;
	s15 =	sadd.f32 s17, s8  }
0x323: {  	p0 =	slt.u32 s4, $0xFC;
	s12 =	scvt.s32.f32 s28;
	s8 =	sadd.f32 $0.0e+00, s8  }
0x324: {  	v7 =	vld [tilespmem:s26+$0x0];
	s1 =	smov.u32 s13;
	s22 =	sadd.f32 $-1.000000000e+00, s9;
	(xrf2) =	vadd.scan.msk.f32 $0xffff, v3;
	s13 =	spop (v2sf)  }
0x325: {  	s14 =	smov.u32 s16;
	s29 =	spop (v2sf);
	(xrf2) =	vadd.scan.msk.f32 $0xffff, v4;
	s2 =	ssub.f32 s8, s2  }
0x326: {  	s16 =	smov.u32 s25;
	s9 =	smul.f32 $3.906250000e-03, s12;
	s8 =	sadd.f32 s29, s7  }
0x327: {  	s25 =	smov.u32 s4;
	s14 =	smov.u32 @p1 s20;
	(xrf2) =	vadd.scan.msk.f32 $0xffff, v5;
	s7 =	sadd.f32 s13, s15  }
0x328: {  	v62 =	vld [tilespmem:s26+$0x10];
	s26 =	sadd.s32 $0x40, s26;
	p2 =	sge.f32 s0, $0.0e+00;
	s29 =	ssub.f32 s19, s9  }
0x329: {  	s0 =	sadd.s32 $0x6, s3;
	p4 =	sge.f32 s6, $0.0e+00;
	s13 =	rddreg [dreg:$0x3];
	v4, _, _ =	vpop (xrf2);
	(xrf2) =	vadd.scan.msk.f32 $0xffff, v7  }
0x32a: {  	s6 =	sadd.s32 $0x7, s3;
	s30 =	scvt.s32.f32 s0;
	v3 =	vld [tilespmem:s10+$0x0];
	s12 =	sadd.f32 $-1.000000000e+00, s2  }
0x32b: {  	s20 =	smov.u32 @p2 s14;
	s17 =	spop (v2sf);
	s2 =	sadd.f32 $0.0e+00, s15  }
0x32c: {  	p3 =	sge.f32 s22, $0.0e+00;
	s15 =	smov.u32 s28;
	s14 =	sadd.f32 s17, s8  }
0x32d: {  	p2 =	por p1, p2;
	[dreg:$0x3] =	wrdreg s15;
	p1 =	sge.f32 s12, $0.0e+00  }
0x32e: {  	v63 =	vld [tilespmem:s10+$0x10];
	s13 =	smov.u32 @p2 s20;
	s12 =	smul.f32 $3.906250000e-03, s30;
	s11 =	spop (v2sf);
	v5, _, _ =	vpop (xrf2)  }
.Ltmp11:
0x32f: {  	p2 =	por p2, p4;
	s23 =	spop (v2sf);
	(xrf2) =	vadd.scan.msk.f32 $0xffff, v3;
	v3, _, _ =	vpop (xrf2);
	(pc) =	sbr.rel @p0 .LBB2_24-.Ltmp11, $4  }
0x330: {  	s20 =	smov.u32 @p4 s13;
	s15 =	ssub.f32 s19, s12;
	s31 =	spop (v2sf);
	(v2sf) =	vpush v3, $0xF  }
0x331: {  	s5 =	smov.u32 @p2 s20;
	s11 =	sadd.f32 s11, s14;
	v3, _, _ =	vpop (xrf2);
	s30 =	spop (v2sf);
	(v2sf) =	vpush v5, $0xF  }
0x332: {  	p2 =	por p2, p3;
	s20 =	smov.u32 @p3 s5;
	s9 =	sadd.f32 s23, s7;
	(xrf2) =	vadd.scan.msk.f32 $0xffff, v62;
	(v2sf) =	vpush v3, $0xF  }
0x333: {  	s10 =	sadd.s32 $0x40, s10;
	s24 =	smov.u32 @p2 s20;
	s28 =	sadd.f32 $0.0e+00, s11;
	v3, _, _ =	vpop (xrf2);
	(xrf2) =	vadd.scan.msk.f32 $0xffff, v63;
	(v2sf) =	vpush v4, $0xF  }
0x334: {  	s4 =	sadd.f32 $0.0e+00, s14  }
0x335: {  	s5 =	sadd.f32 $0.0e+00, s8  }
0x336: {  	s26 =	sadd.f32 s31, s9  }
0x337: {  	s7 =	sadd.f32 $0.0e+00, s7  }
0x338: {  	s10 =	scvt.s32.f32 s6;
	s11 =	sadd.f32 s30, s11;
	s3 =	sadd.s32 $0x8, s3  }
0x339: {  	s31 =	sadd.f32 $0.0e+00, s9;
	s3 =	scvt.s32.f32 s3  }
0x33a: {  	s4 =	smul.f32 s4, s15;
	s13 =	sadd.f32 $0.0e+00, s11  }
0x33b: {  	s30 =	smul.f32 $3.906250000e-03, s10;
	s8 =	sadd.f32 $0.0e+00, s26  }
0x33c: {  	s5 =	smul.f32 s5, s29;
	s4 =	ssub.f32 s7, s4  }
0x33d: {  	s3 =	smul.f32 $3.906250000e-03, s3;
	s7 =	ssub.f32 s19, s30  }
0x33e: {  	s2 =	ssub.f32 s2, s5  }
0x33f: {  	v4, _, _ =	vpop (xrf2);
	s3 =	ssub.f32 s19, s3  }
0x340: {  	(v2sf) =	vpush v4, $0xF;
	s2 =	sadd.f32 $-1.000000000e+00, s2;
	s7 =	smul.f32 s28, s7  }
0x341: {  	p0 =	por p2, p1;
	s4 =	sadd.f32 $-1.000000000e+00, s4;
	s3 =	smul.f32 s13, s3  }
0x342: {  	s7 =	ssub.f32 s31, s7;
	p2 =	sge.f32 s2, $0.0e+00;
	s2 =	sadd.s32 $0x5, s1  }
0x343: {  	(v2sf) =	vpush v3, $0xF;
	s3 =	ssub.f32 s8, s3;
	s22 =	scvt.s32.f32 s2  }
0x344: {  	s7 =	sadd.f32 $-1.000000000e+00, s7;
	s14 =	spop (v2sf)  }
0x345: {  	v3, _, _ =	vpop (xrf2);
	s13 =	sadd.f32 $-1.000000000e+00, s3;
	s9 =	smul.f32 $3.906250000e-03, s22  }
0x346: {  	(v2sf) =	vpush v3, $0xF;
	s22 =	rddreg [dreg:$0x3];
	s12 =	spop (v2sf)  }
0x347: {  	s10 =	sadd.f32 s14, s26;
	s15 =	spop (v2sf)  }
0x348: {  	v63, _, _ =	vpop (xrf2);
	s5 =	sadd.f32 s15, s11  }
0x349: {  	(v2sf) =	vpush v63, $0xF;
	s3 =	sadd.s32 $0x6, s1;
	s9 =	ssub.f32 s19, s9;
	s17 =	spop (v2sf)  }
0x34a: {  	s26 =	scvt.s32.f32 s3;
	s8 =	sadd.f32 s17, s5  }
0x34b: {  	p3 =	sge.f32 s4, $0.0e+00;
	s5 =	sadd.f32 $0.0e+00, s5  }
0x34c: {  	s20 =	smov.u32 @p1 s24;
	s12 =	sadd.f32 s12, s10;
	s28 =	smul.f32 $3.906250000e-03, s26  }
0x34d: {  	s16 =	smov.u32 @p0 s20;
	s10 =	sadd.f32 $0.0e+00, s10;
	s5 =	smul.f32 s5, s9  }
0x34e: {  	s20 =	smov.u32 @p2 s16;
	p1 =	sge.f32 s13, $0.0e+00;
	s13 =	ssub.f32 s19, s28  }
0x34f: {  	p2 =	por p0, p2;
	s5 =	ssub.f32 s10, s5;
	s23 =	spop (v2sf)  }
0x350: {  	p0 =	sge.f32 s7, $0.0e+00;
	s7 =	sadd.s32 $0x7, s1;
	s14 =	sadd.f32 s23, s8  }
0x351: {  	s16 =	scvt.s32.f32 s7;
	s8 =	sadd.f32 $0.0e+00, s8  }
0x352: {  	s24 =	spop (v2sf);
	s28 =	sadd.f32 $-1.000000000e+00, s5  }
0x353: {  	s22 =	smov.u32 @p2 s20;
	s11 =	sadd.f32 s24, s12  }
0x354: {  	p2 =	por p2, p3;
	s23 =	smul.f32 $3.906250000e-03, s16;
	s12 =	sadd.f32 $0.0e+00, s12  }
0x355: {  	s20 =	smov.u32 @p3 s22;
	s29 =	spop (v2sf);
	s30 =	sadd.f32 $0.0e+00, s14  }
0x356: {  	s24 =	sadd.s32 $0x8, s1;
	s8 =	smul.f32 s8, s13;
	s31 =	sadd.f32 s29, s11  }
0x357: {  	s0 =	smov.u32 @p2 s20;
	s1 =	scvt.s32.f32 s24;
	s11 =	sadd.f32 $0.0e+00, s11  }
0x358: {  	s20 =	smov.u32 @p0 s0;
	s17 =	spop (v2sf);
	s8 =	ssub.f32 s12, s8  }
0x359: {  	p0 =	por p2, p0;
	s12 =	ssub.f32 s19, s23;
	s1 =	smul.f32 $3.906250000e-03, s1  }
0x35a: {  	s6 =	smov.u32 @p0 s20;
	p0 =	por p0, p1;
	s17 =	sadd.f32 s17, s14  }
0x35b: {  	s20 =	smov.u32 @p1 s6;
	p1 =	sge.f32 s28, $0.0e+00;
	s26 =	ssub.f32 s19, s1  }
0x35c: {  	s4 =	smul.f32 s30, s12;
	s30 =	sadd.f32 $-1.000000000e+00, s8  }
0x35d: {  	s25 =	smov.u32 @p0 s20;
	s9 =	sadd.f32 $0.0e+00, s17  }
0x35e: {  	s20 =	smov.u32 @p1 s25;
	s4 =	ssub.f32 s11, s4  }
0x35f: {  	s29 =	sadd.f32 $0.0e+00, s31;
	s31 =	simm.s32 $0x10020;
	s0 =	smul.f32 s9, s26  }
0x360: {  	p0 =	por p0, p1;
	[tilespmem:s31+$0xFFFFFFF0] =	vst v0;
	p1 =	sge.f32 s30, $0.0e+00;
	s4 =	sadd.f32 $-1.000000000e+00, s4  }
0x361: {  	s2 =	smov.u32 @p0 s20;
	[tilespmem:s31+$0x0] =	vst v0;
	s0 =	ssub.f32 s29, s0  }
0x362: {  	s1 =	simm.s32 $0x11020;
	[tilespmem:s31+$0x10] =	vst v0;
	s20 =	smov.u32 @p1 s2  }
0x363: {  	[tilespmem:s31+$0xFFFFFFE0] =	vst v0;
	p0 =	por p0, p1;
	p2 =	sge.f32 s4, $0.0e+00;
	s0 =	sadd.f32 $-1.000000000e+00, s0  }
0x364: {  	[tilespmem:s1+$0xFFFFFFF0] =	vst v0;
	s3 =	smov.u32 @p0 s20  }
0x365: {  	[tilespmem:s1+$0x0] =	vst v0;
	p0 =	por p0, p2;
	s20 =	smov.u32 @p2 s3;
	p1 =	sge.f32 s0, $0.0e+00  }
0x366: {  	[tilespmem:s1+$0x10] =	vst v0;
	s7 =	smov.u32 @p0 s20  }
0x367: {  	[tilespmem:s1+$0xFFFFFFE0] =	vst v0;
	s2 =	simm.s32 $0x10000;
	s3 =	simm.s32 $0x11000;
	s20 =	smov.u32 @p1 s7  }
.LBB2_26:
0x368: {  	[tilespmem:s18+$0xFFFFFFF0] =	vst v0;
	s1 =	sadd.s32 $0x40, s1  }
0x369: {  	s21 =	sadd.s32 $0x4, s21;
	[tilespmem:s1+$0xFFFFFFF0] =	vst v0  }
0x36a: {  	p0 =	slt.u32 s21, $0xFC;
	[tilespmem:s18+$0x0] =	vst v0  }
.Ltmp12:
0x36b: {  	[tilespmem:s1+$0x0] =	vst v0;
	(pc) =	sbr.rel @p0 .LBB2_26-.Ltmp12, $4  }
0x36c: {  	[tilespmem:s18+$0x10] =	vst v0  }
0x36d: {  	[tilespmem:s1+$0x10] =	vst v0  }
0x36e: {  	[tilespmem:s18+$0xFFFFFFE0] =	vst v0  }
0x36f: {  	s18 =	sadd.s32 $0x40, s18;
	[tilespmem:s1+$0xFFFFFFE0] =	vst v0  }
0x370: {  	s0 =	scvt.s32.f32 s20;
	_ =	sdelay $0x1  }
0x371: {  	s1 =	sadd.f32 $3.000000000e+00, s0  }
0x372: {  	s0 =	sadd.f32 $-1.000000000e+00, s0  }
0x373: {  	s31 =	simm.s32 $0x8030  }
0x374: {  	v12 =	vld [tilespmem:s31+$0xFFFFFFD0];
	s0 =	smul.f32 $3.906250000e-03, s0  }
0x375: {  	v19 =	vld [tilespmem:s31+$0xFFFFFFE0];
	s1 =	smul.f32 $3.906250000e-03, s1  }
0x376: {  	v6 =	vld [tilespmem:s31+$0xFFFFFFF0];
	s16 =	ssub.f32 s19, s0  }
0x377: {  	v5 =	vld [tilespmem:s31+$0x0];
	s1 =	ssub.f32 s19, s1  }
0x378: {  	v3 =	vmov s16  }
0x379: {  	v7 =	vimm.f32 $0.0e+00;
	v4 =	vmov s1;
	vm1 =	vgt.f32 v12, v3  }
0x37a: {  	v8 =	vsub.f32 v3, v12;
	vm0 =	vle.f32 v12, v3;
	vm2 =	vgt.f32 v19, v3  }
0x37b: {  	v13 =	vsub.f32 v3, v6;
	vm3 =	vge.f32 v19, v4;
	vm4 =	vle.f32 v6, v3  }
0x37c: {  	vm6 =	vge.f32 v6, v4;
	vm7 =	vle.f32 v5, v3;
	vm8 =	vge.f32 v5, v4  }
0x37d: {  	v9 =	vsel vm1, $0x3F800000, v0;
	v10 =	vnsel vm1, $0x0, v12;
	vm1 =	vge.f32 v12, v4  }
0x37e: {  	v11 =	vnsel vm2, $0x0, v19;
	v9 =	vadd.f32 v9, v7;
	v7 =	vadd.f32 v10, v7  }
0x37f: {  	v10 =	vsel vm2, $0x3F800000, v0;
	vm2 =	vgt.f32 v6, v3;
	v8 =	vmul.f32 $1.638400000e+04, v8  }
0x380: {  	vm9 =	vmand vm0, vm1;
	v14 =	vnsel vm2, $0x0, v6;
	v9 =	vadd.f32 v10, v9  }
0x381: {  	v10 =	vsub.f32 v3, v19;
	v7 =	vadd.f32 v11, v7;
	v11 =	vsel vm2, $0x3F800000, v0  }
0x382: {  	vm2 =	vgt.f32 v5, v3;
	v8 =	vmax.f32 v8, $0.0e+00;
	v9 =	vadd.f32 v11, v9  }
0x383: {  	v15 =	vnsel vm2, $0x0, v5;
	v7 =	vadd.f32 v14, v7;
	v14 =	vsel vm2, $0x3F800000, v0  }
0x384: {  	v8 =	vmin.f32 v8, $2.550000000e+02;
	v11 =	vsub.f32 v3, v5;
	v16 =	vadd.f32 v14, v9  }
0x385: {  	v15 =	vadd.f32 v15, v7;
	v7 =	vmul.f32 $1.638400000e+04, v10;
	v9 =	vmul.f32 $1.638400000e+04, v13  }
0x386: {  	vm2 =	vle.f32 v19, v3;
	v8 =	vtrunc.f32 v8;
	v10 =	vmul.f32 $1.638400000e+04, v11  }
0x387: {  	v8 =	vcvt.f32.s32 v8;
	v7 =	vmax.f32 v7, $0.0e+00;
	v9 =	vmax.f32 v9, $0.0e+00  }
0x388: {  	v10 =	vmax.f32 v10, $0.0e+00;
	v7 =	vmin.f32 v7, $2.550000000e+02;
	v9 =	vmin.f32 v9, $2.550000000e+02  }
0x389: {  	s0 =	simm.s32 $0x8070;
	v10 =	vmin.f32 v10, $2.550000000e+02;
	v7 =	vtrunc.f32 v7;
	v9 =	vtrunc.f32 v9  }
0x38a: {  	vm5 =	vmand vm2, vm3;
	v10 =	vtrunc.f32 v10;
	v11 =	vcvt.f32.s32 v7;
	v7 =	vld [tilespmem:s0+$0xFFFFFFD0]  }
0x38b: {  	v8 =	vshll.u32 v8, $0x4;
	v9 =	vcvt.f32.s32 v9;
	v10 =	vcvt.f32.s32 v10  }
0x38c: {  	vm3 =	vmand vm4, vm6;
	vm2 =	vmand vm7, vm8;
	v13 =	vor.u32 v1, v8;
	v8 =	vld [tilespmem:s0+$0xFFFFFFE0]  }
0x38d: {  	v11 =	vshll.u32 v11, $0x4;
	v9 =	vshll.u32 v9, $0x4;
	v10 =	vshll.u32 v10, $0x4  }
0x38e: {  	v20 =	vor.u32 v1, v11;
	v14 =	vor.u32 v1, v9;
	v9 =	vor.u32 v1, v10;
	v10 =	vld [tilespmem:s0+$0xFFFFFFF0]  }
0x38f: {  	v17 =	vsub.f32 v3, v7;
	vm0 =	vle.f32 v7, v3;
	vm4 =	vgt.f32 v7, v3  }
0x390: {  	v11 =	vld [tilespmem:s0+$0x0];
	vm1 =	vge.f32 v7, v4;
	v18 =	vsel vm4, $0x3F800000, v0;
	v21 =	vnsel vm4, $0x0, v7  }
0x391: {  	vm4 =	vgt.f32 v8, v3;
	v16 =	vadd.f32 v18, v16;
	v15 =	vadd.f32 v21, v15  }
0x392: {  	v18 =	vsub.f32 v3, v8;
	v59 =	vsel vm4, $0x3F800000, v0;
	v22 =	vnsel vm4, $0x0, v8  }
0x393: {  	v17 =	vmul.f32 $1.638400000e+04, v17;
	vm4 =	vgt.f32 v10, v3;
	v16 =	vadd.f32 v59, v16  }
0x394: {  	[tilespmem:v13+s2+$0x0] =	vst.idx.add.f32.msk vm9, v2;
	v60 =	vsub.f32 v3, v10;
	v15 =	vadd.f32 v22, v15;
	v61 =	vsel vm4, $0x3F800000, v0  }
0x395: {  	[tilespmem:v13+s3+$0x0] =	vst.idx.add.f32.msk vm9, v12;
	v23 =	vnsel vm4, $0x0, v10;
	vm4 =	vgt.f32 v11, v3;
	v16 =	vadd.f32 v61, v16  }
0x396: {  	[tilespmem:v20+s2+$0x0] =	vst.idx.add.f32.msk vm5, v2;
	v63 =	vsel vm4, $0x3F800000, v0;
	v24 =	vnsel vm4, $0x0, v11;
	v62 =	vadd.f32 v23, v15  }
0x397: {  	vm4 =	vle.f32 v8, v3;
	v15 =	vsub.f32 v3, v11;
	v12 =	vadd.f32 v63, v16  }
0x398: {  	s1 =	simm.s32 $0x4;
	[tilespmem:v20+s3+$0x0] =	vst.idx.add.f32.msk vm5, v19;
	v13 =	vadd.f32 v24, v62;
	v16 =	vmul.f32 $1.638400000e+04, v18;
	v18 =	vmul.f32 $1.638400000e+04, v60  }
.LBB2_28:
0x399: {  	s1 =	sadd.s32 $0x4, s1;
	v17 =	vmax.f32 v17, $0.0e+00;
	vm5 =	vge.f32 v8, v4;
	v15 =	vmul.f32 $1.638400000e+04, v15;
	[tilespmem:v14+s2+$0x0] =	vst.idx.add.f32.msk vm3, v2  }
0x39a: {  	p0 =	slt.u32 s1, $0x7FC;
	v17 =	vmin.f32 v17, $2.550000000e+02;
	v16 =	vmax.f32 v16, $0.0e+00;
	v18 =	vmax.f32 v18, $0.0e+00;
	[tilespmem:v14+s3+$0x0] =	vst.idx.add.f32.msk vm3, v6;
	v6 =	vmovc v10  }
0x39b: {  	v10 =	vmin.f32 v16, $2.550000000e+02;
	v14 =	vmin.f32 v18, $2.550000000e+02;
	v15 =	vmax.f32 v15, $0.0e+00;
	[tilespmem:v9+s2+$0x0] =	vst.idx.add.f32.msk vm2, v2  }
0x39c: {  	v16 =	vtrunc.f32 v17;
	v10 =	vtrunc.f32 v10;
	v15 =	vmin.f32 v15, $2.550000000e+02;
	[tilespmem:v9+s3+$0x0] =	vst.idx.add.f32.msk vm2, v5;
	v5 =	vmovc v11  }
0x39d: {  	v9 =	vtrunc.f32 v14;
	vm2 =	vle.f32 v6, v3;
	v11 =	vtrunc.f32 v15  }
0x39e: {  	vm3 =	vge.f32 v6, v4;
	v14 =	vcvt.f32.s32 v16;
	v10 =	vcvt.f32.s32 v10  }
0x39f: {  	s0 =	sadd.s32 $0x40, s0;
	v9 =	vcvt.f32.s32 v9;
	vm7 =	vle.f32 v5, v3;
	v11 =	vcvt.f32.s32 v11  }
0x3a0: {  	vm8 =	vge.f32 v5, v4;
	v14 =	vshll.u32 v14, $0x4;
	v10 =	vshll.u32 v10, $0x4;
	v16 =	vld [tilespmem:s0+$0xFFFFFFD0]  }
0x3a1: {  	v17 =	vor.u32 v1, v14;
	v9 =	vshll.u32 v9, $0x4;
	v11 =	vshll.u32 v11, $0x4  }
0x3a2: {  	v20 =	vor.u32 v1, v10;
	v14 =	vor.u32 v1, v9;
	v9 =	vor.u32 v1, v11;
	v19 =	vld [tilespmem:s0+$0xFFFFFFE0]  }
0x3a3: {  	vm6 =	vmand vm0, vm1;
	vm5 =	vmand vm4, vm5;
	vm3 =	vmand vm2, vm3  }
0x3a4: {  	vm2 =	vmand vm7, vm8;
	v10 =	vld [tilespmem:s0+$0xFFFFFFF0]  }
0x3a5: {  	v18 =	vsub.f32 v3, v16;
	vm0 =	vle.f32 v16, v3;
	vm4 =	vgt.f32 v16, v3  }
0x3a6: {  	vm1 =	vge.f32 v16, v4;
	v15 =	vsel vm4, $0x3F800000, v0;
	v21 =	vnsel vm4, $0x0, v16;
	v11 =	vld [tilespmem:s0+$0x0]  }
0x3a7: {  	v12 =	vadd.f32 v15, v12;
	v13 =	vadd.f32 v21, v13;
	vm4 =	vgt.f32 v19, v3  }
0x3a8: {  	v21 =	vsub.f32 v3, v19;
	v15 =	vsel vm4, $0x3F800000, v0;
	v22 =	vnsel vm4, $0x0, v19  }
0x3a9: {  	v12 =	vadd.f32 v15, v12;
	v13 =	vadd.f32 v22, v13;
	vm4 =	vgt.f32 v10, v3  }
.Ltmp13:
0x3aa: {  	v22 =	vsub.f32 v3, v10;
	v15 =	vsel vm4, $0x3F800000, v0;
	v23 =	vnsel vm4, $0x0, v10;
	[tilespmem:v17+s2+$0x0] =	vst.idx.add.f32.msk vm6, v2;
	(pc) =	sbr.rel @p0 .LBB2_28-.Ltmp13, $4  }
0x3ab: {  	v12 =	vadd.f32 v15, v12;
	v13 =	vadd.f32 v23, v13;
	vm4 =	vgt.f32 v11, v3  }
0x3ac: {  	v15 =	vsub.f32 v3, v11;
	v23 =	vsel vm4, $0x3F800000, v0;
	v24 =	vnsel vm4, $0x0, v11;
	[tilespmem:v17+s3+$0x0] =	vst.idx.add.f32.msk vm6, v7;
	v7 =	vmovc v16  }
0x3ad: {  	v17 =	vmul.f32 $1.638400000e+04, v18;
	v12 =	vadd.f32 v23, v12;
	v13 =	vadd.f32 v24, v13;
	[tilespmem:v20+s2+$0x0] =	vst.idx.add.f32.msk vm5, v2  }
0x3ae: {  	v16 =	vmul.f32 $1.638400000e+04, v21;
	vm4 =	vle.f32 v19, v3;
	v18 =	vmul.f32 $1.638400000e+04, v22;
	[tilespmem:v20+s3+$0x0] =	vst.idx.add.f32.msk vm5, v8;
	v8 =	vmovc v19  }
0x3af: {  	v17 =	vmax.f32 v17, $0.0e+00;
	vm5 =	vge.f32 v8, v4;
	v15 =	vmul.f32 $1.638400000e+04, v15  }
0x3b0: {  	vm0 =	vmand vm0, vm1;
	vm11 =	vle.f32 v10, v3;
	v17 =	vmin.f32 v17, $2.550000000e+02  }
0x3b1: {  	vm13 =	vge.f32 v10, v4;
	v16 =	vmax.f32 v16, $0.0e+00;
	v17 =	vtrunc.f32 v17  }
0x3b2: {  	v18 =	vmax.f32 v18, $0.0e+00;
	v16 =	vmin.f32 v16, $2.550000000e+02;
	v17 =	vcvt.f32.s32 v17  }
0x3b3: {  	vm12 =	vmand vm4, vm5;
	v18 =	vmin.f32 v18, $2.550000000e+02;
	v16 =	vtrunc.f32 v16  }
0x3b4: {  	[tilespmem:v14+s2+$0x0] =	vst.idx.add.f32.msk vm3, v2;
	v18 =	vtrunc.f32 v18;
	v16 =	vcvt.f32.s32 v16;
	v17 =	vshll.u32 v17, $0x4  }
0x3b5: {  	[tilespmem:v14+s3+$0x0] =	vst.idx.add.f32.msk vm3, v6;
	v15 =	vmax.f32 v15, $0.0e+00;
	v6 =	vcvt.f32.s32 v18;
	v17 =	vor.u32 v1, v17  }
0x3b6: {  	vm1 =	vmand vm11, vm13;
	v15 =	vmin.f32 v15, $2.550000000e+02;
	v63 =	vshll.u32 v16, $0x4  }
0x3b7: {  	[tilespmem:v9+s2+$0x0] =	vst.idx.add.f32.msk vm2, v2;
	v15 =	vtrunc.f32 v15;
	v6 =	vshll.u32 v6, $0x4;
	v14 =	vor.u32 v1, v63  }
0x3b8: {  	vm14 =	vle.f32 v11, v3;
	[tilespmem:v9+s3+$0x0] =	vst.idx.add.f32.msk vm2, v5;
	v5 =	vcvt.f32.s32 v15;
	v3 =	vor.u32 v1, v6  }
0x3b9: {  	vm15 =	vge.f32 v11, v4  }
0x3ba: {  	vm2 =	vmand vm14, vm15;
	v4 =	vshll.u32 v5, $0x4;
	[tilespmem:v17+s2+$0x0] =	vst.idx.add.f32.msk vm0, v2  }
0x3bb: {  	v4 =	vor.u32 v1, v4;
	[tilespmem:v17+s3+$0x0] =	vst.idx.add.f32.msk vm0, v7  }
0x3bc: {  	[tilespmem:v14+s2+$0x0] =	vst.idx.add.f32.msk vm12, v2  }
0x3bd: {  	[tilespmem:v3+s2+$0x0] =	vst.idx.add.f32.msk vm1, v2  }
0x3be: {  	[tilespmem:v14+s3+$0x0] =	vst.idx.add.f32.msk vm12, v8  }
0x3bf: {  	[tilespmem:v3+s3+$0x0] =	vst.idx.add.f32.msk vm1, v10  }
0x3c0: {  	[tilespmem:v4+s2+$0x0] =	vst.idx.add.f32.msk vm2, v2  }
0x3c1: {  	s0 =	simm.s32 $0x10020;
	[tilespmem:v4+s3+$0x0] =	vst.idx.add.f32.msk vm2, v11  }
0x3c2: {  	v3 =	vld [tilespmem:s0+$0xFFFFFFE0]  }
0x3c3: {  	v4 =	vld [tilespmem:s0+$0xFFFFFFF0];
	_ =	sdelay $0x1  }
0x3c4: {  	s1 =	simm.s32 $0x11020;
	(xrf2) =	vadd.scan.msk.f32 $0xffff, v12  }
0x3c5: {  	(xrf2) =	vadd.scan.msk.f32 $0xffff, v13;
	v5 =	vld [tilespmem:s1+$0xFFFFFFE0]  }
0x3c6: {  	(xrf2) =	vadd.scan.msk.f32 $0xffff, v3  }
0x3c7: {  	(xrf2) =	vadd.scan.msk.f32 $0xffff, v4  }
0x3c8: {  	v3 =	vld [tilespmem:s0+$0x0]  }
0x3c9: {  	v4 =	vld [tilespmem:s0+$0x10]  }
0x3ca: {  	(xrf2) =	vadd.scan.msk.f32 $0xffff, v5;
	v5 =	vld [tilespmem:s1+$0xFFFFFFF0];
	_ =	sdelay $0x2  }
0x3cb: {  	(xrf2) =	vadd.scan.msk.f32 $0xffff, v3  }
0x3cc: {  	v3, _, _ =	vpop (xrf2);
	(xrf2) =	vadd.scan.msk.f32 $0xffff, v4  }
0x3cd: {  	(v2sf) =	vpush v3, $0xF;
	(xrf2) =	vadd.scan.msk.f32 $0xffff, v5;
	v5, _, _ =	vpop (xrf2)  }
0x3ce: {  	v4 =	vld [tilespmem:s1+$0x0];
	(v2sf) =	vpush v5, $0xF;
	v3, _, _ =	vpop (xrf2)  }
0x3cf: {  	s13 =	simm.s32 $0x10060;
	v5 =	vld [tilespmem:s1+$0x10];
	(v2sf) =	vpush v3, $0xF;
	v3, _, _ =	vpop (xrf2)  }
0x3d0: {  	(v2sf) =	vpush v3, $0xF;
	v3 =	vld [tilespmem:s13+$0xFFFFFFE0];
	_ =	sdelay $0x2  }
0x3d1: {  	(xrf2) =	vadd.scan.msk.f32 $0xffff, v4  }
0x3d2: {  	(xrf2) =	vadd.scan.msk.f32 $0xffff, v5  }
0x3d3: {  	v6, _, _ =	vpop (xrf2);
	(xrf2) =	vadd.scan.msk.f32 $0xffff, v3;
	_ =	sdelay $0x1  }
0x3d4: {  	(v2sf) =	vpush v6, $0xF;
	v4, _, _ =	vpop (xrf2)  }
0x3d5: {  	(v2sf) =	vpush v4, $0xF;
	v4, _, _ =	vpop (xrf2)  }
0x3d6: {  	s14 =	simm.s32 $0x11060;
	(v2sf) =	vpush v4, $0xF;
	v4, _, _ =	vpop (xrf2);
	v3 =	vld [tilespmem:s13+$0xFFFFFFF0]  }
0x3d7: {  	(v2sf) =	vpush v4, $0xF;
	v4 =	vld [tilespmem:s14+$0xFFFFFFE0];
	_ =	sdelay $0x2  }
0x3d8: {  	v6, _, _ =	vpop (xrf2)  }
0x3d9: {  	v5 =	vld [tilespmem:s13+$0x0];
	s25 =	spop (v2sf);
	(v2sf) =	vpush v6, $0xF;
	(xrf2) =	vadd.scan.msk.f32 $0xffff, v3;
	v3, _, _ =	vpop (xrf2)  }
0x3da: {  	s23 =	spop (v2sf);
	(xrf2) =	vadd.scan.msk.f32 $0xffff, v4;
	(v2sf) =	vpush v3, $0xF;
	v3 =	vld [tilespmem:s13+$0x10];
	v4, _, _ =	vpop (xrf2)  }
0x3db: {  	s5 =	simm.s32 $0x1;
	s15 =	spop (v2sf);
	(v2sf) =	vpush v4, $0xF  }
0x3dc: {  	s5 =	scvt.s32.f32 s5;
	_ =	sdelay $0x1  }
0x3dd: {  	s5 =	smul.f32 $6.103515630e-05, s5;
	(xrf2) =	vadd.scan.msk.f32 $0xffff, v5  }
0x3de: {  	(xrf2) =	vadd.scan.msk.f32 $0xffff, v3  }
0x3df: {  	s17 =	simm.f32 $0.0e+00;
	s5 =	ssub.f32 s16, s5;
	s18 =	spop (v2sf)  }
0x3e0: {  	s19 =	sadd.f32 s15, s17;
	s20 =	spop (v2sf)  }
0x3e1: {  	s6 =	simm.s32 $0x3;
	v4 =	vld [tilespmem:s14+$0xFFFFFFF0];
	s2 =	sadd.f32 s20, s17  }
0x3e2: {  	s6 =	scvt.s32.f32 s6;
	s3 =	sadd.f32 s18, s19  }
0x3e3: {  	s26 =	sadd.f32 s19, s25;
	s4 =	spop (v2sf)  }
0x3e4: {  	s31 =	sadd.f32 s3, s25;
	s21 =	spop (v2sf)  }
0x3e5: {  	s4 =	sadd.f32 s4, s3;
	v3, _, _ =	vpop (xrf2);
	s22 =	spop (v2sf)  }
0x3e6: {  	s8 =	smul.f32 $6.103515630e-05, s6;
	(xrf2) =	vadd.scan.msk.f32 $0xffff, v4;
	v4, _, _ =	vpop (xrf2);
	(v2sf) =	vpush v3, $0xF;
	s3 =	sadd.f32 s22, s2  }
0x3e7: {  	s7 =	sadd.f32 s21, s4;
	(v2sf) =	vpush v4, $0xF;
	v3, _, _ =	vpop (xrf2);
	s9 =	spop (v2sf)  }
0x3e8: {  	s22 =	sadd.f32 s4, s25;
	v4 =	vld [tilespmem:s14+$0x0];
	(v2sf) =	vpush v3, $0xF;
	s10 =	spop (v2sf);
	v3, _, _ =	vpop (xrf2)  }
0x3e9: {  	s4 =	ssub.f32 s16, s8;
	s8 =	spop (v2sf);
	(v2sf) =	vpush v3, $0xF  }
0x3ea: {  	_ = 	snop  }
0x3eb: {  	s28 =	sadd.f32 s2, s23;
	s5 =	smul.f32 s26, s5;
	v3 =	vld [tilespmem:s14+$0x10]  }
0x3ec: {  	s24 =	simm.s32 $0x2  }
0x3ed: {  	s5 =	ssub.f32 s28, s5;
	s2 =	scvt.s32.f32 s24;
	(xrf2) =	vadd.scan.msk.f32 $0xffff, v4  }
0x3ee: {  	s18 =	sadd.f32 s3, s23  }
0x3ef: {  	s2 =	smul.f32 $6.103515630e-05, s2;
	s24 =	sadd.f32 s7, s25  }
0x3f0: {  	s3 =	sadd.f32 s9, s3;
	(xrf2) =	vadd.scan.msk.f32 $0xffff, v3  }
0x3f1: {  	s11 =	simm.s32 $0x4;
	s2 =	ssub.f32 s16, s2  }
0x3f2: {  	s1 =	simm.s32 $0x100A0;
	s4 =	smul.f32 s22, s4;
	s20 =	sadd.f32 s3, s23;
	v5, _, _ =	vpop (xrf2)  }
0x3f3: {  	v6 =	vld [tilespmem:s1+$0xFFFFFFE0];
	s0 =	sadd.f32 s8, s7;
	(v2sf) =	vpush v5, $0xF;
	s7 =	scvt.s32.f32 s11  }
0x3f4: {  	s3 =	sadd.f32 s10, s3;
	s2 =	smul.f32 s31, s2;
	v5 =	vld [tilespmem:s1+$0xFFFFFFF0]  }
0x3f5: {  	s12 =	smul.f32 $6.103515630e-05, s7;
	s13 =	spop (v2sf)  }
0x3f6: {  	s11 =	sadd.f32 $-1.000000000e+00, s5;
	s14 =	spop (v2sf)  }
0x3f7: {  	s6 =	ssub.f32 s16, s12;
	v4, _, _ =	vpop (xrf2);
	s12 =	spop (v2sf)  }
0x3f8: {  	p4 =	sge.f32 s11, $0.0e+00;
	(xrf2) =	vadd.scan.msk.f32 $0xffff, v6;
	s11 =	spop (v2sf);
	(v2sf) =	vpush v4, $0xF  }
0x3f9: {  	s4 =	ssub.f32 s20, s4;
	(xrf2) =	vadd.scan.msk.f32 $0xffff, v5  }
0x3fa: {  	s10 =	simm.s32 $0x110A0;
	s9 =	ssub.f32 s18, s2;
	v4, _, _ =	vpop (xrf2)  }
0x3fb: {  	p1 =	por $0x0, $0x0;
	s29 =	simm.s32 $0x4;
	s4 =	sadd.f32 $-1.000000000e+00, s4;
	v3 =	vld [tilespmem:s10+$0xFFFFFFE0];
	(v2sf) =	vpush v4, $0xF  }
0x3fc: {  	p3 =	por !p1, !p1;
	s19 =	simm.f32 $1.000000000e+00;
	s9 =	sadd.f32 $-1.000000000e+00, s9  }
0x3fd: {  	s21 =	sadd.f32 s3, s23;
	s2 =	simm.s32 $0x8;
	p0 =	sge.f32 s4, $0.0e+00  }
0x3fe: {  	p2 =	sge.f32 s9, $0.0e+00;
	p1 =	por p1, p4;
	s15 =	sadd.f32 s13, s0;
	v5 =	vld [tilespmem:s1+$0x0]  }
0x3ff: {  	s0 =	sadd.f32 s0, s25;
	s13 =	simm.s32 $0x6;
	p5 =	por !p1, !p1  }
0x400: {  	s5 =	smul.f32 s24, s6;
	s8 =	sadd.f32 s14, s3;
	s14 =	simm.s32 $0x8;
	(xrf2) =	vadd.scan.msk.f32 $0xffff, v3  }
0x401: {  	s6 =	simm.s32 $0x5;
	s3 =	scvt.s32.f32 s14;
	s7 =	sadd.f32 s12, s15  }
0x402: {  	p5 =	por !p2, !p5;
	s30 =	sadd.f32 s15, s25;
	v3 =	vld [tilespmem:s10+$0xFFFFFFF0];
	v6, _, _ =	vpop (xrf2);
	s15 =	spop (v2sf)  }
0x403: {  	s14 =	scvt.s32.f32 s13;
	(xrf2) =	vadd.scan.msk.f32 $0xffff, v5;
	v4 =	vld [tilespmem:s1+$0x10];
	(v2sf) =	vpush v6, $0xF;
	v5, _, _ =	vpop (xrf2);
	s9 =	sadd.f32 s15, s8;
	s15 =	simm.s32 $0x7  }
.LBB2_30:
0x404: {  	s12 =	scvt.s32.f32 s15;
	p3 =	por !p4, !p3  }
0x405: {  	s5 =	ssub.f32 s21, s5;
	s4 =	smov.u32 s29;
	s6 =	scvt.s32.f32 s6  }
0x406: {  	s29 =	smov.u32 s2;
	s14 =	smul.f32 $6.103515630e-05, s14;
	s8 =	sadd.f32 s8, s23  }
0x407: {  	s11 =	sadd.f32 s11, s7;
	s13 =	spop (v2sf);
	p3 =	por !p3, !p3  }
0x408: {  	p1 =	por p1, p2;
	s2 =	sadd.s32 $0x4, s2;
	(xrf2) =	vadd.scan.msk.f32 $0xffff, v4;
	s15 =	sadd.f32 $-1.000000000e+00, s5  }
0x409: {  	s7 =	sadd.f32 s7, s25;
	p2 =	por !p1, !p1;
	s12 =	smul.f32 $6.103515630e-05, s12;
	v4 =	vld [tilespmem:s10+$0x0]  }
0x40a: {  	s1 =	sadd.s32 $0x40, s1;
	s3 =	smul.f32 $6.103515630e-05, s3;
	v6, _, _ =	vpop (xrf2);
	(v2sf) =	vpush v5, $0xF;
	s5 =	spop (v2sf)  }
0x40b: {  	p1 =	por p1, p0;
	s6 =	smul.f32 $6.103515630e-05, s6;
	s19 =	smov.u32 @p3 s26;
	(v2sf) =	vpush v6, $0xF;
	(xrf2) =	vadd.scan.msk.f32 $0xffff, v3  }
0x40c: {  	s17 =	smov.u32 @p3 s28;
	p0 =	por !p0, !p2;
	s3 =	ssub.f32 s16, s3;
	v3 =	vld [tilespmem:s10+$0x10]  }
0x40d: {  	p3 =	por !p5, !p5;
	s6 =	ssub.f32 s16, s6;
	p2 =	sge.f32 s15, $0.0e+00;
	v5, _, _ =	vpop (xrf2)  }
0x40e: {  	s28 =	smov.u32 s8;
	s19 =	smov.u32 @p3 s31;
	s15 =	sadd.f32 s9, s23;
	(v2sf) =	vpush v5, $0xF;
	(xrf2) =	vadd.scan.msk.f32 $0xffff, v4  }
0x40f: {  	p6 =	slt.u32 s2, $0xFC;
	s8 =	ssub.f32 s16, s12;
	s6 =	smul.f32 s0, s6  }
0x410: {  	s26 =	smov.u32 s0;
	p4 =	por !p1, !p1;
	s9 =	sadd.f32 s13, s9  }
0x411: {  	s17 =	smov.u32 @p3 s18;
	s0 =	smul.f32 s7, s8;
	p1 =	por p1, p2;
	(xrf2) =	vadd.scan.msk.f32 $0xffff, v3  }
0x412: {  	p0 =	por !p0, !p0;
	s12 =	ssub.f32 s16, s14;
	s8 =	spop (v2sf);
	v3, _, _ =	vpop (xrf2)  }
0x413: {  	s17 =	smov.u32 @p0 s20;
	s13 =	sadd.f32 s11, s25;
	p2 =	por !p2, !p4;
	(v2sf) =	vpush v3, $0xF  }
0x414: {  	s10 =	sadd.s32 $0x40, s10;
	s20 =	sadd.f32 s9, s23;
	v3 =	vld [tilespmem:s1+$0xFFFFFFE0]  }
0x415: {  	s19 =	smov.u32 @p0 s22;
	p0 =	por !p2, !p2;
	s11 =	sadd.f32 s8, s11;
	v4, _, _ =	vpop (xrf2)  }
0x416: {  	s22 =	smov.u32 s7;
	s7 =	sadd.f32 s5, s9;
	s17 =	smov.u32 @p0 s21;
	v5 =	vld [tilespmem:s1+$0xFFFFFFF0];
	(v2sf) =	vpush v4, $0xF  }
0x417: {  	s18 =	smov.u32 s15;
	s19 =	smov.u32 @p0 s24;
	s5 =	ssub.f32 s28, s6  }
0x418: {  	s6 =	smul.f32 s30, s12;
	s24 =	smov.u32 s13;
	s0 =	ssub.f32 s20, s0;
	v4, _, _ =	vpop (xrf2)  }
0x419: {  	s31 =	smov.u32 s30;
	s21 =	sadd.f32 s7, s23;
	(xrf2) =	vadd.scan.msk.f32 $0xffff, v3;
	s9 =	spop (v2sf);
	(v2sf) =	vpush v4, $0xF  }
0x41a: {  	s0 =	sadd.f32 $-1.000000000e+00, s0;
	s8 =	spop (v2sf)  }
0x41b: {  	s6 =	ssub.f32 s18, s6;
	v3, _, _ =	vpop (xrf2)  }
0x41c: {  	s13 =	sadd.f32 $-1.000000000e+00, s5;
	v4 =	vld [tilespmem:s10+$0xFFFFFFE0];
	(xrf2) =	vadd.scan.msk.f32 $0xffff, v5;
	(v2sf) =	vpush v3, $0xF  }
0x41d: {  	s5 =	smul.f32 s24, s3;
	s12 =	spop (v2sf)  }
0x41e: {  	p4 =	sge.f32 s13, $0.0e+00;
	s13 =	sadd.f32 $-1.000000000e+00, s6;
	v5 =	vld [tilespmem:s1+$0x0]  }
0x41f: {  	p3 =	por !p1, !p1;
	p0 =	sge.f32 s0, $0.0e+00;
	s8 =	sadd.f32 s8, s7  }
0x420: {  	s0 =	sadd.s32 $0x8, s4;
	s9 =	sadd.f32 s9, s11  }
0x421: {  	s3 =	scvt.s32.f32 s0;
	s0 =	sadd.f32 s11, s25;
	(xrf2) =	vadd.scan.msk.f32 $0xffff, v4  }
.Ltmp14:
0x422: {  	s6 =	sadd.s32 $0x5, s4;
	s11 =	spop (v2sf);
	(pc) =	sbr.rel @p6 .LBB2_30-.Ltmp14, $4  }
0x423: {  	s14 =	sadd.s32 $0x6, s4;
	p1 =	por p1, p4;
	s7 =	sadd.f32 s12, s9;
	v4 =	vld [tilespmem:s1+$0x10];
	v6, _, _ =	vpop (xrf2)  }
0x424: {  	p2 =	sge.f32 s13, $0.0e+00;
	p5 =	por !p1, !p1;
	s30 =	sadd.f32 s9, s25;
	v3 =	vld [tilespmem:s10+$0xFFFFFFF0];
	(v2sf) =	vpush v6, $0xF;
	(xrf2) =	vadd.scan.msk.f32 $0xffff, v5  }
0x425: {  	s14 =	scvt.s32.f32 s14;
	s9 =	spop (v2sf)  }
0x426: {  	s15 =	sadd.s32 $0x7, s4;
	p5 =	por !p2, !p5;
	v5, _, _ =	vpop (xrf2);
	s9 =	sadd.f32 s9, s8  }
0x427: {  	_ = 	snop  }
0x428: {  	(xrf2) =	vadd.scan.msk.f32 $0xffff, v4;
	_ =	sdelay $0x5  }
0x429: {  	(v2sf) =	vpush v5, $0xF  }
0x42a: {  	v4, _, _ =	vpop (xrf2)  }
0x42b: {  	s12 =	ssub.f32 s21, s5;
	(v2sf) =	vpush v4, $0xF;
	v4, _, _ =	vpop (xrf2)  }
0x42c: {  	s1 =	sadd.f32 s11, s7;
	(v2sf) =	vpush v4, $0xF  }
0x42d: {  	s2 =	sadd.f32 s7, s25;
	v4, _, _ =	vpop (xrf2)  }
0x42e: {  	p3 =	por !p4, !p3;
	s13 =	spop (v2sf);
	s12 =	sadd.f32 $-1.000000000e+00, s12;
	(v2sf) =	vpush v4, $0xF  }
0x42f: {  	s14 =	smul.f32 $6.103515630e-05, s14;
	p3 =	por !p3, !p3;
	s13 =	sadd.f32 s13, s9;
	(xrf2) =	vadd.scan.msk.f32 $0xffff, v3  }
0x430: {  	s19 =	smov.u32 @p3 s26;
	s17 =	smov.u32 @p3 s28;
	p3 =	sge.f32 s12, $0.0e+00  }
0x431: {  	s14 =	ssub.f32 s16, s14;
	s11 =	spop (v2sf)  }
0x432: {  	v5 =	vld [tilespmem:s10+$0x10];
	s11 =	sadd.f32 s11, s13;
	s12 =	simm.s32 @!p3 $0x0  }
0x433: {  	s12 =	simm.s32 @p3 $0x1;
	v4 =	vld [tilespmem:s10+$0x0];
	[dreg:$0xe] =	wrdreg s2  }
0x434: {  	p3 =	por !p5, !p5;
	s4 =	spop (v2sf);
	[smem:$0x7DE] =	sst s12  }
0x435: {  	s12 =	simm.s32 @!p3 $0x0;
	s2 =	sadd.f32 s4, s1  }
0x436: {  	s1 =	sadd.f32 s1, s25;
	s12 =	simm.s32 @p3 $0x1  }
0x437: {  	[smem:$0x7E7] =	sst s12  }
0x438: {  	[dreg:$0xc] =	wrdreg s1;
	s7 =	spop (v2sf);
	(xrf2) =	vadd.scan.msk.f32 $0xffff, v4  }
0x439: {  	v3, _, _ =	vpop (xrf2);
	s1 =	sadd.f32 s7, s2  }
0x43a: {  	s5 =	sadd.f32 s2, s25;
	(v2sf) =	vpush v3, $0xF;
	(xrf2) =	vadd.scan.msk.f32 $0xffff, v5;
	s4 =	spop (v2sf)  }
0x43b: {  	s7 =	sadd.f32 s1, s25;
	s10 =	spop (v2sf)  }
0x43c: {  	s10 =	sadd.f32 s10, s1  }
0x43d: {  	s4 =	sadd.f32 s4, s11;
	s2 =	spop (v2sf)  }
0x43e: {  	s1 =	sadd.f32 s2, s10  }
0x43f: {  	s2 =	scvt.s32.f32 s6;
	s6 =	sadd.f32 s10, s25  }
0x440: {  	s15 =	scvt.s32.f32 s15;
	s10 =	sadd.f32 s8, s23  }
0x441: {  	s8 =	sadd.f32 s13, s23  }
0x442: {  	s15 =	smul.f32 $6.103515630e-05, s15;
	v3, _, _ =	vpop (xrf2);
	s1 =	sadd.f32 s1, s25  }
0x443: {  	(v2sf) =	vpush v3, $0xF;
	s25 =	sadd.f32 s9, s23  }
0x444: {  	v3, _, _ =	vpop (xrf2);
	s13 =	smul.f32 $6.103515630e-05, s3;
	s9 =	ssub.f32 s16, s15  }
0x445: {  	(v2sf) =	vpush v3, $0xF;
	s2 =	smul.f32 $6.103515630e-05, s2;
	s15 =	rddreg [dreg:$0xe]  }
0x446: {  	s3 =	sadd.f32 s11, s23;
	s9 =	smul.f32 s15, s9  }
0x447: {  	s2 =	ssub.f32 s16, s2  }
0x448: {  	s26 =	smul.f32 s30, s14;
	s9 =	ssub.f32 s8, s9  }
0x449: {  	s13 =	ssub.f32 s16, s13;
	s14 =	spop (v2sf)  }
0x44a: {  	s2 =	smul.f32 s0, s2;
	s9 =	sadd.f32 $-1.000000000e+00, s9  }
0x44b: {  	s12 =	sadd.f32 s14, s4  }
0x44c: {  	s19 =	smov.u32 @p3 s31;
	s2 =	ssub.f32 s10, s2;
	p3 =	sge.f32 s9, $0.0e+00  }
0x44d: {  	s11 =	ssub.f32 s25, s26  }
0x44e: {  	s2 =	sadd.f32 $-1.000000000e+00, s2;
	s9 =	simm.s32 @!p3 $0x0  }
0x44f: {  	s11 =	sadd.f32 $-1.000000000e+00, s11;
	s9 =	simm.s32 @p3 $0x1  }
0x450: {  	s26 =	sadd.s32 $0x5, s29;
	p3 =	sge.f32 s2, $0.0e+00;
	[smem:$0x7E0] =	sst s9  }
0x451: {  	s9 =	sadd.f32 s4, s23;
	s4 =	scvt.s32.f32 s26  }
0x452: {  	s26 =	sadd.f32 s12, s23;
	s28 =	spop (v2sf);
	s2 =	simm.s32 @!p3 $0x0  }
0x453: {  	s14 =	sadd.f32 s28, s12;
	s2 =	simm.s32 @p3 $0x1  }
0x454: {  	s31 =	spop (v2sf);
	[smem:$0x7DF] =	sst s2  }
0x455: {  	s12 =	sadd.f32 s31, s14  }
0x456: {  	s4 =	smul.f32 $6.103515630e-05, s4;
	s28 =	sadd.f32 s14, s23  }
0x457: {  	s14 =	rddreg [dreg:$0xc]  }
0x458: {  	p6 =	sge.f32 s11, $0.0e+00;
	s4 =	ssub.f32 s16, s4  }
0x459: {  	s31 =	smul.f32 s14, s13;
	s23 =	sadd.f32 s12, s23;
	s12 =	sadd.s32 $0x7, s29  }
0x45a: {  	s13 =	sadd.s32 $0x6, s29;
	s4 =	smul.f32 s5, s4;
	s11 =	scvt.s32.f32 s12  }
0x45b: {  	s2 =	ssub.f32 s3, s31;
	s12 =	scvt.s32.f32 s13;
	s31 =	sadd.s32 $0x8, s29  }
0x45c: {  	s13 =	scvt.s32.f32 s31;
	s4 =	ssub.f32 s9, s4  }
0x45d: {  	s2 =	sadd.f32 $-1.000000000e+00, s2;
	s11 =	smul.f32 $6.103515630e-05, s11  }
0x45e: {  	s12 =	smul.f32 $6.103515630e-05, s12;
	s4 =	sadd.f32 $-1.000000000e+00, s4  }
0x45f: {  	s13 =	smul.f32 $6.103515630e-05, s13;
	s11 =	ssub.f32 s16, s11  }
0x460: {  	p5 =	sge.f32 s2, $0.0e+00;
	s2 =	ssub.f32 s16, s12  }
0x461: {  	p1 =	por p1, p2;
	s12 =	ssub.f32 s16, s13;
	p2 =	sge.f32 s4, $0.0e+00  }
0x462: {  	p4 =	por !p1, !p1;
	s16 =	sld [smem:$0x7DE]  }
0x463: {  	s29 =	sld [smem:$0x7DF];
	s2 =	smul.f32 s7, s2;
	s4 =	simm.s32 @!p2 $0x0  }
0x464: {  	p4 =	por !p0, !p4;
	s4 =	simm.s32 @p2 $0x1;
	p2 =	por p1, p0  }
0x465: {  	p1 =	seq.s32 s16, $0x1;
	s2 =	ssub.f32 s26, s2;
	p3 =	por !p2, !p2  }
0x466: {  	p2 =	por p2, p1;
	p0 =	por !p1, !p3;
	p1 =	seq.s32 s29, $0x1  }
0x467: {  	[smem:$0x7E2] =	sst s4;
	s4 =	simm.s32 @!p0 $0x0;
	p3 =	por p2, p1  }
0x468: {  	s31 =	sld [smem:$0x7E0];
	s4 =	simm.s32 @p0 $0x1;
	p0 =	por !p3, !p3  }
0x469: {  	s2 =	sadd.f32 $-1.000000000e+00, s2;
	p2 =	por !p2, !p2;
	p0 =	por !p6, !p0  }
0x46a: {  	p3 =	por p3, p6;
	[smem:$0x7E1] =	sst s4;
	s4 =	simm.s32 @!p0 $0x0  }
0x46b: {  	s4 =	simm.s32 @p0 $0x1;
	p0 =	por !p1, !p2;
	p2 =	seq.s32 s31, $0x1  }
0x46c: {  	s31 =	smul.f32 s1, s12;
	[smem:$0x7E4] =	sst s4;
	s4 =	simm.s32 @!p0 $0x0  }
0x46d: {  	s16 =	sld [smem:$0x7E1];
	s4 =	simm.s32 @p0 $0x1;
	p0 =	por !p3, !p3  }
0x46e: {  	s13 =	smul.f32 s6, s11;
	s12 =	ssub.f32 s23, s31;
	p0 =	por !p2, !p0  }
0x46f: {  	p3 =	por p3, p2;
	[smem:$0x7E3] =	sst s4;
	s4 =	simm.s32 @!p0 $0x0  }
0x470: {  	p2 =	por !p3, !p3;
	s29 =	sld [smem:$0x7E3];
	s4 =	simm.s32 @p0 $0x1  }
0x471: {  	p0 =	por !p5, !p2;
	[smem:$0x7E5] =	sst s4  }
0x472: {  	s11 =	simm.s32 @!p0 $0x0;
	s4 =	ssub.f32 s28, s13  }
0x473: {  	p6 =	por p3, p5;
	s11 =	simm.s32 @p0 $0x1;
	s13 =	sld [smem:$0x7E5]  }
0x474: {  	p3 =	seq.s32 s16, $0x1;
	p0 =	por !p4, !p4;
	[smem:$0x7E6] =	sst s11  }
0x475: {  	p1 =	por !p3, !p3;
	s19 =	smov.u32 @p0 s22;
	s22 =	sld [smem:$0x7E2]  }
0x476: {  	p4 =	por !p6, !p6;
	s11 =	simm.s32 @!p0 $0x0;
	s4 =	sadd.f32 $-1.000000000e+00, s4  }
0x477: {  	s11 =	simm.s32 @p0 $0x1;
	p0 =	sge.f32 s2, $0.0e+00;
	s2 =	sld [smem:$0x7E4]  }
0x478: {  	p3 =	seq.s32 s29, $0x1;
	[smem:$0x7E8] =	sst s11;
	s11 =	simm.s32 @!p1 $0x0  }
0x479: {  	s19 =	smov.u32 @p1 s24;
	s11 =	simm.s32 @p1 $0x1;
	p5 =	seq.s32 s22, $0x1  }
0x47a: {  	p2 =	por p6, p5;
	p6 =	por !p5, !p4;
	p4 =	seq.s32 s2, $0x1  }
0x47b: {  	p1 =	por !p3, !p3;
	[smem:$0x7E9] =	sst s11;
	p3 =	por !p4, !p4  }
0x47c: {  	s11 =	simm.s32 @!p1 $0x0;
	s19 =	smov.u32 @p1 s0;
	s0 =	simm.s32 @!p3 $0x0  }
0x47d: {  	s19 =	smov.u32 @p3 s30;
	s0 =	simm.s32 @p3 $0x1;
	p3 =	seq.s32 s13, $0x1  }
0x47e: {  	s11 =	simm.s32 @p1 $0x1;
	p5 =	por !p2, !p2;
	p1 =	por !p3, !p3  }
0x47f: {  	p4 =	sge.f32 s4, $0.0e+00;
	s19 =	smov.u32 @p1 s15;
	s15 =	sld [smem:$0x7E6]  }
0x480: {  	s16 =	sld [smem:$0x7E7];
	p5 =	por !p0, !p5;
	p0 =	por p2, p0  }
0x481: {  	p2 =	por !p0, !p0;
	[smem:$0x7EB] =	sst s0;
	p3 =	por p0, p4  }
0x482: {  	p2 =	por !p4, !p2;
	s2 =	simm.s32 @!p1 $0x0;
	p4 =	seq.s32 s15, $0x1  }
0x483: {  	s0 =	sadd.f32 $-1.000000000e+00, s12;
	s2 =	simm.s32 @p1 $0x1;
	p0 =	por !p4, !p4  }
0x484: {  	[smem:$0x7EC] =	sst s2;
	s2 =	simm.s32 @!p0 $0x0  }
0x485: {  	s19 =	smov.u32 @p0 s14;
	s2 =	simm.s32 @p0 $0x1;
	p0 =	sge.f32 s0, $0.0e+00  }
0x486: {  	p4 =	por !p5, !p5;
	p5 =	por !p3, !p3  }
0x487: {  	[smem:$0x7EA] =	sst s11;
	p1 =	por !p0, !p5;
	p5 =	seq.s32 s16, $0x1  }
0x488: {  	s17 =	smov.u32 @p5 s18;
	s18 =	sld [smem:$0x7E8]  }
0x489: {  	s22 =	sld [smem:$0x7EA]  }
0x48a: {  	s24 =	sld [smem:$0x7EB]  }
0x48b: {  	p6 =	por !p6, !p6;
	s29 =	sld [smem:$0x7EC];
	p5 =	seq.s32 s18, $0x1  }
0x48c: {  	s19 =	smov.u32 @p6 s5;
	s17 =	smov.u32 @p5 s20;
	s20 =	sld [smem:$0x7E9]  }
0x48d: {  	p2 =	por !p2, !p2;
	[smem:$0x7ED] =	sst s2;
	s19 =	smov.u32 @p4 s7  }
0x48e: {  	s19 =	smov.u32 @p2 s6;
	p0 =	por p3, p0;
	p1 =	por !p1, !p1  }
0x48f: {  	s30 =	sld [smem:$0x7ED];
	s19 =	smov.u32 @p1 s1;
	p3 =	seq.s32 s20, $0x1  }
0x490: {  	s1 =	smov.u32 @p0 s19;
	s17 =	smov.u32 @p3 s21;
	p3 =	seq.s32 s22, $0x1  }
0x491: {  	v3 =	vmov s1;
	s17 =	smov.u32 @p3 s10;
	p3 =	seq.s32 s24, $0x1  }
0x492: {  	(erf) = vrcp.f32 v3;
	s17 =	smov.u32 @p3 s25;
	p3 =	seq.s32 s29, $0x1  }
0x493: {  	s17 =	smov.u32 @p3 s8;
	p3 =	seq.s32 s30, $0x1  }
0x494: {  	s17 =	smov.u32 @p3 s3  }
0x495: {  	s17 =	smov.u32 @p6 s9  }
0x496: {  	s17 =	smov.u32 @p4 s26  }
0x497: {  	s17 =	smov.u32 @p2 s28  }
0x498: {  	s0 =	simm.s32 $0x8070;
	s17 =	smov.u32 @p1 s23  }
0x499: {  	v5 =	vld [tilespmem:s0+$0x0];
	s23 =	smov.u32 @p0 s17  }
0x49a: {  	v7 =	vld [tilespmem:s0+$0xFFFFFFA0];
	s31 =	sadd.f32 $-1.000000000e+00, s23  }
0x49b: {  	v9 =	vld [tilespmem:s0+$0xFFFFFFB0];
	v3 =	vpop (erf)  }
0x49c: {  	v8 =	vld [tilespmem:s0+$0xFFFFFFC0];
	v3 =	vmul.f32 s31, v3  }
0x49d: {  	v6 =	vld [tilespmem:s0+$0xFFFFFFD0]  }
0x49e: {  	v4 =	vld [tilespmem:s0+$0xFFFFFFE0];
	v11 =	vsub.f32 v5, v3  }
0x49f: {  	v5 =	vld [tilespmem:s0+$0xFFFFFFF0];
	v10 =	vsub.f32 v7, v3  }
0x4a0: {  	s2 =	simm.s32 $0x80F0;
	s1 =	simm.s32 $0x0;
	v7 =	vld [tilespmem:s0+$0xFFFFFF90];
	v9 =	vsub.f32 v9, v3;
	v11 =	vmax.f32 v11, $0.0e+00  }
.LBB2_32:
0x4a1: {  	v12 =	vld [tilespmem:s2+$0x0];
	s1 =	sadd.s32 $0x8, s1;
	v10 =	vmax.f32 v10, $0.0e+00;
	v8 =	vsub.f32 v8, v3;
	[tilespmem:s0+$0x0] =	vst v11  }
0x4a2: {  	v11 =	vld [tilespmem:s2+$0xFFFFFFA0];
	p0 =	slt.u32 s1, $0x7F8;
	[tilespmem:s0+$0xFFFFFFA0] =	vst v10;
	v9 =	vmax.f32 v9, $0.0e+00;
	v6 =	vsub.f32 v6, v3  }
0x4a3: {  	v13 =	vld [tilespmem:s2+$0xFFFFFFB0];
	[tilespmem:s0+$0xFFFFFFB0] =	vst v9;
	v9 =	vmax.f32 v8, $0.0e+00;
	v4 =	vsub.f32 v4, v3  }
.Ltmp15:
0x4a4: {  	v8 =	vld [tilespmem:s2+$0xFFFFFFC0];
	[tilespmem:s0+$0xFFFFFFC0] =	vst v9;
	v9 =	vmax.f32 v6, $0.0e+00;
	v5 =	vsub.f32 v5, v3;
	(pc) =	sbr.rel @p0 .LBB2_32-.Ltmp15, $4  }
0x4a5: {  	v6 =	vld [tilespmem:s2+$0xFFFFFFD0];
	v7 =	vsub.f32 v7, v3;
	[tilespmem:s0+$0xFFFFFFD0] =	vst v9;
	v9 =	vmax.f32 v4, $0.0e+00  }
0x4a6: {  	v4 =	vld [tilespmem:s2+$0xFFFFFFE0];
	v12 =	vsub.f32 v12, v3;
	[tilespmem:s0+$0xFFFFFFE0] =	vst v9;
	v9 =	vmax.f32 v5, $0.0e+00  }
0x4a7: {  	v10 =	vsub.f32 v11, v3;
	v5 =	vld [tilespmem:s2+$0xFFFFFFF0];
	v14 =	vmax.f32 v7, $0.0e+00;
	[tilespmem:s0+$0xFFFFFFF0] =	vst v9  }
0x4a8: {  	v7 =	vld [tilespmem:s2+$0xFFFFFF90];
	v9 =	vsub.f32 v13, v3;
	v11 =	vmax.f32 v12, $0.0e+00;
	[tilespmem:s0+$0xFFFFFF90] =	vst v14;
	s0 =	smov.u32 s2;
	s2 =	sadd.s32 $0x80, s2  }
0x4a9: {  	v10 =	vmax.f32 v10, $0.0e+00;
	v8 =	vsub.f32 v8, v3;
	[tilespmem:s0+$0x0] =	vst v11  }
0x4aa: {  	[tilespmem:s0+$0xFFFFFFA0] =	vst v10;
	v9 =	vmax.f32 v9, $0.0e+00;
	v6 =	vsub.f32 v6, v3  }
0x4ab: {  	[tilespmem:s0+$0xFFFFFFB0] =	vst v9;
	v8 =	vmax.f32 v8, $0.0e+00;
	v4 =	vsub.f32 v4, v3  }
0x4ac: {  	[tilespmem:s0+$0xFFFFFFC0] =	vst v8;
	v6 =	vmax.f32 v6, $0.0e+00;
	v5 =	vsub.f32 v5, v3  }
0x4ad: {  	v3 =	vsub.f32 v7, v3;
	[tilespmem:s0+$0xFFFFFFD0] =	vst v6;
	v4 =	vmax.f32 v4, $0.0e+00  }
0x4ae: {  	[tilespmem:s0+$0xFFFFFFE0] =	vst v4;
	v63 =	vmax.f32 v5, $0.0e+00  }
0x4af: {  	v3 =	vmax.f32 v3, $0.0e+00;
	[tilespmem:s0+$0xFFFFFFF0] =	vst v63  }
0x4b0: {  	s1 =	simm.s32 $0x2;
	[tilespmem:s0+$0xFFFFFF90] =	vst v3  }
0x4b1: {  	_ =	swait.ge [sflag:s1], $0x8000  }
0x4b2: {  	s2 =	simm.s32 $0x80;
	s3 =	simm.s32 $0x400;
	[sflag:s1] =	ssyncset.done $0x0  }
0x4b3: {  	s4 =	simm.s32 $0x8000;
	s30 =	rddreg [dreg:$0x8];
	[sflag:s1] =	ssyncadd.s32 $0xFFFF8000  }
0x4b4: {  	[hbm4b:s30+s2] =	stream.strided.scatter [tilespmem:s4], [sflag:$0x2], $0x8000, s3, s2, $0x38;
	[tilespmem:$0x12000] =	vst v63  }
0x4b5: {  	_ =	swait.ge [sflag:s1], $0x8000  }
0x4b6: {  	s7 =	rddreg [dreg:$0xa]  }
0x4b7: {  	s31 =	rddreg [dreg:$0x9];
	s7 =	sadd.s32 $0x1, s7  }
0x4b8: {  	p0 =	sne.s32 s7, s31  }
.Ltmp16:
0x4b9: {  	_ = 	snop;
	(pc) =	sbr.rel @p0 .LBB2_1-.Ltmp16, $3  }
0x4ba: {  	_ =	sdelay $0x1  }
0x4bb: {  	[sflag:s1] =	ssyncset.done $0x0  }
0x4bc: {  	s5 =	simm.s32 $0x10000;
	s6 =	simm.s32 $0x11000;
	[sflag:s1] =	ssyncadd.s32 $0xFFFF8000  }
0x4bd: {  	_ =	sfence.sel $0x180000  }
0x4be: {  	[bflag:$0x0] =	sbarrier.arrive $0xFFFF  }
0x4bf: {  	_ =	strace $0x90000047  }
0x4c0: {  	s0 =	stileid.u32;
	[bflag:$0x2] =	sbarrier.arrive $0xFFFF  }
0x4c1: {  	p0 =	sne.s32 s0, $0x0;
	s0 =	rddreg [dreg:$0x2]  }
0x4c2: {  	s0 =	sadd.s32 @!p0 $0x100000, s0  }
0x4c3: {  	[sflag:s0] =	ssyncadd.tile.s32 @!p0 $0x1;
	_ =	shalt  }
.Lfunc_end2:
_tile_overlayer_lowered:
.L_overlay_start_2:
0x4c4: {  	(tag) =	ssettag $0x2  }
0x4c5: {  	s0 =	rddreg [dreg:$0x0];
	s2 =	stileid.u32  }
0x4c6: {  	s1 =	rddreg [dreg:$0x1];
	p0 =	sne.s32 s2, $0x0  }
0x4c7: {  	s3 =	rddreg [dreg:$0x2];
	[bflag:$0x3] =	sbarrier.arrive $0xFFFF;
	s2 =	simm.s32 @!p0 $0x1C03  }
0x4c8: {  	[timem:s3], [sflag:s2] =	dma.local @!p0 [hbm:s0], s1  }
0x4c9: {  	s0 =	simm.s32 @!p0 $0x3  }
0x4ca: {  	_ =	swait.ge @!p0 [sflag:s0], s1  }
0x4cb: {  	s1 =	ssub.s32 @!p0 $0x0, s1;
	[sflag:s0] =	ssyncset.done @!p0 $0x0  }
0x4cc: {  	[sflag:s0] =	ssyncadd.s32 @!p0 s1  }
0x4cd: {  	[bflag:$0x3] =	sbarrier.arrive $0xFFFF  }
0x4ce: {  	_ =	shalt  }

</sc_bundles>
